<compile_context>
chip_gen: v7x
topology: tpu7x:2x2x1
jax: 0.10.2.dev20260603
libtpu: 0.0.44.dev20260713+nightly
codegen_flags: <defaults>
</compile_context>

<pallas_src>
import functools

import numpy as _np

import jax
import jax.numpy as jnp
from jax import lax
from jax.experimental import pallas as pl
from jax.experimental.pallas import tpu as pltpu
from jax.experimental.pallas import tpu_sc as plsc

N = 50000
R = 8
E = 75000
D = 128

NE = R * E
NEP = 600064
EPW = NEP // 16
SEG = 9376
NSEG = EPW // SEG
NVEC = SEG // 16
K = 128
THRESH = K - 32
NCHUNK = 6
CH = 8448
CPT = CH // 16
OUTP = NCHUNK * CH

_MESH = plsc.VectorSubcoreMesh(core_axis_name="c", subcore_axis_name="s")


@functools.partial(
    pl.kernel,
    out_type=jax.ShapeDtypeStruct((OUTP, D), jnp.float32),
    mesh=_MESH,
    compiler_params=pltpu.CompilerParams(needs_layout_passes=False,
                                         use_tc_tiling_on_sc=False),
    scratch_types=[
        pltpu.VMEM((SEG,), jnp.int32),
        pltpu.VMEM((SEG,), jnp.int32),
        pltpu.VMEM((SEG,), jnp.float32),
        pltpu.VMEM((K,), jnp.int32),
        pltpu.VMEM((K,), jnp.int32),
        pltpu.VMEM((K,), jnp.float32),
        pltpu.VMEM((K, D // 2), jnp.int32),
        pltpu.VMEM((K, D), jnp.float32),
        pltpu.VMEM_SHARED((CH, D), jnp.float32),
        pltpu.SemaphoreType.DMA,
        pltpu.SemaphoreType.DMA,
    ],
)
def _sc_scatter(rows_hbm, cols_hbm, w_hbm, y_hbm, out_hbm,
                seg_rows, seg_cols, seg_w, b_cols, b_rows, b_w, g_buf, s_buf,
                acc, sem, sem2):
    c = lax.axis_index("c")
    s = lax.axis_index("s")
    zero16f = jnp.zeros((16,), jnp.float32)
    zero16i = jnp.zeros((16,), jnp.int32)

    for i in range(K // 16):
        b_w[pl.ds(i * 16, 16)] = zero16f
        b_cols[pl.ds(i * 16, 16)] = zero16i
        b_rows[pl.ds(i * 16, 16)] = zero16i

    ebase = s * EPW

    def flush():
        pltpu.async_copy(y_hbm.at[b_cols], g_buf, sem).wait()

        def scale_body(k, carry):
            wspl = plsc.load_gather(b_w, [zero16i + k])
            for j in range(D // 32):
                xi = g_buf[k, pl.ds(j * 16, 16)]
                x = plsc.bitcast(xi, jnp.bfloat16)
                a, b = plsc.unpack(x, format=plsc.PackFormat.INTERLEAVED)
                s_buf[k, pl.ds(j * 32, 16)] = a * wspl
                s_buf[k, pl.ds(j * 32 + 16, 16)] = b * wspl
            return carry

        lax.fori_loop(0, K, scale_body, 0)
        pltpu.sync_copy(s_buf, acc.at[b_rows], add=True)
        for i in range(K // 16):
            b_w[pl.ds(i * 16, 16)] = zero16f

    for chunk in range(NCHUNK // 2):
        lo = (c * (NCHUNK // 2) + chunk) * CH
        abase = s * CPT

        def zero_sbuf(k, carry):
            for j in range(D // 16):
                s_buf[k, pl.ds(j * 16, 16)] = zero16f
            return carry

        lax.fori_loop(0, K, zero_sbuf, 0)
        nfull = CPT // K
        for t in range(nfull):
            pltpu.sync_copy(s_buf, acc.at[pl.ds(abase + t * K, K)])
        rem = CPT - nfull * K
        if rem:
            pltpu.sync_copy(s_buf.at[pl.ds(0, rem)],
                            acc.at[pl.ds(abase + nfull * K, rem)])
        plsc.subcore_barrier()

        def seg_body(sg, nbuf):
            off = ebase + sg * SEG
            pltpu.sync_copy(rows_hbm.at[pl.ds(off, SEG)], seg_rows)
            pltpu.sync_copy(cols_hbm.at[pl.ds(off, SEG)], seg_cols)
            pltpu.sync_copy(w_hbm.at[pl.ds(off, SEG)], seg_w)

            def scan_body(i, nb):
                nb2 = nb
                for u in range(2):
                    o = i * 32 + u * 16
                    rv = seg_rows[pl.ds(o, 16)]
                    lrv = rv - lo
                    m = lrv.astype(jnp.uint32) < jnp.uint32(CH)
                    cv = seg_cols[pl.ds(o, 16)]
                    wv = seg_w[pl.ds(o, 16)]
                    mi = m.astype(jnp.int32)
                    incl = plsc.cumsum(mi)
                    idx = (incl - mi) + nb2
                    plsc.store_scatter(b_cols, [idx], cv, mask=m)
                    plsc.store_scatter(b_rows, [idx], lrv, mask=m)
                    plsc.store_scatter(b_w, [idx], wv, mask=m)
                    cnt = plsc.all_reduce_population_count(m)
                    nb2 = nb2 + cnt[0]

                @pl.when(nb2 >= THRESH)
                def _():
                    flush()

                return jnp.where(nb2 >= THRESH, 0, nb2)

            return lax.fori_loop(0, NVEC // 2, scan_body, nbuf)

        lax.fori_loop(0, NSEG, seg_body, 0)
        flush()
        plsc.subcore_barrier()

        pltpu.sync_copy(acc.at[pl.ds(abase, CPT)],
                        out_hbm.at[pl.ds(lo + abase, CPT)])
        plsc.subcore_barrier()


def _w_body(rel_ref, W1_ref, b1_ref, W2t_ref, vals_ref, w_ref):
    h = jnp.tanh(jnp.dot(rel_ref[...], W1_ref[...],
                         preferred_element_type=jnp.float32) + b1_ref[...])
    logit = jnp.sum(h * W2t_ref[...], axis=1, keepdims=True)
    w_ref[...] = vals_ref[...] * jax.nn.sigmoid(logit)


def _mm_body(x_ref, w_ref, y_ref):
    y_ref[...] = jnp.dot(x_ref[...], w_ref[...],
                         preferred_element_type=jnp.float32).astype(jnp.bfloat16)


def kernel(ent_mat, rel_mat, adj_rows, adj_cols, adj_vals, weight_ent, W1, b1, W2):
    w2d = pl.pallas_call(
        _w_body,
        out_shape=jax.ShapeDtypeStruct((R, E), jnp.float32),
    )(rel_mat, W1, b1.reshape(1, D), W2.reshape(1, D), adj_vals)

    perm = _np.empty((D,), dtype=_np.int32)
    for g in range(D // 32):
        for i in range(16):
            perm[g * 32 + 2 * i] = g * 32 + i
            perm[g * 32 + 2 * i + 1] = g * 32 + 16 + i
    w_ent_p = weight_ent[:, perm]

    BM = 1000
    y = pl.pallas_call(
        _mm_body,
        grid=(N // BM,),
        in_specs=[pl.BlockSpec((BM, D), lambda i: (i, 0)),
                  pl.BlockSpec((D, D), lambda i: (0, 0))],
        out_specs=pl.BlockSpec((BM, D), lambda i: (i, 0)),
        out_shape=jax.ShapeDtypeStruct((N, D), jnp.bfloat16),
    )(ent_mat, w_ent_p)

    pad = NEP - NE
    rows_f = jnp.concatenate(
        [adj_rows.reshape(-1), jnp.full((pad,), 2 ** 30, jnp.int32)])
    cols_f = jnp.concatenate(
        [adj_cols.reshape(-1), jnp.zeros((pad,), jnp.int32)])
    w_f = jnp.concatenate([w2d.reshape(-1), jnp.zeros((pad,), jnp.float32)])

    y32 = jax.lax.bitcast_convert_type(y.reshape(N, D // 2, 2), jnp.int32)
    out_p = _sc_scatter(rows_f, cols_f, w_f, y32)
    return out_p[:N], rel_mat

# --- scband reference (transcript-rebuilt; emitter-appended) ---
"""Pipeline reference for scband-hgnlayer-38371237822894 (READ-ONLY COPY).

The authoritative reference and input builder live on the scoring server;
editing this copy changes nothing except your own understanding.
"""

import jax, jax.numpy as jnp
import numpy as np

N = 50000
R = 8
E = 75000
D_IN = 128
D_OUT = 128


def setup_inputs(seed: int = 0) -> dict:
    key = jax.random.key(seed)
    ks = jax.random.split(key, 10)
    ent_mat = jax.random.normal(ks[0], (N, D_IN), dtype=jnp.float32)
    rel_mat = jax.random.normal(ks[1], (R, D_IN), dtype=jnp.float32)
    adj_rows = jax.random.randint(ks[2], (R, E), 0, N, dtype=jnp.int32)
    adj_cols = jax.random.randint(ks[3], (R, E), 0, N, dtype=jnp.int32)
    adj_vals = jax.random.uniform(ks[4], (R, E), dtype=jnp.float32)
    # xavier_uniform for weight_ent: a = sqrt(6/(fan_in+fan_out))
    a_we = float(np.sqrt(6.0 / (D_IN + D_OUT)))
    weight_ent = jax.random.uniform(ks[5], (D_IN, D_OUT), minval=-a_we, maxval=a_we, dtype=jnp.float32)
    # project: Linear(D_IN, D_OUT, bias=True) -> Tanh -> Linear(D_OUT, 1, bias=False)
    a1 = float(1.0 / np.sqrt(D_IN))
    W1 = jax.random.uniform(ks[6], (D_IN, D_OUT), minval=-a1, maxval=a1, dtype=jnp.float32)
    b1 = jax.random.uniform(ks[7], (D_OUT,), minval=-a1, maxval=a1, dtype=jnp.float32)
    a2 = float(1.0 / np.sqrt(D_OUT))
    W2 = jax.random.uniform(ks[8], (D_OUT, 1), minval=-a2, maxval=a2, dtype=jnp.float32)
    return {
        'ent_mat': ent_mat,
        'rel_mat': rel_mat,
        'adj_rows': adj_rows,
        'adj_cols': adj_cols,
        'adj_vals': adj_vals,
        'weight_ent': weight_ent,
        'W1': W1,
        'b1': b1,
        'W2': W2,
    }


def reference(ent_mat, rel_mat, adj_rows, adj_cols, adj_vals, weight_ent, W1, b1, W2):
    # torch.spmm(adjacency, ent_mat): out[row] += val * ent_mat[col]
    def spmm(rows, cols, vals):
        gathered = vals[:, None] * jnp.take(ent_mat, cols, axis=0)
        return jax.ops.segment_sum(gathered, rows, num_segments=N)
    supports = jax.vmap(spmm)(adj_rows, adj_cols, adj_vals)  # [R, N, D_IN]
    # weight = project(rel_mat)
    h = jnp.tanh(rel_mat @ W1 + b1)          # [R, D_OUT]
    weight = h @ W2                           # [R, 1]
    alpha = jax.nn.sigmoid(weight)[:, None, :]  # [R, 1, 1]
    supports = supports * alpha
    ent_output = jnp.sum(jnp.einsum('rnd,do->rno', supports, weight_ent), axis=0)  # [N, D_OUT]
    return (ent_output, rel_mat)

if __name__ == "__main__":
    import jax
    _d = setup_inputs()
    print(jax.jit(kernel)(*tuple(_d.values())))

</pallas_src>

<mosaic_0001>
#map = affine_map<(d0, d1) -> (0)>
#map1 = affine_map<(d0, d1) -> (0, 0)>
module attributes {stable_mosaic.version = 14 : i64} {
  func.func @_sc_scatter(%arg0: i32, %arg1: i32, %arg2: memref<600064xi32, #tpu.memory_space<hbm>>, %arg3: memref<600064xi32, #tpu.memory_space<hbm>>, %arg4: memref<600064xf32, #tpu.memory_space<hbm>>, %arg5: memref<50000x64xi32, #tpu.memory_space<hbm>>, %arg6: memref<50688x128xf32, #tpu.memory_space<hbm>>, %arg7: memref<9376xi32, #tpu.memory_space<vmem>>, %arg8: memref<9376xi32, #tpu.memory_space<vmem>>, %arg9: memref<9376xf32, #tpu.memory_space<vmem>>, %arg10: memref<128xi32, #tpu.memory_space<vmem>>, %arg11: memref<128xi32, #tpu.memory_space<vmem>>, %arg12: memref<128xf32, #tpu.memory_space<vmem>>, %arg13: memref<128x64xi32, #tpu.memory_space<vmem>>, %arg14: memref<128x128xf32, #tpu.memory_space<vmem>>, %arg15: memref<8448x128xf32, #tpu.memory_space<vmem_shared>>, %arg16: memref<!tpu.dma_semaphore, #tpu.memory_space<semaphore_mem>>, %arg17: memref<!tpu.dma_semaphore, #tpu.memory_space<semaphore_mem>>) attributes {dimension_semantics = [#tpu.dimension_semantics<core_parallel>, #tpu.dimension_semantics<subcore_parallel>], iteration_bounds = array<i64: 2, 16>, scalar_prefetch = 0 : i64, scratch_operands = 11 : i64, tpu.core_type = #tpu.core_type<sc_vector_subcore>, window_params = [{transform_indices = #map}, {transform_indices = #map}, {transform_indices = #map}, {transform_indices = #map1}, {transform_indices = #map1}]} {
    %broadcast_in_dim3A = arith.constant 0.000000e+00 : f32
    %broadcast_in_dim3A_0 = vector.broadcast %broadcast_in_dim3A : f32 to vector<16xf32>
    %broadcast_in_dim3A_1 = arith.constant 0 : i32
    %broadcast_in_dim3A_2 = vector.broadcast %broadcast_in_dim3A_1 : i32 to vector<16xi32>
    %swap3A = arith.constant 0 : index
    %swap3A_3 = tpu.vector_load %arg12[%swap3A] {strides = array<i32>} : memref<128xf32, #tpu.memory_space<vmem>>, vector<16xf32>,
    tpu.vector_store %arg12[%swap3A], %broadcast_in_dim3A_0 {strides = array<i32>} : memref<128xf32, #tpu.memory_space<vmem>>, vector<16xf32>,
    %swap3A_4 = arith.constant 0 : index
    %swap3A_5 = tpu.vector_load %arg10[%swap3A_4] {strides = array<i32>} : memref<128xi32, #tpu.memory_space<vmem>>, vector<16xi32>,
    tpu.vector_store %arg10[%swap3A_4], %broadcast_in_dim3A_2 {strides = array<i32>} : memref<128xi32, #tpu.memory_space<vmem>>, vector<16xi32>,
    %swap3A_6 = arith.constant 0 : index
    %swap3A_7 = tpu.vector_load %arg11[%swap3A_6] {strides = array<i32>} : memref<128xi32, #tpu.memory_space<vmem>>, vector<16xi32>,
    tpu.vector_store %arg11[%swap3A_6], %broadcast_in_dim3A_2 {strides = array<i32>} : memref<128xi32, #tpu.memory_space<vmem>>, vector<16xi32>,
    %swap3A_8 = arith.constant 16 : index
    %swap3A_9 = tpu.vector_load %arg12[%swap3A_8] {strides = array<i32>} : memref<128xf32, #tpu.memory_space<vmem>>, vector<16xf32>,
    tpu.vector_store %arg12[%swap3A_8], %broadcast_in_dim3A_0 {strides = array<i32>} : memref<128xf32, #tpu.memory_space<vmem>>, vector<16xf32>,
    %swap3A_10 = arith.constant 16 : index
    %swap3A_11 = tpu.vector_load %arg10[%swap3A_10] {strides = array<i32>} : memref<128xi32, #tpu.memory_space<vmem>>, vector<16xi32>,
    tpu.vector_store %arg10[%swap3A_10], %broadcast_in_dim3A_2 {strides = array<i32>} : memref<128xi32, #tpu.memory_space<vmem>>, vector<16xi32>,
    %swap3A_12 = arith.constant 16 : index
    %swap3A_13 = tpu.vector_load %arg11[%swap3A_12] {strides = array<i32>} : memref<128xi32, #tpu.memory_space<vmem>>, vector<16xi32>,
    tpu.vector_store %arg11[%swap3A_12], %broadcast_in_dim3A_2 {strides = array<i32>} : memref<128xi32, #tpu.memory_space<vmem>>, vector<16xi32>,
    %swap3A_14 = arith.constant 32 : index
    %swap3A_15 = tpu.vector_load %arg12[%swap3A_14] {strides = array<i32>} : memref<128xf32, #tpu.memory_space<vmem>>, vector<16xf32>,
    tpu.vector_store %arg12[%swap3A_14], %broadcast_in_dim3A_0 {strides = array<i32>} : memref<128xf32, #tpu.memory_space<vmem>>, vector<16xf32>,
    %swap3A_16 = arith.constant 32 : index
    %swap3A_17 = tpu.vector_load %arg10[%swap3A_16] {strides = array<i32>} : memref<128xi32, #tpu.memory_space<vmem>>, vector<16xi32>,
    tpu.vector_store %arg10[%swap3A_16], %broadcast_in_dim3A_2 {strides = array<i32>} : memref<128xi32, #tpu.memory_space<vmem>>, vector<16xi32>,
    %swap3A_18 = arith.constant 32 : index
    %swap3A_19 = tpu.vector_load %arg11[%swap3A_18] {strides = array<i32>} : memref<128xi32, #tpu.memory_space<vmem>>, vector<16xi32>,
    tpu.vector_store %arg11[%swap3A_18], %broadcast_in_dim3A_2 {strides = array<i32>} : memref<128xi32, #tpu.memory_space<vmem>>, vector<16xi32>,
    %swap3A_20 = arith.constant 48 : index
    %swap3A_21 = tpu.vector_load %arg12[%swap3A_20] {strides = array<i32>} : memref<128xf32, #tpu.memory_space<vmem>>, vector<16xf32>,
    tpu.vector_store %arg12[%swap3A_20], %broadcast_in_dim3A_0 {strides = array<i32>} : memref<128xf32, #tpu.memory_space<vmem>>, vector<16xf32>,
    %swap3A_22 = arith.constant 48 : index
    %swap3A_23 = tpu.vector_load %arg10[%swap3A_22] {strides = array<i32>} : memref<128xi32, #tpu.memory_space<vmem>>, vector<16xi32>,
    tpu.vector_store %arg10[%swap3A_22], %broadcast_in_dim3A_2 {strides = array<i32>} : memref<128xi32, #tpu.memory_space<vmem>>, vector<16xi32>,
    %swap3A_24 = arith.constant 48 : index
    %swap3A_25 = tpu.vector_load %arg11[%swap3A_24] {strides = array<i32>} : memref<128xi32, #tpu.memory_space<vmem>>, vector<16xi32>,
    tpu.vector_store %arg11[%swap3A_24], %broadcast_in_dim3A_2 {strides = array<i32>} : memref<128xi32, #tpu.memory_space<vmem>>, vector<16xi32>,
    %swap3A_26 = arith.constant 64 : index
    %swap3A_27 = tpu.vector_load %arg12[%swap3A_26] {strides = array<i32>} : memref<128xf32, #tpu.memory_space<vmem>>, vector<16xf32>,
    tpu.vector_store %arg12[%swap3A_26], %broadcast_in_dim3A_0 {strides = array<i32>} : memref<128xf32, #tpu.memory_space<vmem>>, vector<16xf32>,
    %swap3A_28 = arith.constant 64 : index
    %swap3A_29 = tpu.vector_load %arg10[%swap3A_28] {strides = array<i32>} : memref<128xi32, #tpu.memory_space<vmem>>, vector<16xi32>,
    tpu.vector_store %arg10[%swap3A_28], %broadcast_in_dim3A_2 {strides = array<i32>} : memref<128xi32, #tpu.memory_space<vmem>>, vector<16xi32>,
    %swap3A_30 = arith.constant 64 : index
    %swap3A_31 = tpu.vector_load %arg11[%swap3A_30] {strides = array<i32>} : memref<128xi32, #tpu.memory_space<vmem>>, vector<16xi32>,
    tpu.vector_store %arg11[%swap3A_30], %broadcast_in_dim3A_2 {strides = array<i32>} : memref<128xi32, #tpu.memory_space<vmem>>, vector<16xi32>,
    %swap3A_32 = arith.constant 80 : index
    %swap3A_33 = tpu.vector_load %arg12[%swap3A_32] {strides = array<i32>} : memref<128xf32, #tpu.memory_space<vmem>>, vector<16xf32>,
    tpu.vector_store %arg12[%swap3A_32], %broadcast_in_dim3A_0 {strides = array<i32>} : memref<128xf32, #tpu.memory_space<vmem>>, vector<16xf32>,
    %swap3A_34 = arith.constant 80 : index
    %swap3A_35 = tpu.vector_load %arg10[%swap3A_34] {strides = array<i32>} : memref<128xi32, #tpu.memory_space<vmem>>, vector<16xi32>,
    tpu.vector_store %arg10[%swap3A_34], %broadcast_in_dim3A_2 {strides = array<i32>} : memref<128xi32, #tpu.memory_space<vmem>>, vector<16xi32>,
    %swap3A_36 = arith.constant 80 : index
    %swap3A_37 = tpu.vector_load %arg11[%swap3A_36] {strides = array<i32>} : memref<128xi32, #tpu.memory_space<vmem>>, vector<16xi32>,
    tpu.vector_store %arg11[%swap3A_36], %broadcast_in_dim3A_2 {strides = array<i32>} : memref<128xi32, #tpu.memory_space<vmem>>, vector<16xi32>,
    %swap3A_38 = arith.constant 96 : index
    %swap3A_39 = tpu.vector_load %arg12[%swap3A_38] {strides = array<i32>} : memref<128xf32, #tpu.memory_space<vmem>>, vector<16xf32>,
    tpu.vector_store %arg12[%swap3A_38], %broadcast_in_dim3A_0 {strides = array<i32>} : memref<128xf32, #tpu.memory_space<vmem>>, vector<16xf32>,
    %swap3A_40 = arith.constant 96 : index
    %swap3A_41 = tpu.vector_load %arg10[%swap3A_40] {strides = array<i32>} : memref<128xi32, #tpu.memory_space<vmem>>, vector<16xi32>,
    tpu.vector_store %arg10[%swap3A_40], %broadcast_in_dim3A_2 {strides = array<i32>} : memref<128xi32, #tpu.memory_space<vmem>>, vector<16xi32>,
    %swap3A_42 = arith.constant 96 : index
    %swap3A_43 = tpu.vector_load %arg11[%swap3A_42] {strides = array<i32>} : memref<128xi32, #tpu.memory_space<vmem>>, vector<16xi32>,
    tpu.vector_store %arg11[%swap3A_42], %broadcast_in_dim3A_2 {strides = array<i32>} : memref<128xi32, #tpu.memory_space<vmem>>, vector<16xi32>,
    %swap3A_44 = arith.constant 112 : index
    %swap3A_45 = tpu.vector_load %arg12[%swap3A_44] {strides = array<i32>} : memref<128xf32, #tpu.memory_space<vmem>>, vector<16xf32>,
    tpu.vector_store %arg12[%swap3A_44], %broadcast_in_dim3A_0 {strides = array<i32>} : memref<128xf32, #tpu.memory_space<vmem>>, vector<16xf32>,
    %swap3A_46 = arith.constant 112 : index
    %swap3A_47 = tpu.vector_load %arg10[%swap3A_46] {strides = array<i32>} : memref<128xi32, #tpu.memory_space<vmem>>, vector<16xi32>,
    tpu.vector_store %arg10[%swap3A_46], %broadcast_in_dim3A_2 {strides = array<i32>} : memref<128xi32, #tpu.memory_space<vmem>>, vector<16xi32>,
    %swap3A_48 = arith.constant 112 : index
    %swap3A_49 = tpu.vector_load %arg11[%swap3A_48] {strides = array<i32>} : memref<128xi32, #tpu.memory_space<vmem>>, vector<16xi32>,
    tpu.vector_store %arg11[%swap3A_48], %broadcast_in_dim3A_2 {strides = array<i32>} : memref<128xi32, #tpu.memory_space<vmem>>, vector<16xi32>,
    %mul3A = arith.constant 37504 : i32
    %mul3A_50 = arith.muli %arg1, %mul3A : i32
    %mul3A_51 = arith.constant 3 : i32
    %mul3A_52 = arith.muli %arg0, %mul3A_51 : i32
    %add3A = arith.constant 0 : i32
    %add3A_53 = arith.addi %mul3A_52, %add3A : i32
    %mul3A_54 = arith.constant 8448 : i32
    %mul3A_55 = arith.muli %add3A_53, %mul3A_54 : i32
    %mul3A_56 = arith.constant 528 : i32
    %mul3A_57 = arith.muli %arg1, %mul3A_56 : i32
    %scan3A = arith.constant 0 : i32
    %scan3A_58 = arith.constant 0 : i32
    %scan3A_59 = arith.constant 128 : i32
    %scan3A_60 = arith.addi %scan3A_58, %scan3A_59 : i32
    %scan3A_61 = arith.constant 1 : i32
    scf.for %scan3A_235 = %scan3A_58 to %scan3A_60 step %scan3A_61  : i32 {
      %swap3A_236 = arith.index_cast %scan3A_235 : i32 to index
      %swap3A_237 = arith.constant 0 : index
      %swap3A_238 = tpu.vector_load %arg14[%swap3A_236, %swap3A_237] {strides = array<i32>} : memref<128x128xf32, #tpu.memory_space<vmem>>, vector<16xf32>,
      tpu.vector_store %arg14[%swap3A_236, %swap3A_237], %broadcast_in_dim3A_0 {strides = array<i32>} : memref<128x128xf32, #tpu.memory_space<vmem>>, vector<16xf32>,
      %swap3A_239 = arith.index_cast %scan3A_235 : i32 to index
      %swap3A_240 = arith.constant 16 : index
      %swap3A_241 = tpu.vector_load %arg14[%swap3A_239, %swap3A_240] {strides = array<i32>} : memref<128x128xf32, #tpu.memory_space<vmem>>, vector<16xf32>,
      tpu.vector_store %arg14[%swap3A_239, %swap3A_240], %broadcast_in_dim3A_0 {strides = array<i32>} : memref<128x128xf32, #tpu.memory_space<vmem>>, vector<16xf32>,
      %swap3A_242 = arith.index_cast %scan3A_235 : i32 to index
      %swap3A_243 = arith.constant 32 : index
      %swap3A_244 = tpu.vector_load %arg14[%swap3A_242, %swap3A_243] {strides = array<i32>} : memref<128x128xf32, #tpu.memory_space<vmem>>, vector<16xf32>,
      tpu.vector_store %arg14[%swap3A_242, %swap3A_243], %broadcast_in_dim3A_0 {strides = array<i32>} : memref<128x128xf32, #tpu.memory_space<vmem>>, vector<16xf32>,
      %swap3A_245 = arith.index_cast %scan3A_235 : i32 to index
      %swap3A_246 = arith.constant 48 : index
      %swap3A_247 = tpu.vector_load %arg14[%swap3A_245, %swap3A_246] {strides = array<i32>} : memref<128x128xf32, #tpu.memory_space<vmem>>, vector<16xf32>,
      tpu.vector_store %arg14[%swap3A_245, %swap3A_246], %broadcast_in_dim3A_0 {strides = array<i32>} : memref<128x128xf32, #tpu.memory_space<vmem>>, vector<16xf32>,
      %swap3A_248 = arith.index_cast %scan3A_235 : i32 to index
      %swap3A_249 = arith.constant 64 : index
      %swap3A_250 = tpu.vector_load %arg14[%swap3A_248, %swap3A_249] {strides = array<i32>} : memref<128x128xf32, #tpu.memory_space<vmem>>, vector<16xf32>,
      tpu.vector_store %arg14[%swap3A_248, %swap3A_249], %broadcast_in_dim3A_0 {strides = array<i32>} : memref<128x128xf32, #tpu.memory_space<vmem>>, vector<16xf32>,
      %swap3A_251 = arith.index_cast %scan3A_235 : i32 to index
      %swap3A_252 = arith.constant 80 : index
      %swap3A_253 = tpu.vector_load %arg14[%swap3A_251, %swap3A_252] {strides = array<i32>} : memref<128x128xf32, #tpu.memory_space<vmem>>, vector<16xf32>,
      tpu.vector_store %arg14[%swap3A_251, %swap3A_252], %broadcast_in_dim3A_0 {strides = array<i32>} : memref<128x128xf32, #tpu.memory_space<vmem>>, vector<16xf32>,
      %swap3A_254 = arith.index_cast %scan3A_235 : i32 to index
      %swap3A_255 = arith.constant 96 : index
      %swap3A_256 = tpu.vector_load %arg14[%swap3A_254, %swap3A_255] {strides = array<i32>} : memref<128x128xf32, #tpu.memory_space<vmem>>, vector<16xf32>,
      tpu.vector_store %arg14[%swap3A_254, %swap3A_255], %broadcast_in_dim3A_0 {strides = array<i32>} : memref<128x128xf32, #tpu.memory_space<vmem>>, vector<16xf32>,
      %swap3A_257 = arith.index_cast %scan3A_235 : i32 to index
      %swap3A_258 = arith.constant 112 : index
      %swap3A_259 = tpu.vector_load %arg14[%swap3A_257, %swap3A_258] {strides = array<i32>} : memref<128x128xf32, #tpu.memory_space<vmem>>, vector<16xf32>,
      tpu.vector_store %arg14[%swap3A_257, %swap3A_258], %broadcast_in_dim3A_0 {strides = array<i32>} : memref<128x128xf32, #tpu.memory_space<vmem>>, vector<16xf32>,
    }
    %scan3A_62 = arith.constant 128 : i32
    %add3A_63 = arith.constant 0 : i32
    %add3A_64 = arith.addi %mul3A_57, %add3A_63 : i32
    "tpu.region"() ({
      %run_scoped3A = tpu.sem_alloc : memref<!tpu.dma_semaphore, #tpu.memory_space<semaphore_mem>>
      %dma_start3A_235 = arith.constant 0 : i32
      %dma_start3A_236 = tpu.memref_slice %arg15[%add3A_64, %dma_start3A_235] : memref<8448x128xf32, #tpu.memory_space<vmem_shared>> -> memref<128x128xf32, #tpu.memory_space<vmem_shared>>
      %dma_start3A_237 = arith.constant 0 : i32
      %dma_start3A_238 = tpu.memref_slice %arg15[%add3A_64, %dma_start3A_237] : memref<8448x128xf32, #tpu.memory_space<vmem_shared>> -> memref<128x128xf32, #tpu.memory_space<vmem_shared>>
      tpu.enqueue_dma source(%arg14 : memref<128x128xf32, #tpu.memory_space<vmem>>) target(%dma_start3A_238 : memref<128x128xf32, #tpu.memory_space<vmem_shared>>) target_semaphore(%run_scoped3A : memref<!tpu.dma_semaphore, #tpu.memory_space<semaphore_mem>>)
      %dma_wait3A_239 = arith.constant 0 : i32
      %dma_wait3A_240 = tpu.memref_slice %arg15[%add3A_64, %dma_wait3A_239] : memref<8448x128xf32, #tpu.memory_space<vmem_shared>> -> memref<128x128xf32, #tpu.memory_space<vmem_shared>>
      %dma_wait3A_241 = arith.constant 0 : i32
      %dma_wait3A_242 = tpu.memref_slice %arg15[%add3A_64, %dma_wait3A_241] : memref<8448x128xf32, #tpu.memory_space<vmem_shared>> -> memref<128x128xf32, #tpu.memory_space<vmem_shared>>
      tpu.wait_dma2 semaphore(%run_scoped3A : memref<!tpu.dma_semaphore, #tpu.memory_space<semaphore_mem>>) src(%arg14 : memref<128x128xf32, #tpu.memory_space<vmem>>) dst(%dma_wait3A_242 : memref<128x128xf32, #tpu.memory_space<vmem_shared>>)
      tpu.yield
    }) : () -> ()
    %add3A_65 = arith.constant 128 : i32
    %add3A_66 = arith.addi %mul3A_57, %add3A_65 : i32
    "tpu.region"() ({
      %run_scoped3A = tpu.sem_alloc : memref<!tpu.dma_semaphore, #tpu.memory_space<semaphore_mem>>
      %dma_start3A_235 = arith.constant 0 : i32
      %dma_start3A_236 = tpu.memref_slice %arg15[%add3A_66, %dma_start3A_235] : memref<8448x128xf32, #tpu.memory_space<vmem_shared>> -> memref<128x128xf32, #tpu.memory_space<vmem_shared>>
      %dma_start3A_237 = arith.constant 0 : i32
      %dma_start3A_238 = tpu.memref_slice %arg15[%add3A_66, %dma_start3A_237] : memref<8448x128xf32, #tpu.memory_space<vmem_shared>> -> memref<128x128xf32, #tpu.memory_space<vmem_shared>>
      tpu.enqueue_dma source(%arg14 : memref<128x128xf32, #tpu.memory_space<vmem>>) target(%dma_start3A_238 : memref<128x128xf32, #tpu.memory_space<vmem_shared>>) target_semaphore(%run_scoped3A : memref<!tpu.dma_semaphore, #tpu.memory_space<semaphore_mem>>)
      %dma_wait3A_239 = arith.constant 0 : i32
      %dma_wait3A_240 = tpu.memref_slice %arg15[%add3A_66, %dma_wait3A_239] : memref<8448x128xf32, #tpu.memory_space<vmem_shared>> -> memref<128x128xf32, #tpu.memory_space<vmem_shared>>
      %dma_wait3A_241 = arith.constant 0 : i32
      %dma_wait3A_242 = tpu.memref_slice %arg15[%add3A_66, %dma_wait3A_241] : memref<8448x128xf32, #tpu.memory_space<vmem_shared>> -> memref<128x128xf32, #tpu.memory_space<vmem_shared>>
      tpu.wait_dma2 semaphore(%run_scoped3A : memref<!tpu.dma_semaphore, #tpu.memory_space<semaphore_mem>>) src(%arg14 : memref<128x128xf32, #tpu.memory_space<vmem>>) dst(%dma_wait3A_242 : memref<128x128xf32, #tpu.memory_space<vmem_shared>>)
      tpu.yield
    }) : () -> ()
    %add3A_67 = arith.constant 256 : i32
    %add3A_68 = arith.addi %mul3A_57, %add3A_67 : i32
    "tpu.region"() ({
      %run_scoped3A = tpu.sem_alloc : memref<!tpu.dma_semaphore, #tpu.memory_space<semaphore_mem>>
      %dma_start3A_235 = arith.constant 0 : i32
      %dma_start3A_236 = tpu.memref_slice %arg15[%add3A_68, %dma_start3A_235] : memref<8448x128xf32, #tpu.memory_space<vmem_shared>> -> memref<128x128xf32, #tpu.memory_space<vmem_shared>>
      %dma_start3A_237 = arith.constant 0 : i32
      %dma_start3A_238 = tpu.memref_slice %arg15[%add3A_68, %dma_start3A_237] : memref<8448x128xf32, #tpu.memory_space<vmem_shared>> -> memref<128x128xf32, #tpu.memory_space<vmem_shared>>
      tpu.enqueue_dma source(%arg14 : memref<128x128xf32, #tpu.memory_space<vmem>>) target(%dma_start3A_238 : memref<128x128xf32, #tpu.memory_space<vmem_shared>>) target_semaphore(%run_scoped3A : memref<!tpu.dma_semaphore, #tpu.memory_space<semaphore_mem>>)
      %dma_wait3A_239 = arith.constant 0 : i32
      %dma_wait3A_240 = tpu.memref_slice %arg15[%add3A_68, %dma_wait3A_239] : memref<8448x128xf32, #tpu.memory_space<vmem_shared>> -> memref<128x128xf32, #tpu.memory_space<vmem_shared>>
      %dma_wait3A_241 = arith.constant 0 : i32
      %dma_wait3A_242 = tpu.memref_slice %arg15[%add3A_68, %dma_wait3A_241] : memref<8448x128xf32, #tpu.memory_space<vmem_shared>> -> memref<128x128xf32, #tpu.memory_space<vmem_shared>>
      tpu.wait_dma2 semaphore(%run_scoped3A : memref<!tpu.dma_semaphore, #tpu.memory_space<semaphore_mem>>) src(%arg14 : memref<128x128xf32, #tpu.memory_space<vmem>>) dst(%dma_wait3A_242 : memref<128x128xf32, #tpu.memory_space<vmem_shared>>)
      tpu.yield
    }) : () -> ()
    %add3A_69 = arith.constant 384 : i32
    %add3A_70 = arith.addi %mul3A_57, %add3A_69 : i32
    "tpu.region"() ({
      %run_scoped3A = tpu.sem_alloc : memref<!tpu.dma_semaphore, #tpu.memory_space<semaphore_mem>>
      %dma_start3A_235 = arith.constant 0 : i32
      %dma_start3A_236 = tpu.memref_slice %arg15[%add3A_70, %dma_start3A_235] : memref<8448x128xf32, #tpu.memory_space<vmem_shared>> -> memref<128x128xf32, #tpu.memory_space<vmem_shared>>
      %dma_start3A_237 = arith.constant 0 : i32
      %dma_start3A_238 = tpu.memref_slice %arg15[%add3A_70, %dma_start3A_237] : memref<8448x128xf32, #tpu.memory_space<vmem_shared>> -> memref<128x128xf32, #tpu.memory_space<vmem_shared>>
      tpu.enqueue_dma source(%arg14 : memref<128x128xf32, #tpu.memory_space<vmem>>) target(%dma_start3A_238 : memref<128x128xf32, #tpu.memory_space<vmem_shared>>) target_semaphore(%run_scoped3A : memref<!tpu.dma_semaphore, #tpu.memory_space<semaphore_mem>>)
      %dma_wait3A_239 = arith.constant 0 : i32
      %dma_wait3A_240 = tpu.memref_slice %arg15[%add3A_70, %dma_wait3A_239] : memref<8448x128xf32, #tpu.memory_space<vmem_shared>> -> memref<128x128xf32, #tpu.memory_space<vmem_shared>>
      %dma_wait3A_241 = arith.constant 0 : i32
      %dma_wait3A_242 = tpu.memref_slice %arg15[%add3A_70, %dma_wait3A_241] : memref<8448x128xf32, #tpu.memory_space<vmem_shared>> -> memref<128x128xf32, #tpu.memory_space<vmem_shared>>
      tpu.wait_dma2 semaphore(%run_scoped3A : memref<!tpu.dma_semaphore, #tpu.memory_space<semaphore_mem>>) src(%arg14 : memref<128x128xf32, #tpu.memory_space<vmem>>) dst(%dma_wait3A_242 : memref<128x128xf32, #tpu.memory_space<vmem_shared>>)
      tpu.yield
    }) : () -> ()
    %add3A_71 = arith.constant 512 : i32
    %add3A_72 = arith.addi %mul3A_57, %add3A_71 : i32
    "tpu.region"() ({
      %run_scoped3A = tpu.sem_alloc : memref<!tpu.dma_semaphore, #tpu.memory_space<semaphore_mem>>
      %dma_start3A_235 = arith.constant 0 : i32
      %dma_start3A_236 = arith.constant 0 : i32
      %dma_start3A_237 = tpu.memref_slice %arg14[%dma_start3A_235, %dma_start3A_236] : memref<128x128xf32, #tpu.memory_space<vmem>> -> memref<16x128xf32, #tpu.memory_space<vmem>>
      %dma_start3A_238 = arith.constant 0 : i32
      %dma_start3A_239 = tpu.memref_slice %arg15[%add3A_72, %dma_start3A_238] : memref<8448x128xf32, #tpu.memory_space<vmem_shared>> -> memref<16x128xf32, #tpu.memory_space<vmem_shared>>
      %dma_start3A_240 = arith.constant 0 : i32
      %dma_start3A_241 = tpu.memref_slice %arg15[%add3A_72, %dma_start3A_240] : memref<8448x128xf32, #tpu.memory_space<vmem_shared>> -> memref<16x128xf32, #tpu.memory_space<vmem_shared>>
      %dma_start3A_242 = arith.constant 0 : i32
      %dma_start3A_243 = arith.constant 0 : i32
      %dma_start3A_244 = tpu.memref_slice %arg14[%dma_start3A_242, %dma_start3A_243] : memref<128x128xf32, #tpu.memory_space<vmem>> -> memref<16x128xf32, #tpu.memory_space<vmem>>
      tpu.enqueue_dma source(%dma_start3A_244 : memref<16x128xf32, #tpu.memory_space<vmem>>) target(%dma_start3A_241 : memref<16x128xf32, #tpu.memory_space<vmem_shared>>) target_semaphore(%run_scoped3A : memref<!tpu.dma_semaphore, #tpu.memory_space<semaphore_mem>>)
      %dma_wait3A_245 = arith.constant 0 : i32
      %dma_wait3A_246 = arith.constant 0 : i32
      %dma_wait3A_247 = tpu.memref_slice %arg14[%dma_wait3A_245, %dma_wait3A_246] : memref<128x128xf32, #tpu.memory_space<vmem>> -> memref<16x128xf32, #tpu.memory_space<vmem>>
      %dma_wait3A_248 = arith.constant 0 : i32
      %dma_wait3A_249 = tpu.memref_slice %arg15[%add3A_72, %dma_wait3A_248] : memref<8448x128xf32, #tpu.memory_space<vmem_shared>> -> memref<16x128xf32, #tpu.memory_space<vmem_shared>>
      %dma_wait3A_250 = arith.constant 0 : i32
      %dma_wait3A_251 = tpu.memref_slice %arg15[%add3A_72, %dma_wait3A_250] : memref<8448x128xf32, #tpu.memory_space<vmem_shared>> -> memref<16x128xf32, #tpu.memory_space<vmem_shared>>
      %dma_wait3A_252 = arith.constant 0 : i32
      %dma_wait3A_253 = arith.constant 0 : i32
      %dma_wait3A_254 = tpu.memref_slice %arg14[%dma_wait3A_252, %dma_wait3A_253] : memref<128x128xf32, #tpu.memory_space<vmem>> -> memref<16x128xf32, #tpu.memory_space<vmem>>
      tpu.wait_dma2 semaphore(%run_scoped3A : memref<!tpu.dma_semaphore, #tpu.memory_space<semaphore_mem>>) src(%dma_wait3A_254 : memref<16x128xf32, #tpu.memory_space<vmem>>) dst(%dma_wait3A_251 : memref<16x128xf32, #tpu.memory_space<vmem_shared>>)
      tpu.yield
    }) : () -> ()
    %barrier3A = arith.constant 0 : index
    tpu.barrier barrier_id(%barrier3A)
    %scan3A_73 = arith.constant 0 : i32
    %scan3A_74 = arith.constant 0 : i32
    %scan3A_75 = arith.constant 4 : i32
    %scan3A_76 = arith.addi %scan3A_74, %scan3A_75 : i32
    %scan3A_77 = arith.constant 1 : i32
    %scan3A_78 = scf.for %scan3A_235 = %scan3A_74 to %scan3A_76 step %scan3A_77 iter_args(%scan3A_236 = %scan3A_73) -> (i32)  : i32 {
      %mul3A_237 = arith.constant 9376 : i32
      %mul3A_238 = arith.muli %scan3A_235, %mul3A_237 : i32
      %add3A_239 = arith.addi %mul3A_50, %mul3A_238 : i32
      "tpu.region"() ({
        %run_scoped3A = tpu.sem_alloc : memref<!tpu.dma_semaphore, #tpu.memory_space<semaphore_mem>>
        %dma_start3A_246 = tpu.memref_slice %arg2[%add3A_239] : memref<600064xi32, #tpu.memory_space<hbm>> -> memref<9376xi32, #tpu.memory_space<hbm>>
        %dma_start3A_247 = tpu.memref_slice %arg2[%add3A_239] : memref<600064xi32, #tpu.memory_space<hbm>> -> memref<9376xi32, #tpu.memory_space<hbm>>
        tpu.enqueue_dma source(%dma_start3A_247 : memref<9376xi32, #tpu.memory_space<hbm>>) target(%arg7 : memref<9376xi32, #tpu.memory_space<vmem>>) target_semaphore(%run_scoped3A : memref<!tpu.dma_semaphore, #tpu.memory_space<semaphore_mem>>)
        %dma_wait3A_248 = tpu.memref_slice %arg2[%add3A_239] : memref<600064xi32, #tpu.memory_space<hbm>> -> memref<9376xi32, #tpu.memory_space<hbm>>
        %dma_wait3A_249 = tpu.memref_slice %arg2[%add3A_239] : memref<600064xi32, #tpu.memory_space<hbm>> -> memref<9376xi32, #tpu.memory_space<hbm>>
        tpu.wait_dma2 semaphore(%run_scoped3A : memref<!tpu.dma_semaphore, #tpu.memory_space<semaphore_mem>>) src(%dma_wait3A_249 : memref<9376xi32, #tpu.memory_space<hbm>>) dst(%arg7 : memref<9376xi32, #tpu.memory_space<vmem>>)
        tpu.yield
      }) : () -> ()
      "tpu.region"() ({
        %run_scoped3A = tpu.sem_alloc : memref<!tpu.dma_semaphore, #tpu.memory_space<semaphore_mem>>
        %dma_start3A_246 = tpu.memref_slice %arg3[%add3A_239] : memref<600064xi32, #tpu.memory_space<hbm>> -> memref<9376xi32, #tpu.memory_space<hbm>>
        %dma_start3A_247 = tpu.memref_slice %arg3[%add3A_239] : memref<600064xi32, #tpu.memory_space<hbm>> -> memref<9376xi32, #tpu.memory_space<hbm>>
        tpu.enqueue_dma source(%dma_start3A_247 : memref<9376xi32, #tpu.memory_space<hbm>>) target(%arg8 : memref<9376xi32, #tpu.memory_space<vmem>>) target_semaphore(%run_scoped3A : memref<!tpu.dma_semaphore, #tpu.memory_space<semaphore_mem>>)
        %dma_wait3A_248 = tpu.memref_slice %arg3[%add3A_239] : memref<600064xi32, #tpu.memory_space<hbm>> -> memref<9376xi32, #tpu.memory_space<hbm>>
        %dma_wait3A_249 = tpu.memref_slice %arg3[%add3A_239] : memref<600064xi32, #tpu.memory_space<hbm>> -> memref<9376xi32, #tpu.memory_space<hbm>>
        tpu.wait_dma2 semaphore(%run_scoped3A : memref<!tpu.dma_semaphore, #tpu.memory_space<semaphore_mem>>) src(%dma_wait3A_249 : memref<9376xi32, #tpu.memory_space<hbm>>) dst(%arg8 : memref<9376xi32, #tpu.memory_space<vmem>>)
        tpu.yield
      }) : () -> ()
      "tpu.region"() ({
        %run_scoped3A = tpu.sem_alloc : memref<!tpu.dma_semaphore, #tpu.memory_space<semaphore_mem>>
        %dma_start3A_246 = tpu.memref_slice %arg4[%add3A_239] : memref<600064xf32, #tpu.memory_space<hbm>> -> memref<9376xf32, #tpu.memory_space<hbm>>
        %dma_start3A_247 = tpu.memref_slice %arg4[%add3A_239] : memref<600064xf32, #tpu.memory_space<hbm>> -> memref<9376xf32, #tpu.memory_space<hbm>>
        tpu.enqueue_dma source(%dma_start3A_247 : memref<9376xf32, #tpu.memory_space<hbm>>) target(%arg9 : memref<9376xf32, #tpu.memory_space<vmem>>) target_semaphore(%run_scoped3A : memref<!tpu.dma_semaphore, #tpu.memory_space<semaphore_mem>>)
        %dma_wait3A_248 = tpu.memref_slice %arg4[%add3A_239] : memref<600064xf32, #tpu.memory_space<hbm>> -> memref<9376xf32, #tpu.memory_space<hbm>>
        %dma_wait3A_249 = tpu.memref_slice %arg4[%add3A_239] : memref<600064xf32, #tpu.memory_space<hbm>> -> memref<9376xf32, #tpu.memory_space<hbm>>
        tpu.wait_dma2 semaphore(%run_scoped3A : memref<!tpu.dma_semaphore, #tpu.memory_space<semaphore_mem>>) src(%dma_wait3A_249 : memref<9376xf32, #tpu.memory_space<hbm>>) dst(%arg9 : memref<9376xf32, #tpu.memory_space<vmem>>)
        tpu.yield
      }) : () -> ()
      %scan3A_240 = arith.constant 0 : i32
      %scan3A_241 = arith.constant 293 : i32
      %scan3A_242 = arith.addi %scan3A_240, %scan3A_241 : i32
      %scan3A_243 = arith.constant 1 : i32
      %scan3A_244 = scf.for %scan3A_246 = %scan3A_240 to %scan3A_242 step %scan3A_243 iter_args(%scan3A_247 = %scan3A_236) -> (i32)  : i32 {
        %mul3A_248 = arith.constant 32 : i32
        %mul3A_249 = arith.muli %scan3A_246, %mul3A_248 : i32
        %add3A_250 = arith.constant 0 : i32
        %add3A_251 = arith.addi %mul3A_249, %add3A_250 : i32
        %get3A = arith.index_cast %add3A_251 : i32 to index
        %get3A_252 = tpu.vector_load %arg7[%get3A] {strides = array<i32>} : memref<9376xi32, #tpu.memory_space<vmem>>, vector<16xi32>,
        %sub3A = vector.broadcast %mul3A_55 : i32 to vector<16xi32>
        %sub3A_253 = arith.subi %get3A_252, %sub3A : vector<16xi32>
        %lt3A = arith.constant 8448 : i32
        %lt3A_254 = vector.broadcast %lt3A : i32 to vector<16xi32>
        %lt3A_255 = arith.cmpi ult, %sub3A_253, %lt3A_254 : vector<16xi32>
        %get3A_256 = arith.index_cast %add3A_251 : i32 to index
        %get3A_257 = tpu.vector_load %arg8[%get3A_256] {strides = array<i32>} : memref<9376xi32, #tpu.memory_space<vmem>>, vector<16xi32>,
        %get3A_258 = arith.index_cast %add3A_251 : i32 to index
        %get3A_259 = tpu.vector_load %arg9[%get3A_258] {strides = array<i32>} : memref<9376xf32, #tpu.memory_space<vmem>>, vector<16xf32>,
        %convert_element_type3A = arith.extui %lt3A_255 : vector<16xi1> to vector<16xi32>
        %broadcast_in_dim3A_260 = arith.constant true
        %broadcast_in_dim3A_261 = vector.broadcast %broadcast_in_dim3A_260 : i1 to vector<16xi1>
        %masked_cumsum3A = tpu.scan <sum>, %convert_element_type3A masked %broadcast_in_dim3A_261 : vector<16xi32>, vector<16xi1> -> vector<16xi32>
        %sub3A_262 = arith.subi %masked_cumsum3A, %convert_element_type3A : vector<16xi32>
        %add3A_263 = vector.broadcast %scan3A_247 : i32 to vector<16xi32>
        %add3A_264 = arith.addi %sub3A_262, %add3A_263 : vector<16xi32>
        tpu.vector_store_idx %arg10[%add3A_264], %get3A_257 masked %lt3A_255 : memref<128xi32, #tpu.memory_space<vmem>>[vector<16xi32>], vector<16xi32>, vector<16xi1>
        tpu.vector_store_idx %arg11[%add3A_264], %sub3A_253 masked %lt3A_255 : memref<128xi32, #tpu.memory_space<vmem>>[vector<16xi32>], vector<16xi32>, vector<16xi1>
        tpu.vector_store_idx %arg12[%add3A_264], %get3A_259 masked %lt3A_255 : memref<128xf32, #tpu.memory_space<vmem>>[vector<16xi32>], vector<16xf32>, vector<16xi1>
        %all_reduce_population_count3A = tpu.all_reduce %lt3A_255 {dim = 0 : i64, kind = #tpu.reduction_kind<sum>} : vector<16xi1> -> vector<16xi32>
        %slice3A = vector.extract_strided_slice %all_reduce_population_count3A {offsets = [0], sizes = [1], strides = [1]} : vector<16xi32> to vector<1xi32>
        %squeeze3A = vector.extract %slice3A[0] : i32 from vector<1xi32>
        %add3A_265 = arith.addi %scan3A_247, %squeeze3A : i32
        %mul3A_266 = arith.constant 32 : i32
        %mul3A_267 = arith.muli %scan3A_246, %mul3A_266 : i32
        %add3A_268 = arith.constant 16 : i32
        %add3A_269 = arith.addi %mul3A_267, %add3A_268 : i32
        %get3A_270 = arith.index_cast %add3A_269 : i32 to index
        %get3A_271 = tpu.vector_load %arg7[%get3A_270] {strides = array<i32>} : memref<9376xi32, #tpu.memory_space<vmem>>, vector<16xi32>,
        %sub3A_272 = vector.broadcast %mul3A_55 : i32 to vector<16xi32>
        %sub3A_273 = arith.subi %get3A_271, %sub3A_272 : vector<16xi32>
        %lt3A_274 = arith.constant 8448 : i32
        %lt3A_275 = vector.broadcast %lt3A_274 : i32 to vector<16xi32>
        %lt3A_276 = arith.cmpi ult, %sub3A_273, %lt3A_275 : vector<16xi32>
        %get3A_277 = arith.index_cast %add3A_269 : i32 to index
        %get3A_278 = tpu.vector_load %arg8[%get3A_277] {strides = array<i32>} : memref<9376xi32, #tpu.memory_space<vmem>>, vector<16xi32>,
        %get3A_279 = arith.index_cast %add3A_269 : i32 to index
        %get3A_280 = tpu.vector_load %arg9[%get3A_279] {strides = array<i32>} : memref<9376xf32, #tpu.memory_space<vmem>>, vector<16xf32>,
        %convert_element_type3A_281 = arith.extui %lt3A_276 : vector<16xi1> to vector<16xi32>
        %broadcast_in_dim3A_282 = arith.constant true
        %broadcast_in_dim3A_283 = vector.broadcast %broadcast_in_dim3A_282 : i1 to vector<16xi1>
        %masked_cumsum3A_284 = tpu.scan <sum>, %convert_element_type3A_281 masked %broadcast_in_dim3A_283 : vector<16xi32>, vector<16xi1> -> vector<16xi32>
        %sub3A_285 = arith.subi %masked_cumsum3A_284, %convert_element_type3A_281 : vector<16xi32>
        %add3A_286 = vector.broadcast %add3A_265 : i32 to vector<16xi32>
        %add3A_287 = arith.addi %sub3A_285, %add3A_286 : vector<16xi32>
        tpu.vector_store_idx %arg10[%add3A_287], %get3A_278 masked %lt3A_276 : memref<128xi32, #tpu.memory_space<vmem>>[vector<16xi32>], vector<16xi32>, vector<16xi1>
        tpu.vector_store_idx %arg11[%add3A_287], %sub3A_273 masked %lt3A_276 : memref<128xi32, #tpu.memory_space<vmem>>[vector<16xi32>], vector<16xi32>, vector<16xi1>
        tpu.vector_store_idx %arg12[%add3A_287], %get3A_280 masked %lt3A_276 : memref<128xf32, #tpu.memory_space<vmem>>[vector<16xi32>], vector<16xf32>, vector<16xi1>
        %all_reduce_population_count3A_288 = tpu.all_reduce %lt3A_276 {dim = 0 : i64, kind = #tpu.reduction_kind<sum>} : vector<16xi1> -> vector<16xi32>
        %slice3A_289 = vector.extract_strided_slice %all_reduce_population_count3A_288 {offsets = [0], sizes = [1], strides = [1]} : vector<16xi32> to vector<1xi32>
        %squeeze3A_290 = vector.extract %slice3A_289[0] : i32 from vector<1xi32>
        %add3A_291 = arith.addi %add3A_265, %squeeze3A_290 : i32
        %ge3A = arith.constant 96 : i32
        %ge3A_292 = arith.cmpi sge, %add3A_291, %ge3A : i32
        %convert_element_type3A_293 = arith.extui %ge3A_292 : i1 to i32
        %cond3A = arith.constant 0 : i32
        %cond3A_294 = arith.cmpi ne, %convert_element_type3A_293, %cond3A : i32
        scf.if %cond3A_294 {
          %dma_start3A_297 = arith.constant 0 : i32
          %dma_start3A_298 = arith.constant 0 : i32
          %dma_start3A_299 = tpu.memref_slice %arg5[%dma_start3A_297, %dma_start3A_298] : memref<50000x64xi32, #tpu.memory_space<hbm>> -> memref<50000x64xi32, #tpu.memory_space<hbm>>
          tpu.enqueue_indirect_dma source(%dma_start3A_299 : memref<50000x64xi32, #tpu.memory_space<hbm>>) target(%arg13 : memref<128x64xi32, #tpu.memory_space<vmem>>) offsets(%arg10 : memref<128xi32, #tpu.memory_space<vmem>>) semaphore(%arg16 : memref<!tpu.dma_semaphore, #tpu.memory_space<semaphore_mem>>)
          %dma_wait3A_300 = arith.constant 0 : i32
          %dma_wait3A_301 = arith.constant 0 : i32
          %dma_wait3A_302 = tpu.memref_slice %arg5[%dma_wait3A_300, %dma_wait3A_301] : memref<50000x64xi32, #tpu.memory_space<hbm>> -> memref<50000x64xi32, #tpu.memory_space<hbm>>
          tpu.wait_indirect_dma semaphore(%arg16 : memref<!tpu.dma_semaphore, #tpu.memory_space<semaphore_mem>>) src(%dma_wait3A_302 : memref<50000x64xi32, #tpu.memory_space<hbm>>) dst(%arg13 : memref<128x64xi32, #tpu.memory_space<vmem>>)
          %scan3A_303 = arith.constant 0 : i32
          %scan3A_304 = arith.constant 0 : i32
          %scan3A_305 = arith.constant 128 : i32
          %scan3A_306 = arith.addi %scan3A_304, %scan3A_305 : i32
          %scan3A_307 = arith.constant 1 : i32
          scf.for %scan3A_325 = %scan3A_304 to %scan3A_306 step %scan3A_307  : i32 {
            %add3A_326 = vector.broadcast %scan3A_325 : i32 to vector<16xi32>
            %add3A_327 = arith.addi %broadcast_in_dim3A_2, %add3A_326 : vector<16xi32>
            %gather3A = tpu.vector_load_idx %arg12[%add3A_327] : memref<128xf32, #tpu.memory_space<vmem>>[vector<16xi32>], vector<16xf32>,
            %get3A_328 = arith.index_cast %scan3A_325 : i32 to index
            %get3A_329 = arith.constant 0 : index
            %get3A_330 = tpu.vector_load %arg13[%get3A_328, %get3A_329] {strides = array<i32>} : memref<128x64xi32, #tpu.memory_space<vmem>>, vector<16xi32>,
            %bitcast3A = vector.bitcast %get3A_330 : vector<16xi32> to vector<32xbf16>
            %unpack3A = tpu.unpack_subelements %bitcast3A, 0 {pack_format = #tpu.pack_format<interleaved>} : vector<32xbf16> -> vector<16xf32>
            %unpack3A_331 = tpu.unpack_subelements %bitcast3A, 1 {pack_format = #tpu.pack_format<interleaved>} : vector<32xbf16> -> vector<16xf32>
            %mul3A_332 = arith.mulf %unpack3A, %gather3A : vector<16xf32>
            %swap3A_333 = arith.index_cast %scan3A_325 : i32 to index
            %swap3A_334 = arith.constant 0 : index
            %swap3A_335 = tpu.vector_load %arg14[%swap3A_333, %swap3A_334] {strides = array<i32>} : memref<128x128xf32, #tpu.memory_space<vmem>>, vector<16xf32>,
            tpu.vector_store %arg14[%swap3A_333, %swap3A_334], %mul3A_332 {strides = array<i32>} : memref<128x128xf32, #tpu.memory_space<vmem>>, vector<16xf32>,
            %mul3A_336 = arith.mulf %unpack3A_331, %gather3A : vector<16xf32>
            %swap3A_337 = arith.index_cast %scan3A_325 : i32 to index
            %swap3A_338 = arith.constant 16 : index
            %swap3A_339 = tpu.vector_load %arg14[%swap3A_337, %swap3A_338] {strides = array<i32>} : memref<128x128xf32, #tpu.memory_space<vmem>>, vector<16xf32>,
            tpu.vector_store %arg14[%swap3A_337, %swap3A_338], %mul3A_336 {strides = array<i32>} : memref<128x128xf32, #tpu.memory_space<vmem>>, vector<16xf32>,
            %get3A_340 = arith.index_cast %scan3A_325 : i32 to index
            %get3A_341 = arith.constant 16 : index
            %get3A_342 = tpu.vector_load %arg13[%get3A_340, %get3A_341] {strides = array<i32>} : memref<128x64xi32, #tpu.memory_space<vmem>>, vector<16xi32>,
            %bitcast3A_343 = vector.bitcast %get3A_342 : vector<16xi32> to vector<32xbf16>
            %unpack3A_344 = tpu.unpack_subelements %bitcast3A_343, 0 {pack_format = #tpu.pack_format<interleaved>} : vector<32xbf16> -> vector<16xf32>
            %unpack3A_345 = tpu.unpack_subelements %bitcast3A_343, 1 {pack_format = #tpu.pack_format<interleaved>} : vector<32xbf16> -> vector<16xf32>
            %mul3A_346 = arith.mulf %unpack3A_344, %gather3A : vector<16xf32>
            %swap3A_347 = arith.index_cast %scan3A_325 : i32 to index
            %swap3A_348 = arith.constant 32 : index
            %swap3A_349 = tpu.vector_load %arg14[%swap3A_347, %swap3A_348] {strides = array<i32>} : memref<128x128xf32, #tpu.memory_space<vmem>>, vector<16xf32>,
            tpu.vector_store %arg14[%swap3A_347, %swap3A_348], %mul3A_346 {strides = array<i32>} : memref<128x128xf32, #tpu.memory_space<vmem>>, vector<16xf32>,
            %mul3A_350 = arith.mulf %unpack3A_345, %gather3A : vector<16xf32>
            %swap3A_351 = arith.index_cast %scan3A_325 : i32 to index
            %swap3A_352 = arith.constant 48 : index
            %swap3A_353 = tpu.vector_load %arg14[%swap3A_351, %swap3A_352] {strides = array<i32>} : memref<128x128xf32, #tpu.memory_space<vmem>>, vector<16xf32>,
            tpu.vector_store %arg14[%swap3A_351, %swap3A_352], %mul3A_350 {strides = array<i32>} : memref<128x128xf32, #tpu.memory_space<vmem>>, vector<16xf32>,
            %get3A_354 = arith.index_cast %scan3A_325 : i32 to index
            %get3A_355 = arith.constant 32 : index
            %get3A_356 = tpu.vector_load %arg13[%get3A_354, %get3A_355] {strides = array<i32>} : memref<128x64xi32, #tpu.memory_space<vmem>>, vector<16xi32>,
            %bitcast3A_357 = vector.bitcast %get3A_356 : vector<16xi32> to vector<32xbf16>
            %unpack3A_358 = tpu.unpack_subelements %bitcast3A_357, 0 {pack_format = #tpu.pack_format<interleaved>} : vector<32xbf16> -> vector<16xf32>
            %unpack3A_359 = tpu.unpack_subelements %bitcast3A_357, 1 {pack_format = #tpu.pack_format<interleaved>} : vector<32xbf16> -> vector<16xf32>
            %mul3A_360 = arith.mulf %unpack3A_358, %gather3A : vector<16xf32>
            %swap3A_361 = arith.index_cast %scan3A_325 : i32 to index
            %swap3A_362 = arith.constant 64 : index
            %swap3A_363 = tpu.vector_load %arg14[%swap3A_361, %swap3A_362] {strides = array<i32>} : memref<128x128xf32, #tpu.memory_space<vmem>>, vector<16xf32>,
            tpu.vector_store %arg14[%swap3A_361, %swap3A_362], %mul3A_360 {strides = array<i32>} : memref<128x128xf32, #tpu.memory_space<vmem>>, vector<16xf32>,
            %mul3A_364 = arith.mulf %unpack3A_359, %gather3A : vector<16xf32>
            %swap3A_365 = arith.index_cast %scan3A_325 : i32 to index
            %swap3A_366 = arith.constant 80 : index
            %swap3A_367 = tpu.vector_load %arg14[%swap3A_365, %swap3A_366] {strides = array<i32>} : memref<128x128xf32, #tpu.memory_space<vmem>>, vector<16xf32>,
            tpu.vector_store %arg14[%swap3A_365, %swap3A_366], %mul3A_364 {strides = array<i32>} : memref<128x128xf32, #tpu.memory_space<vmem>>, vector<16xf32>,
            %get3A_368 = arith.index_cast %scan3A_325 : i32 to index
            %get3A_369 = arith.constant 48 : index
            %get3A_370 = tpu.vector_load %arg13[%get3A_368, %get3A_369] {strides = array<i32>} : memref<128x64xi32, #tpu.memory_space<vmem>>, vector<16xi32>,
            %bitcast3A_371 = vector.bitcast %get3A_370 : vector<16xi32> to vector<32xbf16>
            %unpack3A_372 = tpu.unpack_subelements %bitcast3A_371, 0 {pack_format = #tpu.pack_format<interleaved>} : vector<32xbf16> -> vector<16xf32>
            %unpack3A_373 = tpu.unpack_subelements %bitcast3A_371, 1 {pack_format = #tpu.pack_format<interleaved>} : vector<32xbf16> -> vector<16xf32>
            %mul3A_374 = arith.mulf %unpack3A_372, %gather3A : vector<16xf32>
            %swap3A_375 = arith.index_cast %scan3A_325 : i32 to index
            %swap3A_376 = arith.constant 96 : index
            %swap3A_377 = tpu.vector_load %arg14[%swap3A_375, %swap3A_376] {strides = array<i32>} : memref<128x128xf32, #tpu.memory_space<vmem>>, vector<16xf32>,
            tpu.vector_store %arg14[%swap3A_375, %swap3A_376], %mul3A_374 {strides = array<i32>} : memref<128x128xf32, #tpu.memory_space<vmem>>, vector<16xf32>,
            %mul3A_378 = arith.mulf %unpack3A_373, %gather3A : vector<16xf32>
            %swap3A_379 = arith.index_cast %scan3A_325 : i32 to index
            %swap3A_380 = arith.constant 112 : index
            %swap3A_381 = tpu.vector_load %arg14[%swap3A_379, %swap3A_380] {strides = array<i32>} : memref<128x128xf32, #tpu.memory_space<vmem>>, vector<16xf32>,
            tpu.vector_store %arg14[%swap3A_379, %swap3A_380], %mul3A_378 {strides = array<i32>} : memref<128x128xf32, #tpu.memory_space<vmem>>, vector<16xf32>,
          }
          %scan3A_308 = arith.constant 128 : i32
          "tpu.region"() ({
            %run_scoped3A = tpu.sem_alloc : memref<!tpu.dma_semaphore, #tpu.memory_space<semaphore_mem>>
            %dma_start3A_325 = arith.constant 0 : i32
            %dma_start3A_326 = arith.constant 0 : i32
            %dma_start3A_327 = tpu.memref_slice %arg15[%dma_start3A_325, %dma_start3A_326] : memref<8448x128xf32, #tpu.memory_space<vmem_shared>> -> memref<8448x128xf32, #tpu.memory_space<vmem_shared>>
            tpu.enqueue_indirect_dma source(%arg14 : memref<128x128xf32, #tpu.memory_space<vmem>>) target(%dma_start3A_327 : memref<8448x128xf32, #tpu.memory_space<vmem_shared>>) offsets(%arg11 : memref<128xi32, #tpu.memory_space<vmem>>) semaphore(%run_scoped3A : memref<!tpu.dma_semaphore, #tpu.memory_space<semaphore_mem>>) {add = true}
            %dma_wait3A_328 = arith.constant 0 : i32
            %dma_wait3A_329 = arith.constant 0 : i32
            %dma_wait3A_330 = tpu.memref_slice %arg15[%dma_wait3A_328, %dma_wait3A_329] : memref<8448x128xf32, #tpu.memory_space<vmem_shared>> -> memref<8448x128xf32, #tpu.memory_space<vmem_shared>>
            tpu.wait_indirect_dma semaphore(%run_scoped3A : memref<!tpu.dma_semaphore, #tpu.memory_space<semaphore_mem>>) src(%arg14 : memref<128x128xf32, #tpu.memory_space<vmem>>) dst(%dma_wait3A_330 : memref<8448x128xf32, #tpu.memory_space<vmem_shared>>)
            tpu.yield
          }) : () -> ()
          %swap3A_309 = arith.constant 0 : index
          %swap3A_310 = tpu.vector_load %arg12[%swap3A_309] {strides = array<i32>} : memref<128xf32, #tpu.memory_space<vmem>>, vector<16xf32>,
          tpu.vector_store %arg12[%swap3A_309], %broadcast_in_dim3A_0 {strides = array<i32>} : memref<128xf32, #tpu.memory_space<vmem>>, vector<16xf32>,
          %swap3A_311 = arith.constant 16 : index
          %swap3A_312 = tpu.vector_load %arg12[%swap3A_311] {strides = array<i32>} : memref<128xf32, #tpu.memory_space<vmem>>, vector<16xf32>,
          tpu.vector_store %arg12[%swap3A_311], %broadcast_in_dim3A_0 {strides = array<i32>} : memref<128xf32, #tpu.memory_space<vmem>>, vector<16xf32>,
          %swap3A_313 = arith.constant 32 : index
          %swap3A_314 = tpu.vector_load %arg12[%swap3A_313] {strides = array<i32>} : memref<128xf32, #tpu.memory_space<vmem>>, vector<16xf32>,
          tpu.vector_store %arg12[%swap3A_313], %broadcast_in_dim3A_0 {strides = array<i32>} : memref<128xf32, #tpu.memory_space<vmem>>, vector<16xf32>,
          %swap3A_315 = arith.constant 48 : index
          %swap3A_316 = tpu.vector_load %arg12[%swap3A_315] {strides = array<i32>} : memref<128xf32, #tpu.memory_space<vmem>>, vector<16xf32>,
          tpu.vector_store %arg12[%swap3A_315], %broadcast_in_dim3A_0 {strides = array<i32>} : memref<128xf32, #tpu.memory_space<vmem>>, vector<16xf32>,
          %swap3A_317 = arith.constant 64 : index
          %swap3A_318 = tpu.vector_load %arg12[%swap3A_317] {strides = array<i32>} : memref<128xf32, #tpu.memory_space<vmem>>, vector<16xf32>,
          tpu.vector_store %arg12[%swap3A_317], %broadcast_in_dim3A_0 {strides = array<i32>} : memref<128xf32, #tpu.memory_space<vmem>>, vector<16xf32>,
          %swap3A_319 = arith.constant 80 : index
          %swap3A_320 = tpu.vector_load %arg12[%swap3A_319] {strides = array<i32>} : memref<128xf32, #tpu.memory_space<vmem>>, vector<16xf32>,
          tpu.vector_store %arg12[%swap3A_319], %broadcast_in_dim3A_0 {strides = array<i32>} : memref<128xf32, #tpu.memory_space<vmem>>, vector<16xf32>,
          %swap3A_321 = arith.constant 96 : index
          %swap3A_322 = tpu.vector_load %arg12[%swap3A_321] {strides = array<i32>} : memref<128xf32, #tpu.memory_space<vmem>>, vector<16xf32>,
          tpu.vector_store %arg12[%swap3A_321], %broadcast_in_dim3A_0 {strides = array<i32>} : memref<128xf32, #tpu.memory_space<vmem>>, vector<16xf32>,
          %swap3A_323 = arith.constant 112 : index
          %swap3A_324 = tpu.vector_load %arg12[%swap3A_323] {strides = array<i32>} : memref<128xf32, #tpu.memory_space<vmem>>, vector<16xf32>,
          tpu.vector_store %arg12[%swap3A_323], %broadcast_in_dim3A_0 {strides = array<i32>} : memref<128xf32, #tpu.memory_space<vmem>>, vector<16xf32>,
        } else {
        }
        %ge3A_295 = arith.constant 96 : i32
        %ge3A_296 = arith.cmpi sge, %add3A_291, %ge3A_295 : i32
        %jit3A = arith.constant 0 : i32
        %select_n3A = arith.select %ge3A_296, %jit3A, %add3A_291 : i32
        scf.yield %select_n3A : i32
      }
      %scan3A_245 = arith.constant 293 : i32
      scf.yield %scan3A_244 : i32
    }
    %scan3A_79 = arith.constant 4 : i32
    %dma_start3A = arith.constant 0 : i32
    %dma_start3A_80 = arith.constant 0 : i32
    %dma_start3A_81 = tpu.memref_slice %arg5[%dma_start3A, %dma_start3A_80] : memref<50000x64xi32, #tpu.memory_space<hbm>> -> memref<50000x64xi32, #tpu.memory_space<hbm>>
    tpu.enqueue_indirect_dma source(%dma_start3A_81 : memref<50000x64xi32, #tpu.memory_space<hbm>>) target(%arg13 : memref<128x64xi32, #tpu.memory_space<vmem>>) offsets(%arg10 : memref<128xi32, #tpu.memory_space<vmem>>) semaphore(%arg16 : memref<!tpu.dma_semaphore, #tpu.memory_space<semaphore_mem>>)
    %dma_wait3A = arith.constant 0 : i32
    %dma_wait3A_82 = arith.constant 0 : i32
    %dma_wait3A_83 = tpu.memref_slice %arg5[%dma_wait3A, %dma_wait3A_82] : memref<50000x64xi32, #tpu.memory_space<hbm>> -> memref<50000x64xi32, #tpu.memory_space<hbm>>
    tpu.wait_indirect_dma semaphore(%arg16 : memref<!tpu.dma_semaphore, #tpu.memory_space<semaphore_mem>>) src(%dma_wait3A_83 : memref<50000x64xi32, #tpu.memory_space<hbm>>) dst(%arg13 : memref<128x64xi32, #tpu.memory_space<vmem>>)
    %scan3A_84 = arith.constant 0 : i32
    %scan3A_85 = arith.constant 0 : i32
    %scan3A_86 = arith.constant 128 : i32
    %scan3A_87 = arith.addi %scan3A_85, %scan3A_86 : i32
    %scan3A_88 = arith.constant 1 : i32
    scf.for %scan3A_235 = %scan3A_85 to %scan3A_87 step %scan3A_88  : i32 {
      %add3A_236 = vector.broadcast %scan3A_235 : i32 to vector<16xi32>
      %add3A_237 = arith.addi %broadcast_in_dim3A_2, %add3A_236 : vector<16xi32>
      %gather3A = tpu.vector_load_idx %arg12[%add3A_237] : memref<128xf32, #tpu.memory_space<vmem>>[vector<16xi32>], vector<16xf32>,
      %get3A = arith.index_cast %scan3A_235 : i32 to index
      %get3A_238 = arith.constant 0 : index
      %get3A_239 = tpu.vector_load %arg13[%get3A, %get3A_238] {strides = array<i32>} : memref<128x64xi32, #tpu.memory_space<vmem>>, vector<16xi32>,
      %bitcast3A = vector.bitcast %get3A_239 : vector<16xi32> to vector<32xbf16>
      %unpack3A = tpu.unpack_subelements %bitcast3A, 0 {pack_format = #tpu.pack_format<interleaved>} : vector<32xbf16> -> vector<16xf32>
      %unpack3A_240 = tpu.unpack_subelements %bitcast3A, 1 {pack_format = #tpu.pack_format<interleaved>} : vector<32xbf16> -> vector<16xf32>
      %mul3A_241 = arith.mulf %unpack3A, %gather3A : vector<16xf32>
      %swap3A_242 = arith.index_cast %scan3A_235 : i32 to index
      %swap3A_243 = arith.constant 0 : index
      %swap3A_244 = tpu.vector_load %arg14[%swap3A_242, %swap3A_243] {strides = array<i32>} : memref<128x128xf32, #tpu.memory_space<vmem>>, vector<16xf32>,
      tpu.vector_store %arg14[%swap3A_242, %swap3A_243], %mul3A_241 {strides = array<i32>} : memref<128x128xf32, #tpu.memory_space<vmem>>, vector<16xf32>,
      %mul3A_245 = arith.mulf %unpack3A_240, %gather3A : vector<16xf32>
      %swap3A_246 = arith.index_cast %scan3A_235 : i32 to index
      %swap3A_247 = arith.constant 16 : index
      %swap3A_248 = tpu.vector_load %arg14[%swap3A_246, %swap3A_247] {strides = array<i32>} : memref<128x128xf32, #tpu.memory_space<vmem>>, vector<16xf32>,
      tpu.vector_store %arg14[%swap3A_246, %swap3A_247], %mul3A_245 {strides = array<i32>} : memref<128x128xf32, #tpu.memory_space<vmem>>, vector<16xf32>,
      %get3A_249 = arith.index_cast %scan3A_235 : i32 to index
      %get3A_250 = arith.constant 16 : index
      %get3A_251 = tpu.vector_load %arg13[%get3A_249, %get3A_250] {strides = array<i32>} : memref<128x64xi32, #tpu.memory_space<vmem>>, vector<16xi32>,
      %bitcast3A_252 = vector.bitcast %get3A_251 : vector<16xi32> to vector<32xbf16>
      %unpack3A_253 = tpu.unpack_subelements %bitcast3A_252, 0 {pack_format = #tpu.pack_format<interleaved>} : vector<32xbf16> -> vector<16xf32>
      %unpack3A_254 = tpu.unpack_subelements %bitcast3A_252, 1 {pack_format = #tpu.pack_format<interleaved>} : vector<32xbf16> -> vector<16xf32>
      %mul3A_255 = arith.mulf %unpack3A_253, %gather3A : vector<16xf32>
      %swap3A_256 = arith.index_cast %scan3A_235 : i32 to index
      %swap3A_257 = arith.constant 32 : index
      %swap3A_258 = tpu.vector_load %arg14[%swap3A_256, %swap3A_257] {strides = array<i32>} : memref<128x128xf32, #tpu.memory_space<vmem>>, vector<16xf32>,
      tpu.vector_store %arg14[%swap3A_256, %swap3A_257], %mul3A_255 {strides = array<i32>} : memref<128x128xf32, #tpu.memory_space<vmem>>, vector<16xf32>,
      %mul3A_259 = arith.mulf %unpack3A_254, %gather3A : vector<16xf32>
      %swap3A_260 = arith.index_cast %scan3A_235 : i32 to index
      %swap3A_261 = arith.constant 48 : index
      %swap3A_262 = tpu.vector_load %arg14[%swap3A_260, %swap3A_261] {strides = array<i32>} : memref<128x128xf32, #tpu.memory_space<vmem>>, vector<16xf32>,
      tpu.vector_store %arg14[%swap3A_260, %swap3A_261], %mul3A_259 {strides = array<i32>} : memref<128x128xf32, #tpu.memory_space<vmem>>, vector<16xf32>,
      %get3A_263 = arith.index_cast %scan3A_235 : i32 to index
      %get3A_264 = arith.constant 32 : index
      %get3A_265 = tpu.vector_load %arg13[%get3A_263, %get3A_264] {strides = array<i32>} : memref<128x64xi32, #tpu.memory_space<vmem>>, vector<16xi32>,
      %bitcast3A_266 = vector.bitcast %get3A_265 : vector<16xi32> to vector<32xbf16>
      %unpack3A_267 = tpu.unpack_subelements %bitcast3A_266, 0 {pack_format = #tpu.pack_format<interleaved>} : vector<32xbf16> -> vector<16xf32>
      %unpack3A_268 = tpu.unpack_subelements %bitcast3A_266, 1 {pack_format = #tpu.pack_format<interleaved>} : vector<32xbf16> -> vector<16xf32>
      %mul3A_269 = arith.mulf %unpack3A_267, %gather3A : vector<16xf32>
      %swap3A_270 = arith.index_cast %scan3A_235 : i32 to index
      %swap3A_271 = arith.constant 64 : index
      %swap3A_272 = tpu.vector_load %arg14[%swap3A_270, %swap3A_271] {strides = array<i32>} : memref<128x128xf32, #tpu.memory_space<vmem>>, vector<16xf32>,
      tpu.vector_store %arg14[%swap3A_270, %swap3A_271], %mul3A_269 {strides = array<i32>} : memref<128x128xf32, #tpu.memory_space<vmem>>, vector<16xf32>,
      %mul3A_273 = arith.mulf %unpack3A_268, %gather3A : vector<16xf32>
      %swap3A_274 = arith.index_cast %scan3A_235 : i32 to index
      %swap3A_275 = arith.constant 80 : index
      %swap3A_276 = tpu.vector_load %arg14[%swap3A_274, %swap3A_275] {strides = array<i32>} : memref<128x128xf32, #tpu.memory_space<vmem>>, vector<16xf32>,
      tpu.vector_store %arg14[%swap3A_274, %swap3A_275], %mul3A_273 {strides = array<i32>} : memref<128x128xf32, #tpu.memory_space<vmem>>, vector<16xf32>,
      %get3A_277 = arith.index_cast %scan3A_235 : i32 to index
      %get3A_278 = arith.constant 48 : index
      %get3A_279 = tpu.vector_load %arg13[%get3A_277, %get3A_278] {strides = array<i32>} : memref<128x64xi32, #tpu.memory_space<vmem>>, vector<16xi32>,
      %bitcast3A_280 = vector.bitcast %get3A_279 : vector<16xi32> to vector<32xbf16>
      %unpack3A_281 = tpu.unpack_subelements %bitcast3A_280, 0 {pack_format = #tpu.pack_format<interleaved>} : vector<32xbf16> -> vector<16xf32>
      %unpack3A_282 = tpu.unpack_subelements %bitcast3A_280, 1 {pack_format = #tpu.pack_format<interleaved>} : vector<32xbf16> -> vector<16xf32>
      %mul3A_283 = arith.mulf %unpack3A_281, %gather3A : vector<16xf32>
      %swap3A_284 = arith.index_cast %scan3A_235 : i32 to index
      %swap3A_285 = arith.constant 96 : index
      %swap3A_286 = tpu.vector_load %arg14[%swap3A_284, %swap3A_285] {strides = array<i32>} : memref<128x128xf32, #tpu.memory_space<vmem>>, vector<16xf32>,
      tpu.vector_store %arg14[%swap3A_284, %swap3A_285], %mul3A_283 {strides = array<i32>} : memref<128x128xf32, #tpu.memory_space<vmem>>, vector<16xf32>,
      %mul3A_287 = arith.mulf %unpack3A_282, %gather3A : vector<16xf32>
      %swap3A_288 = arith.index_cast %scan3A_235 : i32 to index
      %swap3A_289 = arith.constant 112 : index
      %swap3A_290 = tpu.vector_load %arg14[%swap3A_288, %swap3A_289] {strides = array<i32>} : memref<128x128xf32, #tpu.memory_space<vmem>>, vector<16xf32>,
      tpu.vector_store %arg14[%swap3A_288, %swap3A_289], %mul3A_287 {strides = array<i32>} : memref<128x128xf32, #tpu.memory_space<vmem>>, vector<16xf32>,
    }
    %scan3A_89 = arith.constant 128 : i32
    "tpu.region"() ({
      %run_scoped3A = tpu.sem_alloc : memref<!tpu.dma_semaphore, #tpu.memory_space<semaphore_mem>>
      %dma_start3A_235 = arith.constant 0 : i32
      %dma_start3A_236 = arith.constant 0 : i32
      %dma_start3A_237 = tpu.memref_slice %arg15[%dma_start3A_235, %dma_start3A_236] : memref<8448x128xf32, #tpu.memory_space<vmem_shared>> -> memref<8448x128xf32, #tpu.memory_space<vmem_shared>>
      tpu.enqueue_indirect_dma source(%arg14 : memref<128x128xf32, #tpu.memory_space<vmem>>) target(%dma_start3A_237 : memref<8448x128xf32, #tpu.memory_space<vmem_shared>>) offsets(%arg11 : memref<128xi32, #tpu.memory_space<vmem>>) semaphore(%run_scoped3A : memref<!tpu.dma_semaphore, #tpu.memory_space<semaphore_mem>>) {add = true}
      %dma_wait3A_238 = arith.constant 0 : i32
      %dma_wait3A_239 = arith.constant 0 : i32
      %dma_wait3A_240 = tpu.memref_slice %arg15[%dma_wait3A_238, %dma_wait3A_239] : memref<8448x128xf32, #tpu.memory_space<vmem_shared>> -> memref<8448x128xf32, #tpu.memory_space<vmem_shared>>
      tpu.wait_indirect_dma semaphore(%run_scoped3A : memref<!tpu.dma_semaphore, #tpu.memory_space<semaphore_mem>>) src(%arg14 : memref<128x128xf32, #tpu.memory_space<vmem>>) dst(%dma_wait3A_240 : memref<8448x128xf32, #tpu.memory_space<vmem_shared>>)
      tpu.yield
    }) : () -> ()
    %swap3A_90 = arith.constant 0 : index
    %swap3A_91 = tpu.vector_load %arg12[%swap3A_90] {strides = array<i32>} : memref<128xf32, #tpu.memory_space<vmem>>, vector<16xf32>,
    tpu.vector_store %arg12[%swap3A_90], %broadcast_in_dim3A_0 {strides = array<i32>} : memref<128xf32, #tpu.memory_space<vmem>>, vector<16xf32>,
    %swap3A_92 = arith.constant 16 : index
    %swap3A_93 = tpu.vector_load %arg12[%swap3A_92] {strides = array<i32>} : memref<128xf32, #tpu.memory_space<vmem>>, vector<16xf32>,
    tpu.vector_store %arg12[%swap3A_92], %broadcast_in_dim3A_0 {strides = array<i32>} : memref<128xf32, #tpu.memory_space<vmem>>, vector<16xf32>,
    %swap3A_94 = arith.constant 32 : index
    %swap3A_95 = tpu.vector_load %arg12[%swap3A_94] {strides = array<i32>} : memref<128xf32, #tpu.memory_space<vmem>>, vector<16xf32>,
    tpu.vector_store %arg12[%swap3A_94], %broadcast_in_dim3A_0 {strides = array<i32>} : memref<128xf32, #tpu.memory_space<vmem>>, vector<16xf32>,
    %swap3A_96 = arith.constant 48 : index
    %swap3A_97 = tpu.vector_load %arg12[%swap3A_96] {strides = array<i32>} : memref<128xf32, #tpu.memory_space<vmem>>, vector<16xf32>,
    tpu.vector_store %arg12[%swap3A_96], %broadcast_in_dim3A_0 {strides = array<i32>} : memref<128xf32, #tpu.memory_space<vmem>>, vector<16xf32>,
    %swap3A_98 = arith.constant 64 : index
    %swap3A_99 = tpu.vector_load %arg12[%swap3A_98] {strides = array<i32>} : memref<128xf32, #tpu.memory_space<vmem>>, vector<16xf32>,
    tpu.vector_store %arg12[%swap3A_98], %broadcast_in_dim3A_0 {strides = array<i32>} : memref<128xf32, #tpu.memory_space<vmem>>, vector<16xf32>,
    %swap3A_100 = arith.constant 80 : index
    %swap3A_101 = tpu.vector_load %arg12[%swap3A_100] {strides = array<i32>} : memref<128xf32, #tpu.memory_space<vmem>>, vector<16xf32>,
    tpu.vector_store %arg12[%swap3A_100], %broadcast_in_dim3A_0 {strides = array<i32>} : memref<128xf32, #tpu.memory_space<vmem>>, vector<16xf32>,
    %swap3A_102 = arith.constant 96 : index
    %swap3A_103 = tpu.vector_load %arg12[%swap3A_102] {strides = array<i32>} : memref<128xf32, #tpu.memory_space<vmem>>, vector<16xf32>,
    tpu.vector_store %arg12[%swap3A_102], %broadcast_in_dim3A_0 {strides = array<i32>} : memref<128xf32, #tpu.memory_space<vmem>>, vector<16xf32>,
    %swap3A_104 = arith.constant 112 : index
    %swap3A_105 = tpu.vector_load %arg12[%swap3A_104] {strides = array<i32>} : memref<128xf32, #tpu.memory_space<vmem>>, vector<16xf32>,
    tpu.vector_store %arg12[%swap3A_104], %broadcast_in_dim3A_0 {strides = array<i32>} : memref<128xf32, #tpu.memory_space<vmem>>, vector<16xf32>,
    %barrier3A_106 = arith.constant 0 : index
    tpu.barrier barrier_id(%barrier3A_106)
    %add3A_107 = arith.addi %mul3A_55, %mul3A_57 : i32
    "tpu.region"() ({
      %run_scoped3A = tpu.sem_alloc : memref<!tpu.dma_semaphore, #tpu.memory_space<semaphore_mem>>
      %dma_start3A_235 = arith.constant 0 : i32
      %dma_start3A_236 = tpu.memref_slice %arg6[%add3A_107, %dma_start3A_235] : memref<50688x128xf32, #tpu.memory_space<hbm>> -> memref<528x128xf32, #tpu.memory_space<hbm>>
      %dma_start3A_237 = arith.constant 0 : i32
      %dma_start3A_238 = tpu.memref_slice %arg15[%mul3A_57, %dma_start3A_237] : memref<8448x128xf32, #tpu.memory_space<vmem_shared>> -> memref<528x128xf32, #tpu.memory_space<vmem_shared>>
      tpu.enqueue_dma source(%dma_start3A_238 : memref<528x128xf32, #tpu.memory_space<vmem_shared>>) target(%dma_start3A_236 : memref<528x128xf32, #tpu.memory_space<hbm>>) target_semaphore(%run_scoped3A : memref<!tpu.dma_semaphore, #tpu.memory_space<semaphore_mem>>)
      %dma_wait3A_239 = arith.constant 0 : i32
      %dma_wait3A_240 = tpu.memref_slice %arg6[%add3A_107, %dma_wait3A_239] : memref<50688x128xf32, #tpu.memory_space<hbm>> -> memref<528x128xf32, #tpu.memory_space<hbm>>
      %dma_wait3A_241 = arith.constant 0 : i32
      %dma_wait3A_242 = tpu.memref_slice %arg15[%mul3A_57, %dma_wait3A_241] : memref<8448x128xf32, #tpu.memory_space<vmem_shared>> -> memref<528x128xf32, #tpu.memory_space<vmem_shared>>
      tpu.wait_dma2 semaphore(%run_scoped3A : memref<!tpu.dma_semaphore, #tpu.memory_space<semaphore_mem>>) src(%dma_wait3A_242 : memref<528x128xf32, #tpu.memory_space<vmem_shared>>) dst(%dma_wait3A_240 : memref<528x128xf32, #tpu.memory_space<hbm>>)
      tpu.yield
    }) : () -> ()
    %barrier3A_108 = arith.constant 0 : index
    tpu.barrier barrier_id(%barrier3A_108)
    %mul3A_109 = arith.constant 3 : i32
    %mul3A_110 = arith.muli %arg0, %mul3A_109 : i32
    %add3A_111 = arith.constant 1 : i32
    %add3A_112 = arith.addi %mul3A_110, %add3A_111 : i32
    %mul3A_113 = arith.constant 8448 : i32
    %mul3A_114 = arith.muli %add3A_112, %mul3A_113 : i32
    %mul3A_115 = arith.constant 528 : i32
    %mul3A_116 = arith.muli %arg1, %mul3A_115 : i32
    %scan3A_117 = arith.constant 0 : i32
    %scan3A_118 = arith.constant 0 : i32
    %scan3A_119 = arith.constant 128 : i32
    %scan3A_120 = arith.addi %scan3A_118, %scan3A_119 : i32
    %scan3A_121 = arith.constant 1 : i32
    scf.for %scan3A_235 = %scan3A_118 to %scan3A_120 step %scan3A_121  : i32 {
      %swap3A_236 = arith.index_cast %scan3A_235 : i32 to index
      %swap3A_237 = arith.constant 0 : index
      %swap3A_238 = tpu.vector_load %arg14[%swap3A_236, %swap3A_237] {strides = array<i32>} : memref<128x128xf32, #tpu.memory_space<vmem>>, vector<16xf32>,
      tpu.vector_store %arg14[%swap3A_236, %swap3A_237], %broadcast_in_dim3A_0 {strides = array<i32>} : memref<128x128xf32, #tpu.memory_space<vmem>>, vector<16xf32>,
      %swap3A_239 = arith.index_cast %scan3A_235 : i32 to index
      %swap3A_240 = arith.constant 16 : index
      %swap3A_241 = tpu.vector_load %arg14[%swap3A_239, %swap3A_240] {strides = array<i32>} : memref<128x128xf32, #tpu.memory_space<vmem>>, vector<16xf32>,
      tpu.vector_store %arg14[%swap3A_239, %swap3A_240], %broadcast_in_dim3A_0 {strides = array<i32>} : memref<128x128xf32, #tpu.memory_space<vmem>>, vector<16xf32>,
      %swap3A_242 = arith.index_cast %scan3A_235 : i32 to index
      %swap3A_243 = arith.constant 32 : index
      %swap3A_244 = tpu.vector_load %arg14[%swap3A_242, %swap3A_243] {strides = array<i32>} : memref<128x128xf32, #tpu.memory_space<vmem>>, vector<16xf32>,
      tpu.vector_store %arg14[%swap3A_242, %swap3A_243], %broadcast_in_dim3A_0 {strides = array<i32>} : memref<128x128xf32, #tpu.memory_space<vmem>>, vector<16xf32>,
      %swap3A_245 = arith.index_cast %scan3A_235 : i32 to index
      %swap3A_246 = arith.constant 48 : index
      %swap3A_247 = tpu.vector_load %arg14[%swap3A_245, %swap3A_246] {strides = array<i32>} : memref<128x128xf32, #tpu.memory_space<vmem>>, vector<16xf32>,
      tpu.vector_store %arg14[%swap3A_245, %swap3A_246], %broadcast_in_dim3A_0 {strides = array<i32>} : memref<128x128xf32, #tpu.memory_space<vmem>>, vector<16xf32>,
      %swap3A_248 = arith.index_cast %scan3A_235 : i32 to index
      %swap3A_249 = arith.constant 64 : index
      %swap3A_250 = tpu.vector_load %arg14[%swap3A_248, %swap3A_249] {strides = array<i32>} : memref<128x128xf32, #tpu.memory_space<vmem>>, vector<16xf32>,
      tpu.vector_store %arg14[%swap3A_248, %swap3A_249], %broadcast_in_dim3A_0 {strides = array<i32>} : memref<128x128xf32, #tpu.memory_space<vmem>>, vector<16xf32>,
      %swap3A_251 = arith.index_cast %scan3A_235 : i32 to index
      %swap3A_252 = arith.constant 80 : index
      %swap3A_253 = tpu.vector_load %arg14[%swap3A_251, %swap3A_252] {strides = array<i32>} : memref<128x128xf32, #tpu.memory_space<vmem>>, vector<16xf32>,
      tpu.vector_store %arg14[%swap3A_251, %swap3A_252], %broadcast_in_dim3A_0 {strides = array<i32>} : memref<128x128xf32, #tpu.memory_space<vmem>>, vector<16xf32>,
      %swap3A_254 = arith.index_cast %scan3A_235 : i32 to index
      %swap3A_255 = arith.constant 96 : index
      %swap3A_256 = tpu.vector_load %arg14[%swap3A_254, %swap3A_255] {strides = array<i32>} : memref<128x128xf32, #tpu.memory_space<vmem>>, vector<16xf32>,
      tpu.vector_store %arg14[%swap3A_254, %swap3A_255], %broadcast_in_dim3A_0 {strides = array<i32>} : memref<128x128xf32, #tpu.memory_space<vmem>>, vector<16xf32>,
      %swap3A_257 = arith.index_cast %scan3A_235 : i32 to index
      %swap3A_258 = arith.constant 112 : index
      %swap3A_259 = tpu.vector_load %arg14[%swap3A_257, %swap3A_258] {strides = array<i32>} : memref<128x128xf32, #tpu.memory_space<vmem>>, vector<16xf32>,
      tpu.vector_store %arg14[%swap3A_257, %swap3A_258], %broadcast_in_dim3A_0 {strides = array<i32>} : memref<128x128xf32, #tpu.memory_space<vmem>>, vector<16xf32>,
    }
    %scan3A_122 = arith.constant 128 : i32
    %add3A_123 = arith.constant 0 : i32
    %add3A_124 = arith.addi %mul3A_116, %add3A_123 : i32
    "tpu.region"() ({
      %run_scoped3A = tpu.sem_alloc : memref<!tpu.dma_semaphore, #tpu.memory_space<semaphore_mem>>
      %dma_start3A_235 = arith.constant 0 : i32
      %dma_start3A_236 = tpu.memref_slice %arg15[%add3A_124, %dma_start3A_235] : memref<8448x128xf32, #tpu.memory_space<vmem_shared>> -> memref<128x128xf32, #tpu.memory_space<vmem_shared>>
      %dma_start3A_237 = arith.constant 0 : i32
      %dma_start3A_238 = tpu.memref_slice %arg15[%add3A_124, %dma_start3A_237] : memref<8448x128xf32, #tpu.memory_space<vmem_shared>> -> memref<128x128xf32, #tpu.memory_space<vmem_shared>>
      tpu.enqueue_dma source(%arg14 : memref<128x128xf32, #tpu.memory_space<vmem>>) target(%dma_start3A_238 : memref<128x128xf32, #tpu.memory_space<vmem_shared>>) target_semaphore(%run_scoped3A : memref<!tpu.dma_semaphore, #tpu.memory_space<semaphore_mem>>)
      %dma_wait3A_239 = arith.constant 0 : i32
      %dma_wait3A_240 = tpu.memref_slice %arg15[%add3A_124, %dma_wait3A_239] : memref<8448x128xf32, #tpu.memory_space<vmem_shared>> -> memref<128x128xf32, #tpu.memory_space<vmem_shared>>
      %dma_wait3A_241 = arith.constant 0 : i32
      %dma_wait3A_242 = tpu.memref_slice %arg15[%add3A_124, %dma_wait3A_241] : memref<8448x128xf32, #tpu.memory_space<vmem_shared>> -> memref<128x128xf32, #tpu.memory_space<vmem_shared>>
      tpu.wait_dma2 semaphore(%run_scoped3A : memref<!tpu.dma_semaphore, #tpu.memory_space<semaphore_mem>>) src(%arg14 : memref<128x128xf32, #tpu.memory_space<vmem>>) dst(%dma_wait3A_242 : memref<128x128xf32, #tpu.memory_space<vmem_shared>>)
      tpu.yield
    }) : () -> ()
    %add3A_125 = arith.constant 128 : i32
    %add3A_126 = arith.addi %mul3A_116, %add3A_125 : i32
    "tpu.region"() ({
      %run_scoped3A = tpu.sem_alloc : memref<!tpu.dma_semaphore, #tpu.memory_space<semaphore_mem>>
      %dma_start3A_235 = arith.constant 0 : i32
      %dma_start3A_236 = tpu.memref_slice %arg15[%add3A_126, %dma_start3A_235] : memref<8448x128xf32, #tpu.memory_space<vmem_shared>> -> memref<128x128xf32, #tpu.memory_space<vmem_shared>>
      %dma_start3A_237 = arith.constant 0 : i32
      %dma_start3A_238 = tpu.memref_slice %arg15[%add3A_126, %dma_start3A_237] : memref<8448x128xf32, #tpu.memory_space<vmem_shared>> -> memref<128x128xf32, #tpu.memory_space<vmem_shared>>
      tpu.enqueue_dma source(%arg14 : memref<128x128xf32, #tpu.memory_space<vmem>>) target(%dma_start3A_238 : memref<128x128xf32, #tpu.memory_space<vmem_shared>>) target_semaphore(%run_scoped3A : memref<!tpu.dma_semaphore, #tpu.memory_space<semaphore_mem>>)
      %dma_wait3A_239 = arith.constant 0 : i32
      %dma_wait3A_240 = tpu.memref_slice %arg15[%add3A_126, %dma_wait3A_239] : memref<8448x128xf32, #tpu.memory_space<vmem_shared>> -> memref<128x128xf32, #tpu.memory_space<vmem_shared>>
      %dma_wait3A_241 = arith.constant 0 : i32
      %dma_wait3A_242 = tpu.memref_slice %arg15[%add3A_126, %dma_wait3A_241] : memref<8448x128xf32, #tpu.memory_space<vmem_shared>> -> memref<128x128xf32, #tpu.memory_space<vmem_shared>>
      tpu.wait_dma2 semaphore(%run_scoped3A : memref<!tpu.dma_semaphore, #tpu.memory_space<semaphore_mem>>) src(%arg14 : memref<128x128xf32, #tpu.memory_space<vmem>>) dst(%dma_wait3A_242 : memref<128x128xf32, #tpu.memory_space<vmem_shared>>)
      tpu.yield
    }) : () -> ()
    %add3A_127 = arith.constant 256 : i32
    %add3A_128 = arith.addi %mul3A_116, %add3A_127 : i32
    "tpu.region"() ({
      %run_scoped3A = tpu.sem_alloc : memref<!tpu.dma_semaphore, #tpu.memory_space<semaphore_mem>>
      %dma_start3A_235 = arith.constant 0 : i32
      %dma_start3A_236 = tpu.memref_slice %arg15[%add3A_128, %dma_start3A_235] : memref<8448x128xf32, #tpu.memory_space<vmem_shared>> -> memref<128x128xf32, #tpu.memory_space<vmem_shared>>
      %dma_start3A_237 = arith.constant 0 : i32
      %dma_start3A_238 = tpu.memref_slice %arg15[%add3A_128, %dma_start3A_237] : memref<8448x128xf32, #tpu.memory_space<vmem_shared>> -> memref<128x128xf32, #tpu.memory_space<vmem_shared>>
      tpu.enqueue_dma source(%arg14 : memref<128x128xf32, #tpu.memory_space<vmem>>) target(%dma_start3A_238 : memref<128x128xf32, #tpu.memory_space<vmem_shared>>) target_semaphore(%run_scoped3A : memref<!tpu.dma_semaphore, #tpu.memory_space<semaphore_mem>>)
      %dma_wait3A_239 = arith.constant 0 : i32
      %dma_wait3A_240 = tpu.memref_slice %arg15[%add3A_128, %dma_wait3A_239] : memref<8448x128xf32, #tpu.memory_space<vmem_shared>> -> memref<128x128xf32, #tpu.memory_space<vmem_shared>>
      %dma_wait3A_241 = arith.constant 0 : i32
      %dma_wait3A_242 = tpu.memref_slice %arg15[%add3A_128, %dma_wait3A_241] : memref<8448x128xf32, #tpu.memory_space<vmem_shared>> -> memref<128x128xf32, #tpu.memory_space<vmem_shared>>
      tpu.wait_dma2 semaphore(%run_scoped3A : memref<!tpu.dma_semaphore, #tpu.memory_space<semaphore_mem>>) src(%arg14 : memref<128x128xf32, #tpu.memory_space<vmem>>) dst(%dma_wait3A_242 : memref<128x128xf32, #tpu.memory_space<vmem_shared>>)
      tpu.yield
    }) : () -> ()
    %add3A_129 = arith.constant 384 : i32
    %add3A_130 = arith.addi %mul3A_116, %add3A_129 : i32
    "tpu.region"() ({
      %run_scoped3A = tpu.sem_alloc : memref<!tpu.dma_semaphore, #tpu.memory_space<semaphore_mem>>
      %dma_start3A_235 = arith.constant 0 : i32
      %dma_start3A_236 = tpu.memref_slice %arg15[%add3A_130, %dma_start3A_235] : memref<8448x128xf32, #tpu.memory_space<vmem_shared>> -> memref<128x128xf32, #tpu.memory_space<vmem_shared>>
      %dma_start3A_237 = arith.constant 0 : i32
      %dma_start3A_238 = tpu.memref_slice %arg15[%add3A_130, %dma_start3A_237] : memref<8448x128xf32, #tpu.memory_space<vmem_shared>> -> memref<128x128xf32, #tpu.memory_space<vmem_shared>>
      tpu.enqueue_dma source(%arg14 : memref<128x128xf32, #tpu.memory_space<vmem>>) target(%dma_start3A_238 : memref<128x128xf32, #tpu.memory_space<vmem_shared>>) target_semaphore(%run_scoped3A : memref<!tpu.dma_semaphore, #tpu.memory_space<semaphore_mem>>)
      %dma_wait3A_239 = arith.constant 0 : i32
      %dma_wait3A_240 = tpu.memref_slice %arg15[%add3A_130, %dma_wait3A_239] : memref<8448x128xf32, #tpu.memory_space<vmem_shared>> -> memref<128x128xf32, #tpu.memory_space<vmem_shared>>
      %dma_wait3A_241 = arith.constant 0 : i32
      %dma_wait3A_242 = tpu.memref_slice %arg15[%add3A_130, %dma_wait3A_241] : memref<8448x128xf32, #tpu.memory_space<vmem_shared>> -> memref<128x128xf32, #tpu.memory_space<vmem_shared>>
      tpu.wait_dma2 semaphore(%run_scoped3A : memref<!tpu.dma_semaphore, #tpu.memory_space<semaphore_mem>>) src(%arg14 : memref<128x128xf32, #tpu.memory_space<vmem>>) dst(%dma_wait3A_242 : memref<128x128xf32, #tpu.memory_space<vmem_shared>>)
      tpu.yield
    }) : () -> ()
    %add3A_131 = arith.constant 512 : i32
    %add3A_132 = arith.addi %mul3A_116, %add3A_131 : i32
    "tpu.region"() ({
      %run_scoped3A = tpu.sem_alloc : memref<!tpu.dma_semaphore, #tpu.memory_space<semaphore_mem>>
      %dma_start3A_235 = arith.constant 0 : i32
      %dma_start3A_236 = arith.constant 0 : i32
      %dma_start3A_237 = tpu.memref_slice %arg14[%dma_start3A_235, %dma_start3A_236] : memref<128x128xf32, #tpu.memory_space<vmem>> -> memref<16x128xf32, #tpu.memory_space<vmem>>
      %dma_start3A_238 = arith.constant 0 : i32
      %dma_start3A_239 = tpu.memref_slice %arg15[%add3A_132, %dma_start3A_238] : memref<8448x128xf32, #tpu.memory_space<vmem_shared>> -> memref<16x128xf32, #tpu.memory_space<vmem_shared>>
      %dma_start3A_240 = arith.constant 0 : i32
      %dma_start3A_241 = tpu.memref_slice %arg15[%add3A_132, %dma_start3A_240] : memref<8448x128xf32, #tpu.memory_space<vmem_shared>> -> memref<16x128xf32, #tpu.memory_space<vmem_shared>>
      %dma_start3A_242 = arith.constant 0 : i32
      %dma_start3A_243 = arith.constant 0 : i32
      %dma_start3A_244 = tpu.memref_slice %arg14[%dma_start3A_242, %dma_start3A_243] : memref<128x128xf32, #tpu.memory_space<vmem>> -> memref<16x128xf32, #tpu.memory_space<vmem>>
      tpu.enqueue_dma source(%dma_start3A_244 : memref<16x128xf32, #tpu.memory_space<vmem>>) target(%dma_start3A_241 : memref<16x128xf32, #tpu.memory_space<vmem_shared>>) target_semaphore(%run_scoped3A : memref<!tpu.dma_semaphore, #tpu.memory_space<semaphore_mem>>)
      %dma_wait3A_245 = arith.constant 0 : i32
      %dma_wait3A_246 = arith.constant 0 : i32
      %dma_wait3A_247 = tpu.memref_slice %arg14[%dma_wait3A_245, %dma_wait3A_246] : memref<128x128xf32, #tpu.memory_space<vmem>> -> memref<16x128xf32, #tpu.memory_space<vmem>>
      %dma_wait3A_248 = arith.constant 0 : i32
      %dma_wait3A_249 = tpu.memref_slice %arg15[%add3A_132, %dma_wait3A_248] : memref<8448x128xf32, #tpu.memory_space<vmem_shared>> -> memref<16x128xf32, #tpu.memory_space<vmem_shared>>
      %dma_wait3A_250 = arith.constant 0 : i32
      %dma_wait3A_251 = tpu.memref_slice %arg15[%add3A_132, %dma_wait3A_250] : memref<8448x128xf32, #tpu.memory_space<vmem_shared>> -> memref<16x128xf32, #tpu.memory_space<vmem_shared>>
      %dma_wait3A_252 = arith.constant 0 : i32
      %dma_wait3A_253 = arith.constant 0 : i32
      %dma_wait3A_254 = tpu.memref_slice %arg14[%dma_wait3A_252, %dma_wait3A_253] : memref<128x128xf32, #tpu.memory_space<vmem>> -> memref<16x128xf32, #tpu.memory_space<vmem>>
      tpu.wait_dma2 semaphore(%run_scoped3A : memref<!tpu.dma_semaphore, #tpu.memory_space<semaphore_mem>>) src(%dma_wait3A_254 : memref<16x128xf32, #tpu.memory_space<vmem>>) dst(%dma_wait3A_251 : memref<16x128xf32, #tpu.memory_space<vmem_shared>>)
      tpu.yield
    }) : () -> ()
    %barrier3A_133 = arith.constant 0 : index
    tpu.barrier barrier_id(%barrier3A_133)
    %scan3A_134 = arith.constant 0 : i32
    %scan3A_135 = arith.constant 0 : i32
    %scan3A_136 = arith.constant 4 : i32
    %scan3A_137 = arith.addi %scan3A_135, %scan3A_136 : i32
    %scan3A_138 = arith.constant 1 : i32
    %scan3A_139 = scf.for %scan3A_235 = %scan3A_135 to %scan3A_137 step %scan3A_138 iter_args(%scan3A_236 = %scan3A_134) -> (i32)  : i32 {
      %mul3A_237 = arith.constant 9376 : i32
      %mul3A_238 = arith.muli %scan3A_235, %mul3A_237 : i32
      %add3A_239 = arith.addi %mul3A_50, %mul3A_238 : i32
      "tpu.region"() ({
        %run_scoped3A = tpu.sem_alloc : memref<!tpu.dma_semaphore, #tpu.memory_space<semaphore_mem>>
        %dma_start3A_246 = tpu.memref_slice %arg2[%add3A_239] : memref<600064xi32, #tpu.memory_space<hbm>> -> memref<9376xi32, #tpu.memory_space<hbm>>
        %dma_start3A_247 = tpu.memref_slice %arg2[%add3A_239] : memref<600064xi32, #tpu.memory_space<hbm>> -> memref<9376xi32, #tpu.memory_space<hbm>>
        tpu.enqueue_dma source(%dma_start3A_247 : memref<9376xi32, #tpu.memory_space<hbm>>) target(%arg7 : memref<9376xi32, #tpu.memory_space<vmem>>) target_semaphore(%run_scoped3A : memref<!tpu.dma_semaphore, #tpu.memory_space<semaphore_mem>>)
        %dma_wait3A_248 = tpu.memref_slice %arg2[%add3A_239] : memref<600064xi32, #tpu.memory_space<hbm>> -> memref<9376xi32, #tpu.memory_space<hbm>>
        %dma_wait3A_249 = tpu.memref_slice %arg2[%add3A_239] : memref<600064xi32, #tpu.memory_space<hbm>> -> memref<9376xi32, #tpu.memory_space<hbm>>
        tpu.wait_dma2 semaphore(%run_scoped3A : memref<!tpu.dma_semaphore, #tpu.memory_space<semaphore_mem>>) src(%dma_wait3A_249 : memref<9376xi32, #tpu.memory_space<hbm>>) dst(%arg7 : memref<9376xi32, #tpu.memory_space<vmem>>)
        tpu.yield
      }) : () -> ()
      "tpu.region"() ({
        %run_scoped3A = tpu.sem_alloc : memref<!tpu.dma_semaphore, #tpu.memory_space<semaphore_mem>>
        %dma_start3A_246 = tpu.memref_slice %arg3[%add3A_239] : memref<600064xi32, #tpu.memory_space<hbm>> -> memref<9376xi32, #tpu.memory_space<hbm>>
        %dma_start3A_247 = tpu.memref_slice %arg3[%add3A_239] : memref<600064xi32, #tpu.memory_space<hbm>> -> memref<9376xi32, #tpu.memory_space<hbm>>
        tpu.enqueue_dma source(%dma_start3A_247 : memref<9376xi32, #tpu.memory_space<hbm>>) target(%arg8 : memref<9376xi32, #tpu.memory_space<vmem>>) target_semaphore(%run_scoped3A : memref<!tpu.dma_semaphore, #tpu.memory_space<semaphore_mem>>)
        %dma_wait3A_248 = tpu.memref_slice %arg3[%add3A_239] : memref<600064xi32, #tpu.memory_space<hbm>> -> memref<9376xi32, #tpu.memory_space<hbm>>
        %dma_wait3A_249 = tpu.memref_slice %arg3[%add3A_239] : memref<600064xi32, #tpu.memory_space<hbm>> -> memref<9376xi32, #tpu.memory_space<hbm>>
        tpu.wait_dma2 semaphore(%run_scoped3A : memref<!tpu.dma_semaphore, #tpu.memory_space<semaphore_mem>>) src(%dma_wait3A_249 : memref<9376xi32, #tpu.memory_space<hbm>>) dst(%arg8 : memref<9376xi32, #tpu.memory_space<vmem>>)
        tpu.yield
      }) : () -> ()
      "tpu.region"() ({
        %run_scoped3A = tpu.sem_alloc : memref<!tpu.dma_semaphore, #tpu.memory_space<semaphore_mem>>
        %dma_start3A_246 = tpu.memref_slice %arg4[%add3A_239] : memref<600064xf32, #tpu.memory_space<hbm>> -> memref<9376xf32, #tpu.memory_space<hbm>>
        %dma_start3A_247 = tpu.memref_slice %arg4[%add3A_239] : memref<600064xf32, #tpu.memory_space<hbm>> -> memref<9376xf32, #tpu.memory_space<hbm>>
        tpu.enqueue_dma source(%dma_start3A_247 : memref<9376xf32, #tpu.memory_space<hbm>>) target(%arg9 : memref<9376xf32, #tpu.memory_space<vmem>>) target_semaphore(%run_scoped3A : memref<!tpu.dma_semaphore, #tpu.memory_space<semaphore_mem>>)
        %dma_wait3A_248 = tpu.memref_slice %arg4[%add3A_239] : memref<600064xf32, #tpu.memory_space<hbm>> -> memref<9376xf32, #tpu.memory_space<hbm>>
        %dma_wait3A_249 = tpu.memref_slice %arg4[%add3A_239] : memref<600064xf32, #tpu.memory_space<hbm>> -> memref<9376xf32, #tpu.memory_space<hbm>>
        tpu.wait_dma2 semaphore(%run_scoped3A : memref<!tpu.dma_semaphore, #tpu.memory_space<semaphore_mem>>) src(%dma_wait3A_249 : memref<9376xf32, #tpu.memory_space<hbm>>) dst(%arg9 : memref<9376xf32, #tpu.memory_space<vmem>>)
        tpu.yield
      }) : () -> ()
      %scan3A_240 = arith.constant 0 : i32
      %scan3A_241 = arith.constant 293 : i32
      %scan3A_242 = arith.addi %scan3A_240, %scan3A_241 : i32
      %scan3A_243 = arith.constant 1 : i32
      %scan3A_244 = scf.for %scan3A_246 = %scan3A_240 to %scan3A_242 step %scan3A_243 iter_args(%scan3A_247 = %scan3A_236) -> (i32)  : i32 {
        %mul3A_248 = arith.constant 32 : i32
        %mul3A_249 = arith.muli %scan3A_246, %mul3A_248 : i32
        %add3A_250 = arith.constant 0 : i32
        %add3A_251 = arith.addi %mul3A_249, %add3A_250 : i32
        %get3A = arith.index_cast %add3A_251 : i32 to index
        %get3A_252 = tpu.vector_load %arg7[%get3A] {strides = array<i32>} : memref<9376xi32, #tpu.memory_space<vmem>>, vector<16xi32>,
        %sub3A = vector.broadcast %mul3A_114 : i32 to vector<16xi32>
        %sub3A_253 = arith.subi %get3A_252, %sub3A : vector<16xi32>
        %lt3A = arith.constant 8448 : i32
        %lt3A_254 = vector.broadcast %lt3A : i32 to vector<16xi32>
        %lt3A_255 = arith.cmpi ult, %sub3A_253, %lt3A_254 : vector<16xi32>
        %get3A_256 = arith.index_cast %add3A_251 : i32 to index
        %get3A_257 = tpu.vector_load %arg8[%get3A_256] {strides = array<i32>} : memref<9376xi32, #tpu.memory_space<vmem>>, vector<16xi32>,
        %get3A_258 = arith.index_cast %add3A_251 : i32 to index
        %get3A_259 = tpu.vector_load %arg9[%get3A_258] {strides = array<i32>} : memref<9376xf32, #tpu.memory_space<vmem>>, vector<16xf32>,
        %convert_element_type3A = arith.extui %lt3A_255 : vector<16xi1> to vector<16xi32>
        %broadcast_in_dim3A_260 = arith.constant true
        %broadcast_in_dim3A_261 = vector.broadcast %broadcast_in_dim3A_260 : i1 to vector<16xi1>
        %masked_cumsum3A = tpu.scan <sum>, %convert_element_type3A masked %broadcast_in_dim3A_261 : vector<16xi32>, vector<16xi1> -> vector<16xi32>
        %sub3A_262 = arith.subi %masked_cumsum3A, %convert_element_type3A : vector<16xi32>
        %add3A_263 = vector.broadcast %scan3A_247 : i32 to vector<16xi32>
        %add3A_264 = arith.addi %sub3A_262, %add3A_263 : vector<16xi32>
        tpu.vector_store_idx %arg10[%add3A_264], %get3A_257 masked %lt3A_255 : memref<128xi32, #tpu.memory_space<vmem>>[vector<16xi32>], vector<16xi32>, vector<16xi1>
        tpu.vector_store_idx %arg11[%add3A_264], %sub3A_253 masked %lt3A_255 : memref<128xi32, #tpu.memory_space<vmem>>[vector<16xi32>], vector<16xi32>, vector<16xi1>
        tpu.vector_store_idx %arg12[%add3A_264], %get3A_259 masked %lt3A_255 : memref<128xf32, #tpu.memory_space<vmem>>[vector<16xi32>], vector<16xf32>, vector<16xi1>
        %all_reduce_population_count3A = tpu.all_reduce %lt3A_255 {dim = 0 : i64, kind = #tpu.reduction_kind<sum>} : vector<16xi1> -> vector<16xi32>
        %slice3A = vector.extract_strided_slice %all_reduce_population_count3A {offsets = [0], sizes = [1], strides = [1]} : vector<16xi32> to vector<1xi32>
        %squeeze3A = vector.extract %slice3A[0] : i32 from vector<1xi32>
        %add3A_265 = arith.addi %scan3A_247, %squeeze3A : i32
        %mul3A_266 = arith.constant 32 : i32
        %mul3A_267 = arith.muli %scan3A_246, %mul3A_266 : i32
        %add3A_268 = arith.constant 16 : i32
        %add3A_269 = arith.addi %mul3A_267, %add3A_268 : i32
        %get3A_270 = arith.index_cast %add3A_269 : i32 to index
        %get3A_271 = tpu.vector_load %arg7[%get3A_270] {strides = array<i32>} : memref<9376xi32, #tpu.memory_space<vmem>>, vector<16xi32>,
        %sub3A_272 = vector.broadcast %mul3A_114 : i32 to vector<16xi32>
        %sub3A_273 = arith.subi %get3A_271, %sub3A_272 : vector<16xi32>
        %lt3A_274 = arith.constant 8448 : i32
        %lt3A_275 = vector.broadcast %lt3A_274 : i32 to vector<16xi32>
        %lt3A_276 = arith.cmpi ult, %sub3A_273, %lt3A_275 : vector<16xi32>
        %get3A_277 = arith.index_cast %add3A_269 : i32 to index
        %get3A_278 = tpu.vector_load %arg8[%get3A_277] {strides = array<i32>} : memref<9376xi32, #tpu.memory_space<vmem>>, vector<16xi32>,
        %get3A_279 = arith.index_cast %add3A_269 : i32 to index
        %get3A_280 = tpu.vector_load %arg9[%get3A_279] {strides = array<i32>} : memref<9376xf32, #tpu.memory_space<vmem>>, vector<16xf32>,
        %convert_element_type3A_281 = arith.extui %lt3A_276 : vector<16xi1> to vector<16xi32>
        %broadcast_in_dim3A_282 = arith.constant true
        %broadcast_in_dim3A_283 = vector.broadcast %broadcast_in_dim3A_282 : i1 to vector<16xi1>
        %masked_cumsum3A_284 = tpu.scan <sum>, %convert_element_type3A_281 masked %broadcast_in_dim3A_283 : vector<16xi32>, vector<16xi1> -> vector<16xi32>
        %sub3A_285 = arith.subi %masked_cumsum3A_284, %convert_element_type3A_281 : vector<16xi32>
        %add3A_286 = vector.broadcast %add3A_265 : i32 to vector<16xi32>
        %add3A_287 = arith.addi %sub3A_285, %add3A_286 : vector<16xi32>
        tpu.vector_store_idx %arg10[%add3A_287], %get3A_278 masked %lt3A_276 : memref<128xi32, #tpu.memory_space<vmem>>[vector<16xi32>], vector<16xi32>, vector<16xi1>
        tpu.vector_store_idx %arg11[%add3A_287], %sub3A_273 masked %lt3A_276 : memref<128xi32, #tpu.memory_space<vmem>>[vector<16xi32>], vector<16xi32>, vector<16xi1>
        tpu.vector_store_idx %arg12[%add3A_287], %get3A_280 masked %lt3A_276 : memref<128xf32, #tpu.memory_space<vmem>>[vector<16xi32>], vector<16xf32>, vector<16xi1>
        %all_reduce_population_count3A_288 = tpu.all_reduce %lt3A_276 {dim = 0 : i64, kind = #tpu.reduction_kind<sum>} : vector<16xi1> -> vector<16xi32>
        %slice3A_289 = vector.extract_strided_slice %all_reduce_population_count3A_288 {offsets = [0], sizes = [1], strides = [1]} : vector<16xi32> to vector<1xi32>
        %squeeze3A_290 = vector.extract %slice3A_289[0] : i32 from vector<1xi32>
        %add3A_291 = arith.addi %add3A_265, %squeeze3A_290 : i32
        %ge3A = arith.constant 96 : i32
        %ge3A_292 = arith.cmpi sge, %add3A_291, %ge3A : i32
        %convert_element_type3A_293 = arith.extui %ge3A_292 : i1 to i32
        %cond3A = arith.constant 0 : i32
        %cond3A_294 = arith.cmpi ne, %convert_element_type3A_293, %cond3A : i32
        scf.if %cond3A_294 {
          %dma_start3A_297 = arith.constant 0 : i32
          %dma_start3A_298 = arith.constant 0 : i32
          %dma_start3A_299 = tpu.memref_slice %arg5[%dma_start3A_297, %dma_start3A_298] : memref<50000x64xi32, #tpu.memory_space<hbm>> -> memref<50000x64xi32, #tpu.memory_space<hbm>>
          tpu.enqueue_indirect_dma source(%dma_start3A_299 : memref<50000x64xi32, #tpu.memory_space<hbm>>) target(%arg13 : memref<128x64xi32, #tpu.memory_space<vmem>>) offsets(%arg10 : memref<128xi32, #tpu.memory_space<vmem>>) semaphore(%arg16 : memref<!tpu.dma_semaphore, #tpu.memory_space<semaphore_mem>>)
          %dma_wait3A_300 = arith.constant 0 : i32
          %dma_wait3A_301 = arith.constant 0 : i32
          %dma_wait3A_302 = tpu.memref_slice %arg5[%dma_wait3A_300, %dma_wait3A_301] : memref<50000x64xi32, #tpu.memory_space<hbm>> -> memref<50000x64xi32, #tpu.memory_space<hbm>>
          tpu.wait_indirect_dma semaphore(%arg16 : memref<!tpu.dma_semaphore, #tpu.memory_space<semaphore_mem>>) src(%dma_wait3A_302 : memref<50000x64xi32, #tpu.memory_space<hbm>>) dst(%arg13 : memref<128x64xi32, #tpu.memory_space<vmem>>)
          %scan3A_303 = arith.constant 0 : i32
          %scan3A_304 = arith.constant 0 : i32
          %scan3A_305 = arith.constant 128 : i32
          %scan3A_306 = arith.addi %scan3A_304, %scan3A_305 : i32
          %scan3A_307 = arith.constant 1 : i32
          scf.for %scan3A_325 = %scan3A_304 to %scan3A_306 step %scan3A_307  : i32 {
            %add3A_326 = vector.broadcast %scan3A_325 : i32 to vector<16xi32>
            %add3A_327 = arith.addi %broadcast_in_dim3A_2, %add3A_326 : vector<16xi32>
            %gather3A = tpu.vector_load_idx %arg12[%add3A_327] : memref<128xf32, #tpu.memory_space<vmem>>[vector<16xi32>], vector<16xf32>,
            %get3A_328 = arith.index_cast %scan3A_325 : i32 to index
            %get3A_329 = arith.constant 0 : index
            %get3A_330 = tpu.vector_load %arg13[%get3A_328, %get3A_329] {strides = array<i32>} : memref<128x64xi32, #tpu.memory_space<vmem>>, vector<16xi32>,
            %bitcast3A = vector.bitcast %get3A_330 : vector<16xi32> to vector<32xbf16>
            %unpack3A = tpu.unpack_subelements %bitcast3A, 0 {pack_format = #tpu.pack_format<interleaved>} : vector<32xbf16> -> vector<16xf32>
            %unpack3A_331 = tpu.unpack_subelements %bitcast3A, 1 {pack_format = #tpu.pack_format<interleaved>} : vector<32xbf16> -> vector<16xf32>
            %mul3A_332 = arith.mulf %unpack3A, %gather3A : vector<16xf32>
            %swap3A_333 = arith.index_cast %scan3A_325 : i32 to index
            %swap3A_334 = arith.constant 0 : index
            %swap3A_335 = tpu.vector_load %arg14[%swap3A_333, %swap3A_334] {strides = array<i32>} : memref<128x128xf32, #tpu.memory_space<vmem>>, vector<16xf32>,
            tpu.vector_store %arg14[%swap3A_333, %swap3A_334], %mul3A_332 {strides = array<i32>} : memref<128x128xf32, #tpu.memory_space<vmem>>, vector<16xf32>,
            %mul3A_336 = arith.mulf %unpack3A_331, %gather3A : vector<16xf32>
            %swap3A_337 = arith.index_cast %scan3A_325 : i32 to index
            %swap3A_338 = arith.constant 16 : index
            %swap3A_339 = tpu.vector_load %arg14[%swap3A_337, %swap3A_338] {strides = array<i32>} : memref<128x128xf32, #tpu.memory_space<vmem>>, vector<16xf32>,
            tpu.vector_store %arg14[%swap3A_337, %swap3A_338], %mul3A_336 {strides = array<i32>} : memref<128x128xf32, #tpu.memory_space<vmem>>, vector<16xf32>,
            %get3A_340 = arith.index_cast %scan3A_325 : i32 to index
            %get3A_341 = arith.constant 16 : index
            %get3A_342 = tpu.vector_load %arg13[%get3A_340, %get3A_341] {strides = array<i32>} : memref<128x64xi32, #tpu.memory_space<vmem>>, vector<16xi32>,
            %bitcast3A_343 = vector.bitcast %get3A_342 : vector<16xi32> to vector<32xbf16>
            %unpack3A_344 = tpu.unpack_subelements %bitcast3A_343, 0 {pack_format = #tpu.pack_format<interleaved>} : vector<32xbf16> -> vector<16xf32>
            %unpack3A_345 = tpu.unpack_subelements %bitcast3A_343, 1 {pack_format = #tpu.pack_format<interleaved>} : vector<32xbf16> -> vector<16xf32>
            %mul3A_346 = arith.mulf %unpack3A_344, %gather3A : vector<16xf32>
            %swap3A_347 = arith.index_cast %scan3A_325 : i32 to index
            %swap3A_348 = arith.constant 32 : index
            %swap3A_349 = tpu.vector_load %arg14[%swap3A_347, %swap3A_348] {strides = array<i32>} : memref<128x128xf32, #tpu.memory_space<vmem>>, vector<16xf32>,
            tpu.vector_store %arg14[%swap3A_347, %swap3A_348], %mul3A_346 {strides = array<i32>} : memref<128x128xf32, #tpu.memory_space<vmem>>, vector<16xf32>,
            %mul3A_350 = arith.mulf %unpack3A_345, %gather3A : vector<16xf32>
            %swap3A_351 = arith.index_cast %scan3A_325 : i32 to index
            %swap3A_352 = arith.constant 48 : index
            %swap3A_353 = tpu.vector_load %arg14[%swap3A_351, %swap3A_352] {strides = array<i32>} : memref<128x128xf32, #tpu.memory_space<vmem>>, vector<16xf32>,
            tpu.vector_store %arg14[%swap3A_351, %swap3A_352], %mul3A_350 {strides = array<i32>} : memref<128x128xf32, #tpu.memory_space<vmem>>, vector<16xf32>,
            %get3A_354 = arith.index_cast %scan3A_325 : i32 to index
            %get3A_355 = arith.constant 32 : index
            %get3A_356 = tpu.vector_load %arg13[%get3A_354, %get3A_355] {strides = array<i32>} : memref<128x64xi32, #tpu.memory_space<vmem>>, vector<16xi32>,
            %bitcast3A_357 = vector.bitcast %get3A_356 : vector<16xi32> to vector<32xbf16>
            %unpack3A_358 = tpu.unpack_subelements %bitcast3A_357, 0 {pack_format = #tpu.pack_format<interleaved>} : vector<32xbf16> -> vector<16xf32>
            %unpack3A_359 = tpu.unpack_subelements %bitcast3A_357, 1 {pack_format = #tpu.pack_format<interleaved>} : vector<32xbf16> -> vector<16xf32>
            %mul3A_360 = arith.mulf %unpack3A_358, %gather3A : vector<16xf32>
            %swap3A_361 = arith.index_cast %scan3A_325 : i32 to index
            %swap3A_362 = arith.constant 64 : index
            %swap3A_363 = tpu.vector_load %arg14[%swap3A_361, %swap3A_362] {strides = array<i32>} : memref<128x128xf32, #tpu.memory_space<vmem>>, vector<16xf32>,
            tpu.vector_store %arg14[%swap3A_361, %swap3A_362], %mul3A_360 {strides = array<i32>} : memref<128x128xf32, #tpu.memory_space<vmem>>, vector<16xf32>,
            %mul3A_364 = arith.mulf %unpack3A_359, %gather3A : vector<16xf32>
            %swap3A_365 = arith.index_cast %scan3A_325 : i32 to index
            %swap3A_366 = arith.constant 80 : index
            %swap3A_367 = tpu.vector_load %arg14[%swap3A_365, %swap3A_366] {strides = array<i32>} : memref<128x128xf32, #tpu.memory_space<vmem>>, vector<16xf32>,
            tpu.vector_store %arg14[%swap3A_365, %swap3A_366], %mul3A_364 {strides = array<i32>} : memref<128x128xf32, #tpu.memory_space<vmem>>, vector<16xf32>,
            %get3A_368 = arith.index_cast %scan3A_325 : i32 to index
            %get3A_369 = arith.constant 48 : index
            %get3A_370 = tpu.vector_load %arg13[%get3A_368, %get3A_369] {strides = array<i32>} : memref<128x64xi32, #tpu.memory_space<vmem>>, vector<16xi32>,
            %bitcast3A_371 = vector.bitcast %get3A_370 : vector<16xi32> to vector<32xbf16>
            %unpack3A_372 = tpu.unpack_subelements %bitcast3A_371, 0 {pack_format = #tpu.pack_format<interleaved>} : vector<32xbf16> -> vector<16xf32>
            %unpack3A_373 = tpu.unpack_subelements %bitcast3A_371, 1 {pack_format = #tpu.pack_format<interleaved>} : vector<32xbf16> -> vector<16xf32>
            %mul3A_374 = arith.mulf %unpack3A_372, %gather3A : vector<16xf32>
            %swap3A_375 = arith.index_cast %scan3A_325 : i32 to index
            %swap3A_376 = arith.constant 96 : index
            %swap3A_377 = tpu.vector_load %arg14[%swap3A_375, %swap3A_376] {strides = array<i32>} : memref<128x128xf32, #tpu.memory_space<vmem>>, vector<16xf32>,
            tpu.vector_store %arg14[%swap3A_375, %swap3A_376], %mul3A_374 {strides = array<i32>} : memref<128x128xf32, #tpu.memory_space<vmem>>, vector<16xf32>,
            %mul3A_378 = arith.mulf %unpack3A_373, %gather3A : vector<16xf32>
            %swap3A_379 = arith.index_cast %scan3A_325 : i32 to index
            %swap3A_380 = arith.constant 112 : index
            %swap3A_381 = tpu.vector_load %arg14[%swap3A_379, %swap3A_380] {strides = array<i32>} : memref<128x128xf32, #tpu.memory_space<vmem>>, vector<16xf32>,
            tpu.vector_store %arg14[%swap3A_379, %swap3A_380], %mul3A_378 {strides = array<i32>} : memref<128x128xf32, #tpu.memory_space<vmem>>, vector<16xf32>,
          }
          %scan3A_308 = arith.constant 128 : i32
          "tpu.region"() ({
            %run_scoped3A = tpu.sem_alloc : memref<!tpu.dma_semaphore, #tpu.memory_space<semaphore_mem>>
            %dma_start3A_325 = arith.constant 0 : i32
            %dma_start3A_326 = arith.constant 0 : i32
            %dma_start3A_327 = tpu.memref_slice %arg15[%dma_start3A_325, %dma_start3A_326] : memref<8448x128xf32, #tpu.memory_space<vmem_shared>> -> memref<8448x128xf32, #tpu.memory_space<vmem_shared>>
            tpu.enqueue_indirect_dma source(%arg14 : memref<128x128xf32, #tpu.memory_space<vmem>>) target(%dma_start3A_327 : memref<8448x128xf32, #tpu.memory_space<vmem_shared>>) offsets(%arg11 : memref<128xi32, #tpu.memory_space<vmem>>) semaphore(%run_scoped3A : memref<!tpu.dma_semaphore, #tpu.memory_space<semaphore_mem>>) {add = true}
            %dma_wait3A_328 = arith.constant 0 : i32
            %dma_wait3A_329 = arith.constant 0 : i32
            %dma_wait3A_330 = tpu.memref_slice %arg15[%dma_wait3A_328, %dma_wait3A_329] : memref<8448x128xf32, #tpu.memory_space<vmem_shared>> -> memref<8448x128xf32, #tpu.memory_space<vmem_shared>>
            tpu.wait_indirect_dma semaphore(%run_scoped3A : memref<!tpu.dma_semaphore, #tpu.memory_space<semaphore_mem>>) src(%arg14 : memref<128x128xf32, #tpu.memory_space<vmem>>) dst(%dma_wait3A_330 : memref<8448x128xf32, #tpu.memory_space<vmem_shared>>)
            tpu.yield
          }) : () -> ()
          %swap3A_309 = arith.constant 0 : index
          %swap3A_310 = tpu.vector_load %arg12[%swap3A_309] {strides = array<i32>} : memref<128xf32, #tpu.memory_space<vmem>>, vector<16xf32>,
          tpu.vector_store %arg12[%swap3A_309], %broadcast_in_dim3A_0 {strides = array<i32>} : memref<128xf32, #tpu.memory_space<vmem>>, vector<16xf32>,
          %swap3A_311 = arith.constant 16 : index
          %swap3A_312 = tpu.vector_load %arg12[%swap3A_311] {strides = array<i32>} : memref<128xf32, #tpu.memory_space<vmem>>, vector<16xf32>,
          tpu.vector_store %arg12[%swap3A_311], %broadcast_in_dim3A_0 {strides = array<i32>} : memref<128xf32, #tpu.memory_space<vmem>>, vector<16xf32>,
          %swap3A_313 = arith.constant 32 : index
          %swap3A_314 = tpu.vector_load %arg12[%swap3A_313] {strides = array<i32>} : memref<128xf32, #tpu.memory_space<vmem>>, vector<16xf32>,
          tpu.vector_store %arg12[%swap3A_313], %broadcast_in_dim3A_0 {strides = array<i32>} : memref<128xf32, #tpu.memory_space<vmem>>, vector<16xf32>,
          %swap3A_315 = arith.constant 48 : index
          %swap3A_316 = tpu.vector_load %arg12[%swap3A_315] {strides = array<i32>} : memref<128xf32, #tpu.memory_space<vmem>>, vector<16xf32>,
          tpu.vector_store %arg12[%swap3A_315], %broadcast_in_dim3A_0 {strides = array<i32>} : memref<128xf32, #tpu.memory_space<vmem>>, vector<16xf32>,
          %swap3A_317 = arith.constant 64 : index
          %swap3A_318 = tpu.vector_load %arg12[%swap3A_317] {strides = array<i32>} : memref<128xf32, #tpu.memory_space<vmem>>, vector<16xf32>,
          tpu.vector_store %arg12[%swap3A_317], %broadcast_in_dim3A_0 {strides = array<i32>} : memref<128xf32, #tpu.memory_space<vmem>>, vector<16xf32>,
          %swap3A_319 = arith.constant 80 : index
          %swap3A_320 = tpu.vector_load %arg12[%swap3A_319] {strides = array<i32>} : memref<128xf32, #tpu.memory_space<vmem>>, vector<16xf32>,
          tpu.vector_store %arg12[%swap3A_319], %broadcast_in_dim3A_0 {strides = array<i32>} : memref<128xf32, #tpu.memory_space<vmem>>, vector<16xf32>,
          %swap3A_321 = arith.constant 96 : index
          %swap3A_322 = tpu.vector_load %arg12[%swap3A_321] {strides = array<i32>} : memref<128xf32, #tpu.memory_space<vmem>>, vector<16xf32>,
          tpu.vector_store %arg12[%swap3A_321], %broadcast_in_dim3A_0 {strides = array<i32>} : memref<128xf32, #tpu.memory_space<vmem>>, vector<16xf32>,
          %swap3A_323 = arith.constant 112 : index
          %swap3A_324 = tpu.vector_load %arg12[%swap3A_323] {strides = array<i32>} : memref<128xf32, #tpu.memory_space<vmem>>, vector<16xf32>,
          tpu.vector_store %arg12[%swap3A_323], %broadcast_in_dim3A_0 {strides = array<i32>} : memref<128xf32, #tpu.memory_space<vmem>>, vector<16xf32>,
        } else {
        }
        %ge3A_295 = arith.constant 96 : i32
        %ge3A_296 = arith.cmpi sge, %add3A_291, %ge3A_295 : i32
        %jit3A = arith.constant 0 : i32
        %select_n3A = arith.select %ge3A_296, %jit3A, %add3A_291 : i32
        scf.yield %select_n3A : i32
      }
      %scan3A_245 = arith.constant 293 : i32
      scf.yield %scan3A_244 : i32
    }
    %scan3A_140 = arith.constant 4 : i32
    %dma_start3A_141 = arith.constant 0 : i32
    %dma_start3A_142 = arith.constant 0 : i32
    %dma_start3A_143 = tpu.memref_slice %arg5[%dma_start3A_141, %dma_start3A_142] : memref<50000x64xi32, #tpu.memory_space<hbm>> -> memref<50000x64xi32, #tpu.memory_space<hbm>>
    tpu.enqueue_indirect_dma source(%dma_start3A_143 : memref<50000x64xi32, #tpu.memory_space<hbm>>) target(%arg13 : memref<128x64xi32, #tpu.memory_space<vmem>>) offsets(%arg10 : memref<128xi32, #tpu.memory_space<vmem>>) semaphore(%arg16 : memref<!tpu.dma_semaphore, #tpu.memory_space<semaphore_mem>>)
    %dma_wait3A_144 = arith.constant 0 : i32
    %dma_wait3A_145 = arith.constant 0 : i32
    %dma_wait3A_146 = tpu.memref_slice %arg5[%dma_wait3A_144, %dma_wait3A_145] : memref<50000x64xi32, #tpu.memory_space<hbm>> -> memref<50000x64xi32, #tpu.memory_space<hbm>>
    tpu.wait_indirect_dma semaphore(%arg16 : memref<!tpu.dma_semaphore, #tpu.memory_space<semaphore_mem>>) src(%dma_wait3A_146 : memref<50000x64xi32, #tpu.memory_space<hbm>>) dst(%arg13 : memref<128x64xi32, #tpu.memory_space<vmem>>)
    %scan3A_147 = arith.constant 0 : i32
    %scan3A_148 = arith.constant 0 : i32
    %scan3A_149 = arith.constant 128 : i32
    %scan3A_150 = arith.addi %scan3A_148, %scan3A_149 : i32
    %scan3A_151 = arith.constant 1 : i32
    scf.for %scan3A_235 = %scan3A_148 to %scan3A_150 step %scan3A_151  : i32 {
      %add3A_236 = vector.broadcast %scan3A_235 : i32 to vector<16xi32>
      %add3A_237 = arith.addi %broadcast_in_dim3A_2, %add3A_236 : vector<16xi32>
      %gather3A = tpu.vector_load_idx %arg12[%add3A_237] : memref<128xf32, #tpu.memory_space<vmem>>[vector<16xi32>], vector<16xf32>,
      %get3A = arith.index_cast %scan3A_235 : i32 to index
      %get3A_238 = arith.constant 0 : index
      %get3A_239 = tpu.vector_load %arg13[%get3A, %get3A_238] {strides = array<i32>} : memref<128x64xi32, #tpu.memory_space<vmem>>, vector<16xi32>,
      %bitcast3A = vector.bitcast %get3A_239 : vector<16xi32> to vector<32xbf16>
      %unpack3A = tpu.unpack_subelements %bitcast3A, 0 {pack_format = #tpu.pack_format<interleaved>} : vector<32xbf16> -> vector<16xf32>
      %unpack3A_240 = tpu.unpack_subelements %bitcast3A, 1 {pack_format = #tpu.pack_format<interleaved>} : vector<32xbf16> -> vector<16xf32>
      %mul3A_241 = arith.mulf %unpack3A, %gather3A : vector<16xf32>
      %swap3A_242 = arith.index_cast %scan3A_235 : i32 to index
      %swap3A_243 = arith.constant 0 : index
      %swap3A_244 = tpu.vector_load %arg14[%swap3A_242, %swap3A_243] {strides = array<i32>} : memref<128x128xf32, #tpu.memory_space<vmem>>, vector<16xf32>,
      tpu.vector_store %arg14[%swap3A_242, %swap3A_243], %mul3A_241 {strides = array<i32>} : memref<128x128xf32, #tpu.memory_space<vmem>>, vector<16xf32>,
      %mul3A_245 = arith.mulf %unpack3A_240, %gather3A : vector<16xf32>
      %swap3A_246 = arith.index_cast %scan3A_235 : i32 to index
      %swap3A_247 = arith.constant 16 : index
      %swap3A_248 = tpu.vector_load %arg14[%swap3A_246, %swap3A_247] {strides = array<i32>} : memref<128x128xf32, #tpu.memory_space<vmem>>, vector<16xf32>,
      tpu.vector_store %arg14[%swap3A_246, %swap3A_247], %mul3A_245 {strides = array<i32>} : memref<128x128xf32, #tpu.memory_space<vmem>>, vector<16xf32>,
      %get3A_249 = arith.index_cast %scan3A_235 : i32 to index
      %get3A_250 = arith.constant 16 : index
      %get3A_251 = tpu.vector_load %arg13[%get3A_249, %get3A_250] {strides = array<i32>} : memref<128x64xi32, #tpu.memory_space<vmem>>, vector<16xi32>,
      %bitcast3A_252 = vector.bitcast %get3A_251 : vector<16xi32> to vector<32xbf16>
      %unpack3A_253 = tpu.unpack_subelements %bitcast3A_252, 0 {pack_format = #tpu.pack_format<interleaved>} : vector<32xbf16> -> vector<16xf32>
      %unpack3A_254 = tpu.unpack_subelements %bitcast3A_252, 1 {pack_format = #tpu.pack_format<interleaved>} : vector<32xbf16> -> vector<16xf32>
      %mul3A_255 = arith.mulf %unpack3A_253, %gather3A : vector<16xf32>
      %swap3A_256 = arith.index_cast %scan3A_235 : i32 to index
      %swap3A_257 = arith.constant 32 : index
      %swap3A_258 = tpu.vector_load %arg14[%swap3A_256, %swap3A_257] {strides = array<i32>} : memref<128x128xf32, #tpu.memory_space<vmem>>, vector<16xf32>,
      tpu.vector_store %arg14[%swap3A_256, %swap3A_257], %mul3A_255 {strides = array<i32>} : memref<128x128xf32, #tpu.memory_space<vmem>>, vector<16xf32>,
      %mul3A_259 = arith.mulf %unpack3A_254, %gather3A : vector<16xf32>
      %swap3A_260 = arith.index_cast %scan3A_235 : i32 to index
      %swap3A_261 = arith.constant 48 : index
      %swap3A_262 = tpu.vector_load %arg14[%swap3A_260, %swap3A_261] {strides = array<i32>} : memref<128x128xf32, #tpu.memory_space<vmem>>, vector<16xf32>,
      tpu.vector_store %arg14[%swap3A_260, %swap3A_261], %mul3A_259 {strides = array<i32>} : memref<128x128xf32, #tpu.memory_space<vmem>>, vector<16xf32>,
      %get3A_263 = arith.index_cast %scan3A_235 : i32 to index
      %get3A_264 = arith.constant 32 : index
      %get3A_265 = tpu.vector_load %arg13[%get3A_263, %get3A_264] {strides = array<i32>} : memref<128x64xi32, #tpu.memory_space<vmem>>, vector<16xi32>,
      %bitcast3A_266 = vector.bitcast %get3A_265 : vector<16xi32> to vector<32xbf16>
      %unpack3A_267 = tpu.unpack_subelements %bitcast3A_266, 0 {pack_format = #tpu.pack_format<interleaved>} : vector<32xbf16> -> vector<16xf32>
      %unpack3A_268 = tpu.unpack_subelements %bitcast3A_266, 1 {pack_format = #tpu.pack_format<interleaved>} : vector<32xbf16> -> vector<16xf32>
      %mul3A_269 = arith.mulf %unpack3A_267, %gather3A : vector<16xf32>
      %swap3A_270 = arith.index_cast %scan3A_235 : i32 to index
      %swap3A_271 = arith.constant 64 : index
      %swap3A_272 = tpu.vector_load %arg14[%swap3A_270, %swap3A_271] {strides = array<i32>} : memref<128x128xf32, #tpu.memory_space<vmem>>, vector<16xf32>,
      tpu.vector_store %arg14[%swap3A_270, %swap3A_271], %mul3A_269 {strides = array<i32>} : memref<128x128xf32, #tpu.memory_space<vmem>>, vector<16xf32>,
      %mul3A_273 = arith.mulf %unpack3A_268, %gather3A : vector<16xf32>
      %swap3A_274 = arith.index_cast %scan3A_235 : i32 to index
      %swap3A_275 = arith.constant 80 : index
      %swap3A_276 = tpu.vector_load %arg14[%swap3A_274, %swap3A_275] {strides = array<i32>} : memref<128x128xf32, #tpu.memory_space<vmem>>, vector<16xf32>,
      tpu.vector_store %arg14[%swap3A_274, %swap3A_275], %mul3A_273 {strides = array<i32>} : memref<128x128xf32, #tpu.memory_space<vmem>>, vector<16xf32>,
      %get3A_277 = arith.index_cast %scan3A_235 : i32 to index
      %get3A_278 = arith.constant 48 : index
      %get3A_279 = tpu.vector_load %arg13[%get3A_277, %get3A_278] {strides = array<i32>} : memref<128x64xi32, #tpu.memory_space<vmem>>, vector<16xi32>,
      %bitcast3A_280 = vector.bitcast %get3A_279 : vector<16xi32> to vector<32xbf16>
      %unpack3A_281 = tpu.unpack_subelements %bitcast3A_280, 0 {pack_format = #tpu.pack_format<interleaved>} : vector<32xbf16> -> vector<16xf32>
      %unpack3A_282 = tpu.unpack_subelements %bitcast3A_280, 1 {pack_format = #tpu.pack_format<interleaved>} : vector<32xbf16> -> vector<16xf32>
      %mul3A_283 = arith.mulf %unpack3A_281, %gather3A : vector<16xf32>
      %swap3A_284 = arith.index_cast %scan3A_235 : i32 to index
      %swap3A_285 = arith.constant 96 : index
      %swap3A_286 = tpu.vector_load %arg14[%swap3A_284, %swap3A_285] {strides = array<i32>} : memref<128x128xf32, #tpu.memory_space<vmem>>, vector<16xf32>,
      tpu.vector_store %arg14[%swap3A_284, %swap3A_285], %mul3A_283 {strides = array<i32>} : memref<128x128xf32, #tpu.memory_space<vmem>>, vector<16xf32>,
      %mul3A_287 = arith.mulf %unpack3A_282, %gather3A : vector<16xf32>
      %swap3A_288 = arith.index_cast %scan3A_235 : i32 to index
      %swap3A_289 = arith.constant 112 : index
      %swap3A_290 = tpu.vector_load %arg14[%swap3A_288, %swap3A_289] {strides = array<i32>} : memref<128x128xf32, #tpu.memory_space<vmem>>, vector<16xf32>,
      tpu.vector_store %arg14[%swap3A_288, %swap3A_289], %mul3A_287 {strides = array<i32>} : memref<128x128xf32, #tpu.memory_space<vmem>>, vector<16xf32>,
    }
    %scan3A_152 = arith.constant 128 : i32
    "tpu.region"() ({
      %run_scoped3A = tpu.sem_alloc : memref<!tpu.dma_semaphore, #tpu.memory_space<semaphore_mem>>
      %dma_start3A_235 = arith.constant 0 : i32
      %dma_start3A_236 = arith.constant 0 : i32
      %dma_start3A_237 = tpu.memref_slice %arg15[%dma_start3A_235, %dma_start3A_236] : memref<8448x128xf32, #tpu.memory_space<vmem_shared>> -> memref<8448x128xf32, #tpu.memory_space<vmem_shared>>
      tpu.enqueue_indirect_dma source(%arg14 : memref<128x128xf32, #tpu.memory_space<vmem>>) target(%dma_start3A_237 : memref<8448x128xf32, #tpu.memory_space<vmem_shared>>) offsets(%arg11 : memref<128xi32, #tpu.memory_space<vmem>>) semaphore(%run_scoped3A : memref<!tpu.dma_semaphore, #tpu.memory_space<semaphore_mem>>) {add = true}
      %dma_wait3A_238 = arith.constant 0 : i32
      %dma_wait3A_239 = arith.constant 0 : i32
      %dma_wait3A_240 = tpu.memref_slice %arg15[%dma_wait3A_238, %dma_wait3A_239] : memref<8448x128xf32, #tpu.memory_space<vmem_shared>> -> memref<8448x128xf32, #tpu.memory_space<vmem_shared>>
      tpu.wait_indirect_dma semaphore(%run_scoped3A : memref<!tpu.dma_semaphore, #tpu.memory_space<semaphore_mem>>) src(%arg14 : memref<128x128xf32, #tpu.memory_space<vmem>>) dst(%dma_wait3A_240 : memref<8448x128xf32, #tpu.memory_space<vmem_shared>>)
      tpu.yield
    }) : () -> ()
    %swap3A_153 = arith.constant 0 : index
    %swap3A_154 = tpu.vector_load %arg12[%swap3A_153] {strides = array<i32>} : memref<128xf32, #tpu.memory_space<vmem>>, vector<16xf32>,
    tpu.vector_store %arg12[%swap3A_153], %broadcast_in_dim3A_0 {strides = array<i32>} : memref<128xf32, #tpu.memory_space<vmem>>, vector<16xf32>,
    %swap3A_155 = arith.constant 16 : index
    %swap3A_156 = tpu.vector_load %arg12[%swap3A_155] {strides = array<i32>} : memref<128xf32, #tpu.memory_space<vmem>>, vector<16xf32>,
    tpu.vector_store %arg12[%swap3A_155], %broadcast_in_dim3A_0 {strides = array<i32>} : memref<128xf32, #tpu.memory_space<vmem>>, vector<16xf32>,
    %swap3A_157 = arith.constant 32 : index
    %swap3A_158 = tpu.vector_load %arg12[%swap3A_157] {strides = array<i32>} : memref<128xf32, #tpu.memory_space<vmem>>, vector<16xf32>,
    tpu.vector_store %arg12[%swap3A_157], %broadcast_in_dim3A_0 {strides = array<i32>} : memref<128xf32, #tpu.memory_space<vmem>>, vector<16xf32>,
    %swap3A_159 = arith.constant 48 : index
    %swap3A_160 = tpu.vector_load %arg12[%swap3A_159] {strides = array<i32>} : memref<128xf32, #tpu.memory_space<vmem>>, vector<16xf32>,
    tpu.vector_store %arg12[%swap3A_159], %broadcast_in_dim3A_0 {strides = array<i32>} : memref<128xf32, #tpu.memory_space<vmem>>, vector<16xf32>,
    %swap3A_161 = arith.constant 64 : index
    %swap3A_162 = tpu.vector_load %arg12[%swap3A_161] {strides = array<i32>} : memref<128xf32, #tpu.memory_space<vmem>>, vector<16xf32>,
    tpu.vector_store %arg12[%swap3A_161], %broadcast_in_dim3A_0 {strides = array<i32>} : memref<128xf32, #tpu.memory_space<vmem>>, vector<16xf32>,
    %swap3A_163 = arith.constant 80 : index
    %swap3A_164 = tpu.vector_load %arg12[%swap3A_163] {strides = array<i32>} : memref<128xf32, #tpu.memory_space<vmem>>, vector<16xf32>,
    tpu.vector_store %arg12[%swap3A_163], %broadcast_in_dim3A_0 {strides = array<i32>} : memref<128xf32, #tpu.memory_space<vmem>>, vector<16xf32>,
    %swap3A_165 = arith.constant 96 : index
    %swap3A_166 = tpu.vector_load %arg12[%swap3A_165] {strides = array<i32>} : memref<128xf32, #tpu.memory_space<vmem>>, vector<16xf32>,
    tpu.vector_store %arg12[%swap3A_165], %broadcast_in_dim3A_0 {strides = array<i32>} : memref<128xf32, #tpu.memory_space<vmem>>, vector<16xf32>,
    %swap3A_167 = arith.constant 112 : index
    %swap3A_168 = tpu.vector_load %arg12[%swap3A_167] {strides = array<i32>} : memref<128xf32, #tpu.memory_space<vmem>>, vector<16xf32>,
    tpu.vector_store %arg12[%swap3A_167], %broadcast_in_dim3A_0 {strides = array<i32>} : memref<128xf32, #tpu.memory_space<vmem>>, vector<16xf32>,
    %barrier3A_169 = arith.constant 0 : index
    tpu.barrier barrier_id(%barrier3A_169)
    %add3A_170 = arith.addi %mul3A_114, %mul3A_116 : i32
    "tpu.region"() ({
      %run_scoped3A = tpu.sem_alloc : memref<!tpu.dma_semaphore, #tpu.memory_space<semaphore_mem>>
      %dma_start3A_235 = arith.constant 0 : i32
      %dma_start3A_236 = tpu.memref_slice %arg6[%add3A_170, %dma_start3A_235] : memref<50688x128xf32, #tpu.memory_space<hbm>> -> memref<528x128xf32, #tpu.memory_space<hbm>>
      %dma_start3A_237 = arith.constant 0 : i32
      %dma_start3A_238 = tpu.memref_slice %arg15[%mul3A_116, %dma_start3A_237] : memref<8448x128xf32, #tpu.memory_space<vmem_shared>> -> memref<528x128xf32, #tpu.memory_space<vmem_shared>>
      tpu.enqueue_dma source(%dma_start3A_238 : memref<528x128xf32, #tpu.memory_space<vmem_shared>>) target(%dma_start3A_236 : memref<528x128xf32, #tpu.memory_space<hbm>>) target_semaphore(%run_scoped3A : memref<!tpu.dma_semaphore, #tpu.memory_space<semaphore_mem>>)
      %dma_wait3A_239 = arith.constant 0 : i32
      %dma_wait3A_240 = tpu.memref_slice %arg6[%add3A_170, %dma_wait3A_239] : memref<50688x128xf32, #tpu.memory_space<hbm>> -> memref<528x128xf32, #tpu.memory_space<hbm>>
      %dma_wait3A_241 = arith.constant 0 : i32
      %dma_wait3A_242 = tpu.memref_slice %arg15[%mul3A_116, %dma_wait3A_241] : memref<8448x128xf32, #tpu.memory_space<vmem_shared>> -> memref<528x128xf32, #tpu.memory_space<vmem_shared>>
      tpu.wait_dma2 semaphore(%run_scoped3A : memref<!tpu.dma_semaphore, #tpu.memory_space<semaphore_mem>>) src(%dma_wait3A_242 : memref<528x128xf32, #tpu.memory_space<vmem_shared>>) dst(%dma_wait3A_240 : memref<528x128xf32, #tpu.memory_space<hbm>>)
      tpu.yield
    }) : () -> ()
    %barrier3A_171 = arith.constant 0 : index
    tpu.barrier barrier_id(%barrier3A_171)
    %mul3A_172 = arith.constant 3 : i32
    %mul3A_173 = arith.muli %arg0, %mul3A_172 : i32
    %add3A_174 = arith.constant 2 : i32
    %add3A_175 = arith.addi %mul3A_173, %add3A_174 : i32
    %mul3A_176 = arith.constant 8448 : i32
    %mul3A_177 = arith.muli %add3A_175, %mul3A_176 : i32
    %mul3A_178 = arith.constant 528 : i32
    %mul3A_179 = arith.muli %arg1, %mul3A_178 : i32
    %scan3A_180 = arith.constant 0 : i32
    %scan3A_181 = arith.constant 0 : i32
    %scan3A_182 = arith.constant 128 : i32
    %scan3A_183 = arith.addi %scan3A_181, %scan3A_182 : i32
    %scan3A_184 = arith.constant 1 : i32
    scf.for %scan3A_235 = %scan3A_181 to %scan3A_183 step %scan3A_184  : i32 {
      %swap3A_236 = arith.index_cast %scan3A_235 : i32 to index
      %swap3A_237 = arith.constant 0 : index
      %swap3A_238 = tpu.vector_load %arg14[%swap3A_236, %swap3A_237] {strides = array<i32>} : memref<128x128xf32, #tpu.memory_space<vmem>>, vector<16xf32>,
      tpu.vector_store %arg14[%swap3A_236, %swap3A_237], %broadcast_in_dim3A_0 {strides = array<i32>} : memref<128x128xf32, #tpu.memory_space<vmem>>, vector<16xf32>,
      %swap3A_239 = arith.index_cast %scan3A_235 : i32 to index
      %swap3A_240 = arith.constant 16 : index
      %swap3A_241 = tpu.vector_load %arg14[%swap3A_239, %swap3A_240] {strides = array<i32>} : memref<128x128xf32, #tpu.memory_space<vmem>>, vector<16xf32>,
      tpu.vector_store %arg14[%swap3A_239, %swap3A_240], %broadcast_in_dim3A_0 {strides = array<i32>} : memref<128x128xf32, #tpu.memory_space<vmem>>, vector<16xf32>,
      %swap3A_242 = arith.index_cast %scan3A_235 : i32 to index
      %swap3A_243 = arith.constant 32 : index
      %swap3A_244 = tpu.vector_load %arg14[%swap3A_242, %swap3A_243] {strides = array<i32>} : memref<128x128xf32, #tpu.memory_space<vmem>>, vector<16xf32>,
      tpu.vector_store %arg14[%swap3A_242, %swap3A_243], %broadcast_in_dim3A_0 {strides = array<i32>} : memref<128x128xf32, #tpu.memory_space<vmem>>, vector<16xf32>,
      %swap3A_245 = arith.index_cast %scan3A_235 : i32 to index
      %swap3A_246 = arith.constant 48 : index
      %swap3A_247 = tpu.vector_load %arg14[%swap3A_245, %swap3A_246] {strides = array<i32>} : memref<128x128xf32, #tpu.memory_space<vmem>>, vector<16xf32>,
      tpu.vector_store %arg14[%swap3A_245, %swap3A_246], %broadcast_in_dim3A_0 {strides = array<i32>} : memref<128x128xf32, #tpu.memory_space<vmem>>, vector<16xf32>,
      %swap3A_248 = arith.index_cast %scan3A_235 : i32 to index
      %swap3A_249 = arith.constant 64 : index
      %swap3A_250 = tpu.vector_load %arg14[%swap3A_248, %swap3A_249] {strides = array<i32>} : memref<128x128xf32, #tpu.memory_space<vmem>>, vector<16xf32>,
      tpu.vector_store %arg14[%swap3A_248, %swap3A_249], %broadcast_in_dim3A_0 {strides = array<i32>} : memref<128x128xf32, #tpu.memory_space<vmem>>, vector<16xf32>,
      %swap3A_251 = arith.index_cast %scan3A_235 : i32 to index
      %swap3A_252 = arith.constant 80 : index
      %swap3A_253 = tpu.vector_load %arg14[%swap3A_251, %swap3A_252] {strides = array<i32>} : memref<128x128xf32, #tpu.memory_space<vmem>>, vector<16xf32>,
      tpu.vector_store %arg14[%swap3A_251, %swap3A_252], %broadcast_in_dim3A_0 {strides = array<i32>} : memref<128x128xf32, #tpu.memory_space<vmem>>, vector<16xf32>,
      %swap3A_254 = arith.index_cast %scan3A_235 : i32 to index
      %swap3A_255 = arith.constant 96 : index
      %swap3A_256 = tpu.vector_load %arg14[%swap3A_254, %swap3A_255] {strides = array<i32>} : memref<128x128xf32, #tpu.memory_space<vmem>>, vector<16xf32>,
      tpu.vector_store %arg14[%swap3A_254, %swap3A_255], %broadcast_in_dim3A_0 {strides = array<i32>} : memref<128x128xf32, #tpu.memory_space<vmem>>, vector<16xf32>,
      %swap3A_257 = arith.index_cast %scan3A_235 : i32 to index
      %swap3A_258 = arith.constant 112 : index
      %swap3A_259 = tpu.vector_load %arg14[%swap3A_257, %swap3A_258] {strides = array<i32>} : memref<128x128xf32, #tpu.memory_space<vmem>>, vector<16xf32>,
      tpu.vector_store %arg14[%swap3A_257, %swap3A_258], %broadcast_in_dim3A_0 {strides = array<i32>} : memref<128x128xf32, #tpu.memory_space<vmem>>, vector<16xf32>,
    }
    %scan3A_185 = arith.constant 128 : i32
    %add3A_186 = arith.constant 0 : i32
    %add3A_187 = arith.addi %mul3A_179, %add3A_186 : i32
    "tpu.region"() ({
      %run_scoped3A = tpu.sem_alloc : memref<!tpu.dma_semaphore, #tpu.memory_space<semaphore_mem>>
      %dma_start3A_235 = arith.constant 0 : i32
      %dma_start3A_236 = tpu.memref_slice %arg15[%add3A_187, %dma_start3A_235] : memref<8448x128xf32, #tpu.memory_space<vmem_shared>> -> memref<128x128xf32, #tpu.memory_space<vmem_shared>>
      %dma_start3A_237 = arith.constant 0 : i32
      %dma_start3A_238 = tpu.memref_slice %arg15[%add3A_187, %dma_start3A_237] : memref<8448x128xf32, #tpu.memory_space<vmem_shared>> -> memref<128x128xf32, #tpu.memory_space<vmem_shared>>
      tpu.enqueue_dma source(%arg14 : memref<128x128xf32, #tpu.memory_space<vmem>>) target(%dma_start3A_238 : memref<128x128xf32, #tpu.memory_space<vmem_shared>>) target_semaphore(%run_scoped3A : memref<!tpu.dma_semaphore, #tpu.memory_space<semaphore_mem>>)
      %dma_wait3A_239 = arith.constant 0 : i32
      %dma_wait3A_240 = tpu.memref_slice %arg15[%add3A_187, %dma_wait3A_239] : memref<8448x128xf32, #tpu.memory_space<vmem_shared>> -> memref<128x128xf32, #tpu.memory_space<vmem_shared>>
      %dma_wait3A_241 = arith.constant 0 : i32
      %dma_wait3A_242 = tpu.memref_slice %arg15[%add3A_187, %dma_wait3A_241] : memref<8448x128xf32, #tpu.memory_space<vmem_shared>> -> memref<128x128xf32, #tpu.memory_space<vmem_shared>>
      tpu.wait_dma2 semaphore(%run_scoped3A : memref<!tpu.dma_semaphore, #tpu.memory_space<semaphore_mem>>) src(%arg14 : memref<128x128xf32, #tpu.memory_space<vmem>>) dst(%dma_wait3A_242 : memref<128x128xf32, #tpu.memory_space<vmem_shared>>)
      tpu.yield
    }) : () -> ()
    %add3A_188 = arith.constant 128 : i32
    %add3A_189 = arith.addi %mul3A_179, %add3A_188 : i32
    "tpu.region"() ({
      %run_scoped3A = tpu.sem_alloc : memref<!tpu.dma_semaphore, #tpu.memory_space<semaphore_mem>>
      %dma_start3A_235 = arith.constant 0 : i32
      %dma_start3A_236 = tpu.memref_slice %arg15[%add3A_189, %dma_start3A_235] : memref<8448x128xf32, #tpu.memory_space<vmem_shared>> -> memref<128x128xf32, #tpu.memory_space<vmem_shared>>
      %dma_start3A_237 = arith.constant 0 : i32
      %dma_start3A_238 = tpu.memref_slice %arg15[%add3A_189, %dma_start3A_237] : memref<8448x128xf32, #tpu.memory_space<vmem_shared>> -> memref<128x128xf32, #tpu.memory_space<vmem_shared>>
      tpu.enqueue_dma source(%arg14 : memref<128x128xf32, #tpu.memory_space<vmem>>) target(%dma_start3A_238 : memref<128x128xf32, #tpu.memory_space<vmem_shared>>) target_semaphore(%run_scoped3A : memref<!tpu.dma_semaphore, #tpu.memory_space<semaphore_mem>>)
      %dma_wait3A_239 = arith.constant 0 : i32
      %dma_wait3A_240 = tpu.memref_slice %arg15[%add3A_189, %dma_wait3A_239] : memref<8448x128xf32, #tpu.memory_space<vmem_shared>> -> memref<128x128xf32, #tpu.memory_space<vmem_shared>>
      %dma_wait3A_241 = arith.constant 0 : i32
      %dma_wait3A_242 = tpu.memref_slice %arg15[%add3A_189, %dma_wait3A_241] : memref<8448x128xf32, #tpu.memory_space<vmem_shared>> -> memref<128x128xf32, #tpu.memory_space<vmem_shared>>
      tpu.wait_dma2 semaphore(%run_scoped3A : memref<!tpu.dma_semaphore, #tpu.memory_space<semaphore_mem>>) src(%arg14 : memref<128x128xf32, #tpu.memory_space<vmem>>) dst(%dma_wait3A_242 : memref<128x128xf32, #tpu.memory_space<vmem_shared>>)
      tpu.yield
    }) : () -> ()
    %add3A_190 = arith.constant 256 : i32
    %add3A_191 = arith.addi %mul3A_179, %add3A_190 : i32
    "tpu.region"() ({
      %run_scoped3A = tpu.sem_alloc : memref<!tpu.dma_semaphore, #tpu.memory_space<semaphore_mem>>
      %dma_start3A_235 = arith.constant 0 : i32
      %dma_start3A_236 = tpu.memref_slice %arg15[%add3A_191, %dma_start3A_235] : memref<8448x128xf32, #tpu.memory_space<vmem_shared>> -> memref<128x128xf32, #tpu.memory_space<vmem_shared>>
      %dma_start3A_237 = arith.constant 0 : i32
      %dma_start3A_238 = tpu.memref_slice %arg15[%add3A_191, %dma_start3A_237] : memref<8448x128xf32, #tpu.memory_space<vmem_shared>> -> memref<128x128xf32, #tpu.memory_space<vmem_shared>>
      tpu.enqueue_dma source(%arg14 : memref<128x128xf32, #tpu.memory_space<vmem>>) target(%dma_start3A_238 : memref<128x128xf32, #tpu.memory_space<vmem_shared>>) target_semaphore(%run_scoped3A : memref<!tpu.dma_semaphore, #tpu.memory_space<semaphore_mem>>)
      %dma_wait3A_239 = arith.constant 0 : i32
      %dma_wait3A_240 = tpu.memref_slice %arg15[%add3A_191, %dma_wait3A_239] : memref<8448x128xf32, #tpu.memory_space<vmem_shared>> -> memref<128x128xf32, #tpu.memory_space<vmem_shared>>
      %dma_wait3A_241 = arith.constant 0 : i32
      %dma_wait3A_242 = tpu.memref_slice %arg15[%add3A_191, %dma_wait3A_241] : memref<8448x128xf32, #tpu.memory_space<vmem_shared>> -> memref<128x128xf32, #tpu.memory_space<vmem_shared>>
      tpu.wait_dma2 semaphore(%run_scoped3A : memref<!tpu.dma_semaphore, #tpu.memory_space<semaphore_mem>>) src(%arg14 : memref<128x128xf32, #tpu.memory_space<vmem>>) dst(%dma_wait3A_242 : memref<128x128xf32, #tpu.memory_space<vmem_shared>>)
      tpu.yield
    }) : () -> ()
    %add3A_192 = arith.constant 384 : i32
    %add3A_193 = arith.addi %mul3A_179, %add3A_192 : i32
    "tpu.region"() ({
      %run_scoped3A = tpu.sem_alloc : memref<!tpu.dma_semaphore, #tpu.memory_space<semaphore_mem>>
      %dma_start3A_235 = arith.constant 0 : i32
      %dma_start3A_236 = tpu.memref_slice %arg15[%add3A_193, %dma_start3A_235] : memref<8448x128xf32, #tpu.memory_space<vmem_shared>> -> memref<128x128xf32, #tpu.memory_space<vmem_shared>>
      %dma_start3A_237 = arith.constant 0 : i32
      %dma_start3A_238 = tpu.memref_slice %arg15[%add3A_193, %dma_start3A_237] : memref<8448x128xf32, #tpu.memory_space<vmem_shared>> -> memref<128x128xf32, #tpu.memory_space<vmem_shared>>
      tpu.enqueue_dma source(%arg14 : memref<128x128xf32, #tpu.memory_space<vmem>>) target(%dma_start3A_238 : memref<128x128xf32, #tpu.memory_space<vmem_shared>>) target_semaphore(%run_scoped3A : memref<!tpu.dma_semaphore, #tpu.memory_space<semaphore_mem>>)
      %dma_wait3A_239 = arith.constant 0 : i32
      %dma_wait3A_240 = tpu.memref_slice %arg15[%add3A_193, %dma_wait3A_239] : memref<8448x128xf32, #tpu.memory_space<vmem_shared>> -> memref<128x128xf32, #tpu.memory_space<vmem_shared>>
      %dma_wait3A_241 = arith.constant 0 : i32
      %dma_wait3A_242 = tpu.memref_slice %arg15[%add3A_193, %dma_wait3A_241] : memref<8448x128xf32, #tpu.memory_space<vmem_shared>> -> memref<128x128xf32, #tpu.memory_space<vmem_shared>>
      tpu.wait_dma2 semaphore(%run_scoped3A : memref<!tpu.dma_semaphore, #tpu.memory_space<semaphore_mem>>) src(%arg14 : memref<128x128xf32, #tpu.memory_space<vmem>>) dst(%dma_wait3A_242 : memref<128x128xf32, #tpu.memory_space<vmem_shared>>)
      tpu.yield
    }) : () -> ()
    %add3A_194 = arith.constant 512 : i32
    %add3A_195 = arith.addi %mul3A_179, %add3A_194 : i32
    "tpu.region"() ({
      %run_scoped3A = tpu.sem_alloc : memref<!tpu.dma_semaphore, #tpu.memory_space<semaphore_mem>>
      %dma_start3A_235 = arith.constant 0 : i32
      %dma_start3A_236 = arith.constant 0 : i32
      %dma_start3A_237 = tpu.memref_slice %arg14[%dma_start3A_235, %dma_start3A_236] : memref<128x128xf32, #tpu.memory_space<vmem>> -> memref<16x128xf32, #tpu.memory_space<vmem>>
      %dma_start3A_238 = arith.constant 0 : i32
      %dma_start3A_239 = tpu.memref_slice %arg15[%add3A_195, %dma_start3A_238] : memref<8448x128xf32, #tpu.memory_space<vmem_shared>> -> memref<16x128xf32, #tpu.memory_space<vmem_shared>>
      %dma_start3A_240 = arith.constant 0 : i32
      %dma_start3A_241 = tpu.memref_slice %arg15[%add3A_195, %dma_start3A_240] : memref<8448x128xf32, #tpu.memory_space<vmem_shared>> -> memref<16x128xf32, #tpu.memory_space<vmem_shared>>
      %dma_start3A_242 = arith.constant 0 : i32
      %dma_start3A_243 = arith.constant 0 : i32
      %dma_start3A_244 = tpu.memref_slice %arg14[%dma_start3A_242, %dma_start3A_243] : memref<128x128xf32, #tpu.memory_space<vmem>> -> memref<16x128xf32, #tpu.memory_space<vmem>>
      tpu.enqueue_dma source(%dma_start3A_244 : memref<16x128xf32, #tpu.memory_space<vmem>>) target(%dma_start3A_241 : memref<16x128xf32, #tpu.memory_space<vmem_shared>>) target_semaphore(%run_scoped3A : memref<!tpu.dma_semaphore, #tpu.memory_space<semaphore_mem>>)
      %dma_wait3A_245 = arith.constant 0 : i32
      %dma_wait3A_246 = arith.constant 0 : i32
      %dma_wait3A_247 = tpu.memref_slice %arg14[%dma_wait3A_245, %dma_wait3A_246] : memref<128x128xf32, #tpu.memory_space<vmem>> -> memref<16x128xf32, #tpu.memory_space<vmem>>
      %dma_wait3A_248 = arith.constant 0 : i32
      %dma_wait3A_249 = tpu.memref_slice %arg15[%add3A_195, %dma_wait3A_248] : memref<8448x128xf32, #tpu.memory_space<vmem_shared>> -> memref<16x128xf32, #tpu.memory_space<vmem_shared>>
      %dma_wait3A_250 = arith.constant 0 : i32
      %dma_wait3A_251 = tpu.memref_slice %arg15[%add3A_195, %dma_wait3A_250] : memref<8448x128xf32, #tpu.memory_space<vmem_shared>> -> memref<16x128xf32, #tpu.memory_space<vmem_shared>>
      %dma_wait3A_252 = arith.constant 0 : i32
      %dma_wait3A_253 = arith.constant 0 : i32
      %dma_wait3A_254 = tpu.memref_slice %arg14[%dma_wait3A_252, %dma_wait3A_253] : memref<128x128xf32, #tpu.memory_space<vmem>> -> memref<16x128xf32, #tpu.memory_space<vmem>>
      tpu.wait_dma2 semaphore(%run_scoped3A : memref<!tpu.dma_semaphore, #tpu.memory_space<semaphore_mem>>) src(%dma_wait3A_254 : memref<16x128xf32, #tpu.memory_space<vmem>>) dst(%dma_wait3A_251 : memref<16x128xf32, #tpu.memory_space<vmem_shared>>)
      tpu.yield
    }) : () -> ()
    %barrier3A_196 = arith.constant 0 : index
    tpu.barrier barrier_id(%barrier3A_196)
    %scan3A_197 = arith.constant 0 : i32
    %scan3A_198 = arith.constant 0 : i32
    %scan3A_199 = arith.constant 4 : i32
    %scan3A_200 = arith.addi %scan3A_198, %scan3A_199 : i32
    %scan3A_201 = arith.constant 1 : i32
    %scan3A_202 = scf.for %scan3A_235 = %scan3A_198 to %scan3A_200 step %scan3A_201 iter_args(%scan3A_236 = %scan3A_197) -> (i32)  : i32 {
      %mul3A_237 = arith.constant 9376 : i32
      %mul3A_238 = arith.muli %scan3A_235, %mul3A_237 : i32
      %add3A_239 = arith.addi %mul3A_50, %mul3A_238 : i32
      "tpu.region"() ({
        %run_scoped3A = tpu.sem_alloc : memref<!tpu.dma_semaphore, #tpu.memory_space<semaphore_mem>>
        %dma_start3A_246 = tpu.memref_slice %arg2[%add3A_239] : memref<600064xi32, #tpu.memory_space<hbm>> -> memref<9376xi32, #tpu.memory_space<hbm>>
        %dma_start3A_247 = tpu.memref_slice %arg2[%add3A_239] : memref<600064xi32, #tpu.memory_space<hbm>> -> memref<9376xi32, #tpu.memory_space<hbm>>
        tpu.enqueue_dma source(%dma_start3A_247 : memref<9376xi32, #tpu.memory_space<hbm>>) target(%arg7 : memref<9376xi32, #tpu.memory_space<vmem>>) target_semaphore(%run_scoped3A : memref<!tpu.dma_semaphore, #tpu.memory_space<semaphore_mem>>)
        %dma_wait3A_248 = tpu.memref_slice %arg2[%add3A_239] : memref<600064xi32, #tpu.memory_space<hbm>> -> memref<9376xi32, #tpu.memory_space<hbm>>
        %dma_wait3A_249 = tpu.memref_slice %arg2[%add3A_239] : memref<600064xi32, #tpu.memory_space<hbm>> -> memref<9376xi32, #tpu.memory_space<hbm>>
        tpu.wait_dma2 semaphore(%run_scoped3A : memref<!tpu.dma_semaphore, #tpu.memory_space<semaphore_mem>>) src(%dma_wait3A_249 : memref<9376xi32, #tpu.memory_space<hbm>>) dst(%arg7 : memref<9376xi32, #tpu.memory_space<vmem>>)
        tpu.yield
      }) : () -> ()
      "tpu.region"() ({
        %run_scoped3A = tpu.sem_alloc : memref<!tpu.dma_semaphore, #tpu.memory_space<semaphore_mem>>
        %dma_start3A_246 = tpu.memref_slice %arg3[%add3A_239] : memref<600064xi32, #tpu.memory_space<hbm>> -> memref<9376xi32, #tpu.memory_space<hbm>>
        %dma_start3A_247 = tpu.memref_slice %arg3[%add3A_239] : memref<600064xi32, #tpu.memory_space<hbm>> -> memref<9376xi32, #tpu.memory_space<hbm>>
        tpu.enqueue_dma source(%dma_start3A_247 : memref<9376xi32, #tpu.memory_space<hbm>>) target(%arg8 : memref<9376xi32, #tpu.memory_space<vmem>>) target_semaphore(%run_scoped3A : memref<!tpu.dma_semaphore, #tpu.memory_space<semaphore_mem>>)
        %dma_wait3A_248 = tpu.memref_slice %arg3[%add3A_239] : memref<600064xi32, #tpu.memory_space<hbm>> -> memref<9376xi32, #tpu.memory_space<hbm>>
        %dma_wait3A_249 = tpu.memref_slice %arg3[%add3A_239] : memref<600064xi32, #tpu.memory_space<hbm>> -> memref<9376xi32, #tpu.memory_space<hbm>>
        tpu.wait_dma2 semaphore(%run_scoped3A : memref<!tpu.dma_semaphore, #tpu.memory_space<semaphore_mem>>) src(%dma_wait3A_249 : memref<9376xi32, #tpu.memory_space<hbm>>) dst(%arg8 : memref<9376xi32, #tpu.memory_space<vmem>>)
        tpu.yield
      }) : () -> ()
      "tpu.region"() ({
        %run_scoped3A = tpu.sem_alloc : memref<!tpu.dma_semaphore, #tpu.memory_space<semaphore_mem>>
        %dma_start3A_246 = tpu.memref_slice %arg4[%add3A_239] : memref<600064xf32, #tpu.memory_space<hbm>> -> memref<9376xf32, #tpu.memory_space<hbm>>
        %dma_start3A_247 = tpu.memref_slice %arg4[%add3A_239] : memref<600064xf32, #tpu.memory_space<hbm>> -> memref<9376xf32, #tpu.memory_space<hbm>>
        tpu.enqueue_dma source(%dma_start3A_247 : memref<9376xf32, #tpu.memory_space<hbm>>) target(%arg9 : memref<9376xf32, #tpu.memory_space<vmem>>) target_semaphore(%run_scoped3A : memref<!tpu.dma_semaphore, #tpu.memory_space<semaphore_mem>>)
        %dma_wait3A_248 = tpu.memref_slice %arg4[%add3A_239] : memref<600064xf32, #tpu.memory_space<hbm>> -> memref<9376xf32, #tpu.memory_space<hbm>>
        %dma_wait3A_249 = tpu.memref_slice %arg4[%add3A_239] : memref<600064xf32, #tpu.memory_space<hbm>> -> memref<9376xf32, #tpu.memory_space<hbm>>
        tpu.wait_dma2 semaphore(%run_scoped3A : memref<!tpu.dma_semaphore, #tpu.memory_space<semaphore_mem>>) src(%dma_wait3A_249 : memref<9376xf32, #tpu.memory_space<hbm>>) dst(%arg9 : memref<9376xf32, #tpu.memory_space<vmem>>)
        tpu.yield
      }) : () -> ()
      %scan3A_240 = arith.constant 0 : i32
      %scan3A_241 = arith.constant 293 : i32
      %scan3A_242 = arith.addi %scan3A_240, %scan3A_241 : i32
      %scan3A_243 = arith.constant 1 : i32
      %scan3A_244 = scf.for %scan3A_246 = %scan3A_240 to %scan3A_242 step %scan3A_243 iter_args(%scan3A_247 = %scan3A_236) -> (i32)  : i32 {
        %mul3A_248 = arith.constant 32 : i32
        %mul3A_249 = arith.muli %scan3A_246, %mul3A_248 : i32
        %add3A_250 = arith.constant 0 : i32
        %add3A_251 = arith.addi %mul3A_249, %add3A_250 : i32
        %get3A = arith.index_cast %add3A_251 : i32 to index
        %get3A_252 = tpu.vector_load %arg7[%get3A] {strides = array<i32>} : memref<9376xi32, #tpu.memory_space<vmem>>, vector<16xi32>,
        %sub3A = vector.broadcast %mul3A_177 : i32 to vector<16xi32>
        %sub3A_253 = arith.subi %get3A_252, %sub3A : vector<16xi32>
        %lt3A = arith.constant 8448 : i32
        %lt3A_254 = vector.broadcast %lt3A : i32 to vector<16xi32>
        %lt3A_255 = arith.cmpi ult, %sub3A_253, %lt3A_254 : vector<16xi32>
        %get3A_256 = arith.index_cast %add3A_251 : i32 to index
        %get3A_257 = tpu.vector_load %arg8[%get3A_256] {strides = array<i32>} : memref<9376xi32, #tpu.memory_space<vmem>>, vector<16xi32>,
        %get3A_258 = arith.index_cast %add3A_251 : i32 to index
        %get3A_259 = tpu.vector_load %arg9[%get3A_258] {strides = array<i32>} : memref<9376xf32, #tpu.memory_space<vmem>>, vector<16xf32>,
        %convert_element_type3A = arith.extui %lt3A_255 : vector<16xi1> to vector<16xi32>
        %broadcast_in_dim3A_260 = arith.constant true
        %broadcast_in_dim3A_261 = vector.broadcast %broadcast_in_dim3A_260 : i1 to vector<16xi1>
        %masked_cumsum3A = tpu.scan <sum>, %convert_element_type3A masked %broadcast_in_dim3A_261 : vector<16xi32>, vector<16xi1> -> vector<16xi32>
        %sub3A_262 = arith.subi %masked_cumsum3A, %convert_element_type3A : vector<16xi32>
        %add3A_263 = vector.broadcast %scan3A_247 : i32 to vector<16xi32>
        %add3A_264 = arith.addi %sub3A_262, %add3A_263 : vector<16xi32>
        tpu.vector_store_idx %arg10[%add3A_264], %get3A_257 masked %lt3A_255 : memref<128xi32, #tpu.memory_space<vmem>>[vector<16xi32>], vector<16xi32>, vector<16xi1>
        tpu.vector_store_idx %arg11[%add3A_264], %sub3A_253 masked %lt3A_255 : memref<128xi32, #tpu.memory_space<vmem>>[vector<16xi32>], vector<16xi32>, vector<16xi1>
        tpu.vector_store_idx %arg12[%add3A_264], %get3A_259 masked %lt3A_255 : memref<128xf32, #tpu.memory_space<vmem>>[vector<16xi32>], vector<16xf32>, vector<16xi1>
        %all_reduce_population_count3A = tpu.all_reduce %lt3A_255 {dim = 0 : i64, kind = #tpu.reduction_kind<sum>} : vector<16xi1> -> vector<16xi32>
        %slice3A = vector.extract_strided_slice %all_reduce_population_count3A {offsets = [0], sizes = [1], strides = [1]} : vector<16xi32> to vector<1xi32>
        %squeeze3A = vector.extract %slice3A[0] : i32 from vector<1xi32>
        %add3A_265 = arith.addi %scan3A_247, %squeeze3A : i32
        %mul3A_266 = arith.constant 32 : i32
        %mul3A_267 = arith.muli %scan3A_246, %mul3A_266 : i32
        %add3A_268 = arith.constant 16 : i32
        %add3A_269 = arith.addi %mul3A_267, %add3A_268 : i32
        %get3A_270 = arith.index_cast %add3A_269 : i32 to index
        %get3A_271 = tpu.vector_load %arg7[%get3A_270] {strides = array<i32>} : memref<9376xi32, #tpu.memory_space<vmem>>, vector<16xi32>,
        %sub3A_272 = vector.broadcast %mul3A_177 : i32 to vector<16xi32>
        %sub3A_273 = arith.subi %get3A_271, %sub3A_272 : vector<16xi32>
        %lt3A_274 = arith.constant 8448 : i32
        %lt3A_275 = vector.broadcast %lt3A_274 : i32 to vector<16xi32>
        %lt3A_276 = arith.cmpi ult, %sub3A_273, %lt3A_275 : vector<16xi32>
        %get3A_277 = arith.index_cast %add3A_269 : i32 to index
        %get3A_278 = tpu.vector_load %arg8[%get3A_277] {strides = array<i32>} : memref<9376xi32, #tpu.memory_space<vmem>>, vector<16xi32>,
        %get3A_279 = arith.index_cast %add3A_269 : i32 to index
        %get3A_280 = tpu.vector_load %arg9[%get3A_279] {strides = array<i32>} : memref<9376xf32, #tpu.memory_space<vmem>>, vector<16xf32>,
        %convert_element_type3A_281 = arith.extui %lt3A_276 : vector<16xi1> to vector<16xi32>
        %broadcast_in_dim3A_282 = arith.constant true
        %broadcast_in_dim3A_283 = vector.broadcast %broadcast_in_dim3A_282 : i1 to vector<16xi1>
        %masked_cumsum3A_284 = tpu.scan <sum>, %convert_element_type3A_281 masked %broadcast_in_dim3A_283 : vector<16xi32>, vector<16xi1> -> vector<16xi32>
        %sub3A_285 = arith.subi %masked_cumsum3A_284, %convert_element_type3A_281 : vector<16xi32>
        %add3A_286 = vector.broadcast %add3A_265 : i32 to vector<16xi32>
        %add3A_287 = arith.addi %sub3A_285, %add3A_286 : vector<16xi32>
        tpu.vector_store_idx %arg10[%add3A_287], %get3A_278 masked %lt3A_276 : memref<128xi32, #tpu.memory_space<vmem>>[vector<16xi32>], vector<16xi32>, vector<16xi1>
        tpu.vector_store_idx %arg11[%add3A_287], %sub3A_273 masked %lt3A_276 : memref<128xi32, #tpu.memory_space<vmem>>[vector<16xi32>], vector<16xi32>, vector<16xi1>
        tpu.vector_store_idx %arg12[%add3A_287], %get3A_280 masked %lt3A_276 : memref<128xf32, #tpu.memory_space<vmem>>[vector<16xi32>], vector<16xf32>, vector<16xi1>
        %all_reduce_population_count3A_288 = tpu.all_reduce %lt3A_276 {dim = 0 : i64, kind = #tpu.reduction_kind<sum>} : vector<16xi1> -> vector<16xi32>
        %slice3A_289 = vector.extract_strided_slice %all_reduce_population_count3A_288 {offsets = [0], sizes = [1], strides = [1]} : vector<16xi32> to vector<1xi32>
        %squeeze3A_290 = vector.extract %slice3A_289[0] : i32 from vector<1xi32>
        %add3A_291 = arith.addi %add3A_265, %squeeze3A_290 : i32
        %ge3A = arith.constant 96 : i32
        %ge3A_292 = arith.cmpi sge, %add3A_291, %ge3A : i32
        %convert_element_type3A_293 = arith.extui %ge3A_292 : i1 to i32
        %cond3A = arith.constant 0 : i32
        %cond3A_294 = arith.cmpi ne, %convert_element_type3A_293, %cond3A : i32
        scf.if %cond3A_294 {
          %dma_start3A_297 = arith.constant 0 : i32
          %dma_start3A_298 = arith.constant 0 : i32
          %dma_start3A_299 = tpu.memref_slice %arg5[%dma_start3A_297, %dma_start3A_298] : memref<50000x64xi32, #tpu.memory_space<hbm>> -> memref<50000x64xi32, #tpu.memory_space<hbm>>
          tpu.enqueue_indirect_dma source(%dma_start3A_299 : memref<50000x64xi32, #tpu.memory_space<hbm>>) target(%arg13 : memref<128x64xi32, #tpu.memory_space<vmem>>) offsets(%arg10 : memref<128xi32, #tpu.memory_space<vmem>>) semaphore(%arg16 : memref<!tpu.dma_semaphore, #tpu.memory_space<semaphore_mem>>)
          %dma_wait3A_300 = arith.constant 0 : i32
          %dma_wait3A_301 = arith.constant 0 : i32
          %dma_wait3A_302 = tpu.memref_slice %arg5[%dma_wait3A_300, %dma_wait3A_301] : memref<50000x64xi32, #tpu.memory_space<hbm>> -> memref<50000x64xi32, #tpu.memory_space<hbm>>
          tpu.wait_indirect_dma semaphore(%arg16 : memref<!tpu.dma_semaphore, #tpu.memory_space<semaphore_mem>>) src(%dma_wait3A_302 : memref<50000x64xi32, #tpu.memory_space<hbm>>) dst(%arg13 : memref<128x64xi32, #tpu.memory_space<vmem>>)
          %scan3A_303 = arith.constant 0 : i32
          %scan3A_304 = arith.constant 0 : i32
          %scan3A_305 = arith.constant 128 : i32
          %scan3A_306 = arith.addi %scan3A_304, %scan3A_305 : i32
          %scan3A_307 = arith.constant 1 : i32
          scf.for %scan3A_325 = %scan3A_304 to %scan3A_306 step %scan3A_307  : i32 {
            %add3A_326 = vector.broadcast %scan3A_325 : i32 to vector<16xi32>
            %add3A_327 = arith.addi %broadcast_in_dim3A_2, %add3A_326 : vector<16xi32>
            %gather3A = tpu.vector_load_idx %arg12[%add3A_327] : memref<128xf32, #tpu.memory_space<vmem>>[vector<16xi32>], vector<16xf32>,
            %get3A_328 = arith.index_cast %scan3A_325 : i32 to index
            %get3A_329 = arith.constant 0 : index
            %get3A_330 = tpu.vector_load %arg13[%get3A_328, %get3A_329] {strides = array<i32>} : memref<128x64xi32, #tpu.memory_space<vmem>>, vector<16xi32>,
            %bitcast3A = vector.bitcast %get3A_330 : vector<16xi32> to vector<32xbf16>
            %unpack3A = tpu.unpack_subelements %bitcast3A, 0 {pack_format = #tpu.pack_format<interleaved>} : vector<32xbf16> -> vector<16xf32>
            %unpack3A_331 = tpu.unpack_subelements %bitcast3A, 1 {pack_format = #tpu.pack_format<interleaved>} : vector<32xbf16> -> vector<16xf32>
            %mul3A_332 = arith.mulf %unpack3A, %gather3A : vector<16xf32>
            %swap3A_333 = arith.index_cast %scan3A_325 : i32 to index
            %swap3A_334 = arith.constant 0 : index
            %swap3A_335 = tpu.vector_load %arg14[%swap3A_333, %swap3A_334] {strides = array<i32>} : memref<128x128xf32, #tpu.memory_space<vmem>>, vector<16xf32>,
            tpu.vector_store %arg14[%swap3A_333, %swap3A_334], %mul3A_332 {strides = array<i32>} : memref<128x128xf32, #tpu.memory_space<vmem>>, vector<16xf32>,
            %mul3A_336 = arith.mulf %unpack3A_331, %gather3A : vector<16xf32>
            %swap3A_337 = arith.index_cast %scan3A_325 : i32 to index
            %swap3A_338 = arith.constant 16 : index
            %swap3A_339 = tpu.vector_load %arg14[%swap3A_337, %swap3A_338] {strides = array<i32>} : memref<128x128xf32, #tpu.memory_space<vmem>>, vector<16xf32>,
            tpu.vector_store %arg14[%swap3A_337, %swap3A_338], %mul3A_336 {strides = array<i32>} : memref<128x128xf32, #tpu.memory_space<vmem>>, vector<16xf32>,
            %get3A_340 = arith.index_cast %scan3A_325 : i32 to index
            %get3A_341 = arith.constant 16 : index
            %get3A_342 = tpu.vector_load %arg13[%get3A_340, %get3A_341] {strides = array<i32>} : memref<128x64xi32, #tpu.memory_space<vmem>>, vector<16xi32>,
            %bitcast3A_343 = vector.bitcast %get3A_342 : vector<16xi32> to vector<32xbf16>
            %unpack3A_344 = tpu.unpack_subelements %bitcast3A_343, 0 {pack_format = #tpu.pack_format<interleaved>} : vector<32xbf16> -> vector<16xf32>
            %unpack3A_345 = tpu.unpack_subelements %bitcast3A_343, 1 {pack_format = #tpu.pack_format<interleaved>} : vector<32xbf16> -> vector<16xf32>
            %mul3A_346 = arith.mulf %unpack3A_344, %gather3A : vector<16xf32>
            %swap3A_347 = arith.index_cast %scan3A_325 : i32 to index
            %swap3A_348 = arith.constant 32 : index
            %swap3A_349 = tpu.vector_load %arg14[%swap3A_347, %swap3A_348] {strides = array<i32>} : memref<128x128xf32, #tpu.memory_space<vmem>>, vector<16xf32>,
            tpu.vector_store %arg14[%swap3A_347, %swap3A_348], %mul3A_346 {strides = array<i32>} : memref<128x128xf32, #tpu.memory_space<vmem>>, vector<16xf32>,
            %mul3A_350 = arith.mulf %unpack3A_345, %gather3A : vector<16xf32>
            %swap3A_351 = arith.index_cast %scan3A_325 : i32 to index
            %swap3A_352 = arith.constant 48 : index
            %swap3A_353 = tpu.vector_load %arg14[%swap3A_351, %swap3A_352] {strides = array<i32>} : memref<128x128xf32, #tpu.memory_space<vmem>>, vector<16xf32>,
            tpu.vector_store %arg14[%swap3A_351, %swap3A_352], %mul3A_350 {strides = array<i32>} : memref<128x128xf32, #tpu.memory_space<vmem>>, vector<16xf32>,
            %get3A_354 = arith.index_cast %scan3A_325 : i32 to index
            %get3A_355 = arith.constant 32 : index
            %get3A_356 = tpu.vector_load %arg13[%get3A_354, %get3A_355] {strides = array<i32>} : memref<128x64xi32, #tpu.memory_space<vmem>>, vector<16xi32>,
            %bitcast3A_357 = vector.bitcast %get3A_356 : vector<16xi32> to vector<32xbf16>
            %unpack3A_358 = tpu.unpack_subelements %bitcast3A_357, 0 {pack_format = #tpu.pack_format<interleaved>} : vector<32xbf16> -> vector<16xf32>
            %unpack3A_359 = tpu.unpack_subelements %bitcast3A_357, 1 {pack_format = #tpu.pack_format<interleaved>} : vector<32xbf16> -> vector<16xf32>
            %mul3A_360 = arith.mulf %unpack3A_358, %gather3A : vector<16xf32>
            %swap3A_361 = arith.index_cast %scan3A_325 : i32 to index
            %swap3A_362 = arith.constant 64 : index
            %swap3A_363 = tpu.vector_load %arg14[%swap3A_361, %swap3A_362] {strides = array<i32>} : memref<128x128xf32, #tpu.memory_space<vmem>>, vector<16xf32>,
            tpu.vector_store %arg14[%swap3A_361, %swap3A_362], %mul3A_360 {strides = array<i32>} : memref<128x128xf32, #tpu.memory_space<vmem>>, vector<16xf32>,
            %mul3A_364 = arith.mulf %unpack3A_359, %gather3A : vector<16xf32>
            %swap3A_365 = arith.index_cast %scan3A_325 : i32 to index
            %swap3A_366 = arith.constant 80 : index
            %swap3A_367 = tpu.vector_load %arg14[%swap3A_365, %swap3A_366] {strides = array<i32>} : memref<128x128xf32, #tpu.memory_space<vmem>>, vector<16xf32>,
            tpu.vector_store %arg14[%swap3A_365, %swap3A_366], %mul3A_364 {strides = array<i32>} : memref<128x128xf32, #tpu.memory_space<vmem>>, vector<16xf32>,
            %get3A_368 = arith.index_cast %scan3A_325 : i32 to index
            %get3A_369 = arith.constant 48 : index
            %get3A_370 = tpu.vector_load %arg13[%get3A_368, %get3A_369] {strides = array<i32>} : memref<128x64xi32, #tpu.memory_space<vmem>>, vector<16xi32>,
            %bitcast3A_371 = vector.bitcast %get3A_370 : vector<16xi32> to vector<32xbf16>
            %unpack3A_372 = tpu.unpack_subelements %bitcast3A_371, 0 {pack_format = #tpu.pack_format<interleaved>} : vector<32xbf16> -> vector<16xf32>
            %unpack3A_373 = tpu.unpack_subelements %bitcast3A_371, 1 {pack_format = #tpu.pack_format<interleaved>} : vector<32xbf16> -> vector<16xf32>
            %mul3A_374 = arith.mulf %unpack3A_372, %gather3A : vector<16xf32>
            %swap3A_375 = arith.index_cast %scan3A_325 : i32 to index
            %swap3A_376 = arith.constant 96 : index
            %swap3A_377 = tpu.vector_load %arg14[%swap3A_375, %swap3A_376] {strides = array<i32>} : memref<128x128xf32, #tpu.memory_space<vmem>>, vector<16xf32>,
            tpu.vector_store %arg14[%swap3A_375, %swap3A_376], %mul3A_374 {strides = array<i32>} : memref<128x128xf32, #tpu.memory_space<vmem>>, vector<16xf32>,
            %mul3A_378 = arith.mulf %unpack3A_373, %gather3A : vector<16xf32>
            %swap3A_379 = arith.index_cast %scan3A_325 : i32 to index
            %swap3A_380 = arith.constant 112 : index
            %swap3A_381 = tpu.vector_load %arg14[%swap3A_379, %swap3A_380] {strides = array<i32>} : memref<128x128xf32, #tpu.memory_space<vmem>>, vector<16xf32>,
            tpu.vector_store %arg14[%swap3A_379, %swap3A_380], %mul3A_378 {strides = array<i32>} : memref<128x128xf32, #tpu.memory_space<vmem>>, vector<16xf32>,
          }
          %scan3A_308 = arith.constant 128 : i32
          "tpu.region"() ({
            %run_scoped3A = tpu.sem_alloc : memref<!tpu.dma_semaphore, #tpu.memory_space<semaphore_mem>>
            %dma_start3A_325 = arith.constant 0 : i32
            %dma_start3A_326 = arith.constant 0 : i32
            %dma_start3A_327 = tpu.memref_slice %arg15[%dma_start3A_325, %dma_start3A_326] : memref<8448x128xf32, #tpu.memory_space<vmem_shared>> -> memref<8448x128xf32, #tpu.memory_space<vmem_shared>>
            tpu.enqueue_indirect_dma source(%arg14 : memref<128x128xf32, #tpu.memory_space<vmem>>) target(%dma_start3A_327 : memref<8448x128xf32, #tpu.memory_space<vmem_shared>>) offsets(%arg11 : memref<128xi32, #tpu.memory_space<vmem>>) semaphore(%run_scoped3A : memref<!tpu.dma_semaphore, #tpu.memory_space<semaphore_mem>>) {add = true}
            %dma_wait3A_328 = arith.constant 0 : i32
            %dma_wait3A_329 = arith.constant 0 : i32
            %dma_wait3A_330 = tpu.memref_slice %arg15[%dma_wait3A_328, %dma_wait3A_329] : memref<8448x128xf32, #tpu.memory_space<vmem_shared>> -> memref<8448x128xf32, #tpu.memory_space<vmem_shared>>
            tpu.wait_indirect_dma semaphore(%run_scoped3A : memref<!tpu.dma_semaphore, #tpu.memory_space<semaphore_mem>>) src(%arg14 : memref<128x128xf32, #tpu.memory_space<vmem>>) dst(%dma_wait3A_330 : memref<8448x128xf32, #tpu.memory_space<vmem_shared>>)
            tpu.yield
          }) : () -> ()
          %swap3A_309 = arith.constant 0 : index
          %swap3A_310 = tpu.vector_load %arg12[%swap3A_309] {strides = array<i32>} : memref<128xf32, #tpu.memory_space<vmem>>, vector<16xf32>,
          tpu.vector_store %arg12[%swap3A_309], %broadcast_in_dim3A_0 {strides = array<i32>} : memref<128xf32, #tpu.memory_space<vmem>>, vector<16xf32>,
          %swap3A_311 = arith.constant 16 : index
          %swap3A_312 = tpu.vector_load %arg12[%swap3A_311] {strides = array<i32>} : memref<128xf32, #tpu.memory_space<vmem>>, vector<16xf32>,
          tpu.vector_store %arg12[%swap3A_311], %broadcast_in_dim3A_0 {strides = array<i32>} : memref<128xf32, #tpu.memory_space<vmem>>, vector<16xf32>,
          %swap3A_313 = arith.constant 32 : index
          %swap3A_314 = tpu.vector_load %arg12[%swap3A_313] {strides = array<i32>} : memref<128xf32, #tpu.memory_space<vmem>>, vector<16xf32>,
          tpu.vector_store %arg12[%swap3A_313], %broadcast_in_dim3A_0 {strides = array<i32>} : memref<128xf32, #tpu.memory_space<vmem>>, vector<16xf32>,
          %swap3A_315 = arith.constant 48 : index
          %swap3A_316 = tpu.vector_load %arg12[%swap3A_315] {strides = array<i32>} : memref<128xf32, #tpu.memory_space<vmem>>, vector<16xf32>,
          tpu.vector_store %arg12[%swap3A_315], %broadcast_in_dim3A_0 {strides = array<i32>} : memref<128xf32, #tpu.memory_space<vmem>>, vector<16xf32>,
          %swap3A_317 = arith.constant 64 : index
          %swap3A_318 = tpu.vector_load %arg12[%swap3A_317] {strides = array<i32>} : memref<128xf32, #tpu.memory_space<vmem>>, vector<16xf32>,
          tpu.vector_store %arg12[%swap3A_317], %broadcast_in_dim3A_0 {strides = array<i32>} : memref<128xf32, #tpu.memory_space<vmem>>, vector<16xf32>,
          %swap3A_319 = arith.constant 80 : index
          %swap3A_320 = tpu.vector_load %arg12[%swap3A_319] {strides = array<i32>} : memref<128xf32, #tpu.memory_space<vmem>>, vector<16xf32>,
          tpu.vector_store %arg12[%swap3A_319], %broadcast_in_dim3A_0 {strides = array<i32>} : memref<128xf32, #tpu.memory_space<vmem>>, vector<16xf32>,
          %swap3A_321 = arith.constant 96 : index
          %swap3A_322 = tpu.vector_load %arg12[%swap3A_321] {strides = array<i32>} : memref<128xf32, #tpu.memory_space<vmem>>, vector<16xf32>,
          tpu.vector_store %arg12[%swap3A_321], %broadcast_in_dim3A_0 {strides = array<i32>} : memref<128xf32, #tpu.memory_space<vmem>>, vector<16xf32>,
          %swap3A_323 = arith.constant 112 : index
          %swap3A_324 = tpu.vector_load %arg12[%swap3A_323] {strides = array<i32>} : memref<128xf32, #tpu.memory_space<vmem>>, vector<16xf32>,
          tpu.vector_store %arg12[%swap3A_323], %broadcast_in_dim3A_0 {strides = array<i32>} : memref<128xf32, #tpu.memory_space<vmem>>, vector<16xf32>,
        } else {
        }
        %ge3A_295 = arith.constant 96 : i32
        %ge3A_296 = arith.cmpi sge, %add3A_291, %ge3A_295 : i32
        %jit3A = arith.constant 0 : i32
        %select_n3A = arith.select %ge3A_296, %jit3A, %add3A_291 : i32
        scf.yield %select_n3A : i32
      }
      %scan3A_245 = arith.constant 293 : i32
      scf.yield %scan3A_244 : i32
    }
    %scan3A_203 = arith.constant 4 : i32
    %dma_start3A_204 = arith.constant 0 : i32
    %dma_start3A_205 = arith.constant 0 : i32
    %dma_start3A_206 = tpu.memref_slice %arg5[%dma_start3A_204, %dma_start3A_205] : memref<50000x64xi32, #tpu.memory_space<hbm>> -> memref<50000x64xi32, #tpu.memory_space<hbm>>
    tpu.enqueue_indirect_dma source(%dma_start3A_206 : memref<50000x64xi32, #tpu.memory_space<hbm>>) target(%arg13 : memref<128x64xi32, #tpu.memory_space<vmem>>) offsets(%arg10 : memref<128xi32, #tpu.memory_space<vmem>>) semaphore(%arg16 : memref<!tpu.dma_semaphore, #tpu.memory_space<semaphore_mem>>)
    %dma_wait3A_207 = arith.constant 0 : i32
    %dma_wait3A_208 = arith.constant 0 : i32
    %dma_wait3A_209 = tpu.memref_slice %arg5[%dma_wait3A_207, %dma_wait3A_208] : memref<50000x64xi32, #tpu.memory_space<hbm>> -> memref<50000x64xi32, #tpu.memory_space<hbm>>
    tpu.wait_indirect_dma semaphore(%arg16 : memref<!tpu.dma_semaphore, #tpu.memory_space<semaphore_mem>>) src(%dma_wait3A_209 : memref<50000x64xi32, #tpu.memory_space<hbm>>) dst(%arg13 : memref<128x64xi32, #tpu.memory_space<vmem>>)
    %scan3A_210 = arith.constant 0 : i32
    %scan3A_211 = arith.constant 0 : i32
    %scan3A_212 = arith.constant 128 : i32
    %scan3A_213 = arith.addi %scan3A_211, %scan3A_212 : i32
    %scan3A_214 = arith.constant 1 : i32
    scf.for %scan3A_235 = %scan3A_211 to %scan3A_213 step %scan3A_214  : i32 {
      %add3A_236 = vector.broadcast %scan3A_235 : i32 to vector<16xi32>
      %add3A_237 = arith.addi %broadcast_in_dim3A_2, %add3A_236 : vector<16xi32>
      %gather3A = tpu.vector_load_idx %arg12[%add3A_237] : memref<128xf32, #tpu.memory_space<vmem>>[vector<16xi32>], vector<16xf32>,
      %get3A = arith.index_cast %scan3A_235 : i32 to index
      %get3A_238 = arith.constant 0 : index
      %get3A_239 = tpu.vector_load %arg13[%get3A, %get3A_238] {strides = array<i32>} : memref<128x64xi32, #tpu.memory_space<vmem>>, vector<16xi32>,
      %bitcast3A = vector.bitcast %get3A_239 : vector<16xi32> to vector<32xbf16>
      %unpack3A = tpu.unpack_subelements %bitcast3A, 0 {pack_format = #tpu.pack_format<interleaved>} : vector<32xbf16> -> vector<16xf32>
      %unpack3A_240 = tpu.unpack_subelements %bitcast3A, 1 {pack_format = #tpu.pack_format<interleaved>} : vector<32xbf16> -> vector<16xf32>
      %mul3A_241 = arith.mulf %unpack3A, %gather3A : vector<16xf32>
      %swap3A_242 = arith.index_cast %scan3A_235 : i32 to index
      %swap3A_243 = arith.constant 0 : index
      %swap3A_244 = tpu.vector_load %arg14[%swap3A_242, %swap3A_243] {strides = array<i32>} : memref<128x128xf32, #tpu.memory_space<vmem>>, vector<16xf32>,
      tpu.vector_store %arg14[%swap3A_242, %swap3A_243], %mul3A_241 {strides = array<i32>} : memref<128x128xf32, #tpu.memory_space<vmem>>, vector<16xf32>,
      %mul3A_245 = arith.mulf %unpack3A_240, %gather3A : vector<16xf32>
      %swap3A_246 = arith.index_cast %scan3A_235 : i32 to index
      %swap3A_247 = arith.constant 16 : index
      %swap3A_248 = tpu.vector_load %arg14[%swap3A_246, %swap3A_247] {strides = array<i32>} : memref<128x128xf32, #tpu.memory_space<vmem>>, vector<16xf32>,
      tpu.vector_store %arg14[%swap3A_246, %swap3A_247], %mul3A_245 {strides = array<i32>} : memref<128x128xf32, #tpu.memory_space<vmem>>, vector<16xf32>,
      %get3A_249 = arith.index_cast %scan3A_235 : i32 to index
      %get3A_250 = arith.constant 16 : index
      %get3A_251 = tpu.vector_load %arg13[%get3A_249, %get3A_250] {strides = array<i32>} : memref<128x64xi32, #tpu.memory_space<vmem>>, vector<16xi32>,
      %bitcast3A_252 = vector.bitcast %get3A_251 : vector<16xi32> to vector<32xbf16>
      %unpack3A_253 = tpu.unpack_subelements %bitcast3A_252, 0 {pack_format = #tpu.pack_format<interleaved>} : vector<32xbf16> -> vector<16xf32>
      %unpack3A_254 = tpu.unpack_subelements %bitcast3A_252, 1 {pack_format = #tpu.pack_format<interleaved>} : vector<32xbf16> -> vector<16xf32>
      %mul3A_255 = arith.mulf %unpack3A_253, %gather3A : vector<16xf32>
      %swap3A_256 = arith.index_cast %scan3A_235 : i32 to index
      %swap3A_257 = arith.constant 32 : index
      %swap3A_258 = tpu.vector_load %arg14[%swap3A_256, %swap3A_257] {strides = array<i32>} : memref<128x128xf32, #tpu.memory_space<vmem>>, vector<16xf32>,
      tpu.vector_store %arg14[%swap3A_256, %swap3A_257], %mul3A_255 {strides = array<i32>} : memref<128x128xf32, #tpu.memory_space<vmem>>, vector<16xf32>,
      %mul3A_259 = arith.mulf %unpack3A_254, %gather3A : vector<16xf32>
      %swap3A_260 = arith.index_cast %scan3A_235 : i32 to index
      %swap3A_261 = arith.constant 48 : index
      %swap3A_262 = tpu.vector_load %arg14[%swap3A_260, %swap3A_261] {strides = array<i32>} : memref<128x128xf32, #tpu.memory_space<vmem>>, vector<16xf32>,
      tpu.vector_store %arg14[%swap3A_260, %swap3A_261], %mul3A_259 {strides = array<i32>} : memref<128x128xf32, #tpu.memory_space<vmem>>, vector<16xf32>,
      %get3A_263 = arith.index_cast %scan3A_235 : i32 to index
      %get3A_264 = arith.constant 32 : index
      %get3A_265 = tpu.vector_load %arg13[%get3A_263, %get3A_264] {strides = array<i32>} : memref<128x64xi32, #tpu.memory_space<vmem>>, vector<16xi32>,
      %bitcast3A_266 = vector.bitcast %get3A_265 : vector<16xi32> to vector<32xbf16>
      %unpack3A_267 = tpu.unpack_subelements %bitcast3A_266, 0 {pack_format = #tpu.pack_format<interleaved>} : vector<32xbf16> -> vector<16xf32>
      %unpack3A_268 = tpu.unpack_subelements %bitcast3A_266, 1 {pack_format = #tpu.pack_format<interleaved>} : vector<32xbf16> -> vector<16xf32>
      %mul3A_269 = arith.mulf %unpack3A_267, %gather3A : vector<16xf32>
      %swap3A_270 = arith.index_cast %scan3A_235 : i32 to index
      %swap3A_271 = arith.constant 64 : index
      %swap3A_272 = tpu.vector_load %arg14[%swap3A_270, %swap3A_271] {strides = array<i32>} : memref<128x128xf32, #tpu.memory_space<vmem>>, vector<16xf32>,
      tpu.vector_store %arg14[%swap3A_270, %swap3A_271], %mul3A_269 {strides = array<i32>} : memref<128x128xf32, #tpu.memory_space<vmem>>, vector<16xf32>,
      %mul3A_273 = arith.mulf %unpack3A_268, %gather3A : vector<16xf32>
      %swap3A_274 = arith.index_cast %scan3A_235 : i32 to index
      %swap3A_275 = arith.constant 80 : index
      %swap3A_276 = tpu.vector_load %arg14[%swap3A_274, %swap3A_275] {strides = array<i32>} : memref<128x128xf32, #tpu.memory_space<vmem>>, vector<16xf32>,
      tpu.vector_store %arg14[%swap3A_274, %swap3A_275], %mul3A_273 {strides = array<i32>} : memref<128x128xf32, #tpu.memory_space<vmem>>, vector<16xf32>,
      %get3A_277 = arith.index_cast %scan3A_235 : i32 to index
      %get3A_278 = arith.constant 48 : index
      %get3A_279 = tpu.vector_load %arg13[%get3A_277, %get3A_278] {strides = array<i32>} : memref<128x64xi32, #tpu.memory_space<vmem>>, vector<16xi32>,
      %bitcast3A_280 = vector.bitcast %get3A_279 : vector<16xi32> to vector<32xbf16>
      %unpack3A_281 = tpu.unpack_subelements %bitcast3A_280, 0 {pack_format = #tpu.pack_format<interleaved>} : vector<32xbf16> -> vector<16xf32>
      %unpack3A_282 = tpu.unpack_subelements %bitcast3A_280, 1 {pack_format = #tpu.pack_format<interleaved>} : vector<32xbf16> -> vector<16xf32>
      %mul3A_283 = arith.mulf %unpack3A_281, %gather3A : vector<16xf32>
      %swap3A_284 = arith.index_cast %scan3A_235 : i32 to index
      %swap3A_285 = arith.constant 96 : index
      %swap3A_286 = tpu.vector_load %arg14[%swap3A_284, %swap3A_285] {strides = array<i32>} : memref<128x128xf32, #tpu.memory_space<vmem>>, vector<16xf32>,
      tpu.vector_store %arg14[%swap3A_284, %swap3A_285], %mul3A_283 {strides = array<i32>} : memref<128x128xf32, #tpu.memory_space<vmem>>, vector<16xf32>,
      %mul3A_287 = arith.mulf %unpack3A_282, %gather3A : vector<16xf32>
      %swap3A_288 = arith.index_cast %scan3A_235 : i32 to index
      %swap3A_289 = arith.constant 112 : index
      %swap3A_290 = tpu.vector_load %arg14[%swap3A_288, %swap3A_289] {strides = array<i32>} : memref<128x128xf32, #tpu.memory_space<vmem>>, vector<16xf32>,
      tpu.vector_store %arg14[%swap3A_288, %swap3A_289], %mul3A_287 {strides = array<i32>} : memref<128x128xf32, #tpu.memory_space<vmem>>, vector<16xf32>,
    }
    %scan3A_215 = arith.constant 128 : i32
    "tpu.region"() ({
      %run_scoped3A = tpu.sem_alloc : memref<!tpu.dma_semaphore, #tpu.memory_space<semaphore_mem>>
      %dma_start3A_235 = arith.constant 0 : i32
      %dma_start3A_236 = arith.constant 0 : i32
      %dma_start3A_237 = tpu.memref_slice %arg15[%dma_start3A_235, %dma_start3A_236] : memref<8448x128xf32, #tpu.memory_space<vmem_shared>> -> memref<8448x128xf32, #tpu.memory_space<vmem_shared>>
      tpu.enqueue_indirect_dma source(%arg14 : memref<128x128xf32, #tpu.memory_space<vmem>>) target(%dma_start3A_237 : memref<8448x128xf32, #tpu.memory_space<vmem_shared>>) offsets(%arg11 : memref<128xi32, #tpu.memory_space<vmem>>) semaphore(%run_scoped3A : memref<!tpu.dma_semaphore, #tpu.memory_space<semaphore_mem>>) {add = true}
      %dma_wait3A_238 = arith.constant 0 : i32
      %dma_wait3A_239 = arith.constant 0 : i32
      %dma_wait3A_240 = tpu.memref_slice %arg15[%dma_wait3A_238, %dma_wait3A_239] : memref<8448x128xf32, #tpu.memory_space<vmem_shared>> -> memref<8448x128xf32, #tpu.memory_space<vmem_shared>>
      tpu.wait_indirect_dma semaphore(%run_scoped3A : memref<!tpu.dma_semaphore, #tpu.memory_space<semaphore_mem>>) src(%arg14 : memref<128x128xf32, #tpu.memory_space<vmem>>) dst(%dma_wait3A_240 : memref<8448x128xf32, #tpu.memory_space<vmem_shared>>)
      tpu.yield
    }) : () -> ()
    %swap3A_216 = arith.constant 0 : index
    %swap3A_217 = tpu.vector_load %arg12[%swap3A_216] {strides = array<i32>} : memref<128xf32, #tpu.memory_space<vmem>>, vector<16xf32>,
    tpu.vector_store %arg12[%swap3A_216], %broadcast_in_dim3A_0 {strides = array<i32>} : memref<128xf32, #tpu.memory_space<vmem>>, vector<16xf32>,
    %swap3A_218 = arith.constant 16 : index
    %swap3A_219 = tpu.vector_load %arg12[%swap3A_218] {strides = array<i32>} : memref<128xf32, #tpu.memory_space<vmem>>, vector<16xf32>,
    tpu.vector_store %arg12[%swap3A_218], %broadcast_in_dim3A_0 {strides = array<i32>} : memref<128xf32, #tpu.memory_space<vmem>>, vector<16xf32>,
    %swap3A_220 = arith.constant 32 : index
    %swap3A_221 = tpu.vector_load %arg12[%swap3A_220] {strides = array<i32>} : memref<128xf32, #tpu.memory_space<vmem>>, vector<16xf32>,
    tpu.vector_store %arg12[%swap3A_220], %broadcast_in_dim3A_0 {strides = array<i32>} : memref<128xf32, #tpu.memory_space<vmem>>, vector<16xf32>,
    %swap3A_222 = arith.constant 48 : index
    %swap3A_223 = tpu.vector_load %arg12[%swap3A_222] {strides = array<i32>} : memref<128xf32, #tpu.memory_space<vmem>>, vector<16xf32>,
    tpu.vector_store %arg12[%swap3A_222], %broadcast_in_dim3A_0 {strides = array<i32>} : memref<128xf32, #tpu.memory_space<vmem>>, vector<16xf32>,
    %swap3A_224 = arith.constant 64 : index
    %swap3A_225 = tpu.vector_load %arg12[%swap3A_224] {strides = array<i32>} : memref<128xf32, #tpu.memory_space<vmem>>, vector<16xf32>,
    tpu.vector_store %arg12[%swap3A_224], %broadcast_in_dim3A_0 {strides = array<i32>} : memref<128xf32, #tpu.memory_space<vmem>>, vector<16xf32>,
    %swap3A_226 = arith.constant 80 : index
    %swap3A_227 = tpu.vector_load %arg12[%swap3A_226] {strides = array<i32>} : memref<128xf32, #tpu.memory_space<vmem>>, vector<16xf32>,
    tpu.vector_store %arg12[%swap3A_226], %broadcast_in_dim3A_0 {strides = array<i32>} : memref<128xf32, #tpu.memory_space<vmem>>, vector<16xf32>,
    %swap3A_228 = arith.constant 96 : index
    %swap3A_229 = tpu.vector_load %arg12[%swap3A_228] {strides = array<i32>} : memref<128xf32, #tpu.memory_space<vmem>>, vector<16xf32>,
    tpu.vector_store %arg12[%swap3A_228], %broadcast_in_dim3A_0 {strides = array<i32>} : memref<128xf32, #tpu.memory_space<vmem>>, vector<16xf32>,
    %swap3A_230 = arith.constant 112 : index
    %swap3A_231 = tpu.vector_load %arg12[%swap3A_230] {strides = array<i32>} : memref<128xf32, #tpu.memory_space<vmem>>, vector<16xf32>,
    tpu.vector_store %arg12[%swap3A_230], %broadcast_in_dim3A_0 {strides = array<i32>} : memref<128xf32, #tpu.memory_space<vmem>>, vector<16xf32>,
    %barrier3A_232 = arith.constant 0 : index
    tpu.barrier barrier_id(%barrier3A_232)
    %add3A_233 = arith.addi %mul3A_177, %mul3A_179 : i32
    "tpu.region"() ({
      %run_scoped3A = tpu.sem_alloc : memref<!tpu.dma_semaphore, #tpu.memory_space<semaphore_mem>>
      %dma_start3A_235 = arith.constant 0 : i32
      %dma_start3A_236 = tpu.memref_slice %arg6[%add3A_233, %dma_start3A_235] : memref<50688x128xf32, #tpu.memory_space<hbm>> -> memref<528x128xf32, #tpu.memory_space<hbm>>
      %dma_start3A_237 = arith.constant 0 : i32
      %dma_start3A_238 = tpu.memref_slice %arg15[%mul3A_179, %dma_start3A_237] : memref<8448x128xf32, #tpu.memory_space<vmem_shared>> -> memref<528x128xf32, #tpu.memory_space<vmem_shared>>
      tpu.enqueue_dma source(%dma_start3A_238 : memref<528x128xf32, #tpu.memory_space<vmem_shared>>) target(%dma_start3A_236 : memref<528x128xf32, #tpu.memory_space<hbm>>) target_semaphore(%run_scoped3A : memref<!tpu.dma_semaphore, #tpu.memory_space<semaphore_mem>>)
      %dma_wait3A_239 = arith.constant 0 : i32
      %dma_wait3A_240 = tpu.memref_slice %arg6[%add3A_233, %dma_wait3A_239] : memref<50688x128xf32, #tpu.memory_space<hbm>> -> memref<528x128xf32, #tpu.memory_space<hbm>>
      %dma_wait3A_241 = arith.constant 0 : i32
      %dma_wait3A_242 = tpu.memref_slice %arg15[%mul3A_179, %dma_wait3A_241] : memref<8448x128xf32, #tpu.memory_space<vmem_shared>> -> memref<528x128xf32, #tpu.memory_space<vmem_shared>>
      tpu.wait_dma2 semaphore(%run_scoped3A : memref<!tpu.dma_semaphore, #tpu.memory_space<semaphore_mem>>) src(%dma_wait3A_242 : memref<528x128xf32, #tpu.memory_space<vmem_shared>>) dst(%dma_wait3A_240 : memref<528x128xf32, #tpu.memory_space<hbm>>)
      tpu.yield
    }) : () -> ()
    %barrier3A_234 = arith.constant 0 : index
    tpu.barrier barrier_id(%barrier3A_234)
    return
  }
}

module attributes {stable_mosaic.version = 14 : i64} {
  func.func @_mm_body(%arg0: i32, %arg1: memref<1000x128xf32, #tpu.memory_space<vmem>>, %arg2: memref<128x128xf32, #tpu.memory_space<vmem>>, %arg3: memref<1000x128xbf16, #tpu.memory_space<vmem>>) attributes {dimension_semantics = [#tpu.dimension_semantics<arbitrary>], iteration_bounds = array<i64: 50>, scalar_prefetch = 0 : i64, scratch_operands = 0 : i64, tpu.core_type = #tpu.core_type<tc>, window_params = [{transform_indices = @transform_0, window_bounds = array<i64: 1000, 128>}, {pipeline_mode = #tpu.pipeline_mode<synchronous>, transform_indices = @transform_1, window_bounds = array<i64: 128, 128>}, {transform_indices = @transform_2, window_bounds = array<i64: 1000, 128>}]} {
    %get3A = arith.constant 0 : index
    %get3A_0 = arith.constant 0 : index
    %get3A_1 = vector.load %arg1[%get3A, %get3A_0] : memref<1000x128xf32, #tpu.memory_space<vmem>>, vector<1000x128xf32>
    %get3A_2 = arith.constant 0 : index
    %get3A_3 = arith.constant 0 : index
    %get3A_4 = vector.load %arg2[%get3A_2, %get3A_3] : memref<128x128xf32, #tpu.memory_space<vmem>>, vector<128x128xf32>
    %dot_general3A = arith.constant dense<0.000000e+00> : vector<1000x128xf32>
    %dot_general3A_5 = tpu.matmul %get3A_1, %get3A_4, %dot_general3A {dimension_numbers = #tpu.dot_dimension_numbers<[1], [0], [0], [1], [0, 0, 1, 1], [], []>, transpose_lhs_hint = false} : vector<1000x128xf32>, vector<128x128xf32>, vector<1000x128xf32> -> vector<1000x128xf32>
    %convert_element_type3A = arith.truncf %dot_general3A_5 : vector<1000x128xf32> to vector<1000x128xbf16>
    %swap3A = arith.constant 0 : index
    %swap3A_6 = arith.constant 0 : index
    %swap3A_7 = vector.load %arg3[%swap3A, %swap3A_6] : memref<1000x128xbf16, #tpu.memory_space<vmem>>, vector<1000x128xbf16>
    tpu.vector_store %arg3[%swap3A, %swap3A_6], %convert_element_type3A {strides = array<i32>} : memref<1000x128xbf16, #tpu.memory_space<vmem>>, vector<1000x128xbf16>,
    return
  }
  func.func @transform_0(%arg0: i32) -> (i32, i32) {
    %c0_i32 = arith.constant 0 : i32
    %c0_i32_0 = arith.constant 0 : i32
    return %arg0, %c0_i32 : i32, i32
  }
  func.func @transform_1(%arg0: i32) -> (i32, i32) {
    %c0_i32 = arith.constant 0 : i32
    %c0_i32_0 = arith.constant 0 : i32
    %c0_i32_1 = arith.constant 0 : i32
    return %c0_i32, %c0_i32_0 : i32, i32
  }
  func.func @transform_2(%arg0: i32) -> (i32, i32) {
    %c0_i32 = arith.constant 0 : i32
    %c0_i32_0 = arith.constant 0 : i32
    return %arg0, %c0_i32 : i32, i32
  }
}

module attributes {stable_mosaic.version = 14 : i64} {
  func.func @_w_body(%arg0: memref<8x128xf32, #tpu.memory_space<vmem>>, %arg1: memref<128x128xf32, #tpu.memory_space<vmem>>, %arg2: memref<1x128xf32, #tpu.memory_space<vmem>>, %arg3: memref<1x128xf32, #tpu.memory_space<vmem>>, %arg4: memref<8x75000xf32, #tpu.memory_space<vmem>>, %arg5: memref<8x75000xf32, #tpu.memory_space<vmem>>) attributes {dimension_semantics = [], scalar_prefetch = 0 : i64, scratch_operands = 0 : i64, tpu.core_type = #tpu.core_type<tc>} {
    %get3A = arith.constant 0 : index
    %get3A_0 = arith.constant 0 : index
    %get3A_1 = vector.load %arg0[%get3A, %get3A_0] : memref<8x128xf32, #tpu.memory_space<vmem>>, vector<8x128xf32>
    %get3A_2 = arith.constant 0 : index
    %get3A_3 = arith.constant 0 : index
    %get3A_4 = vector.load %arg1[%get3A_2, %get3A_3] : memref<128x128xf32, #tpu.memory_space<vmem>>, vector<128x128xf32>
    %dot_general3A = arith.constant dense<0.000000e+00> : vector<8x128xf32>
    %dot_general3A_5 = tpu.matmul %get3A_1, %get3A_4, %dot_general3A {dimension_numbers = #tpu.dot_dimension_numbers<[1], [0], [0], [1], [0, 0, 1, 1], [], []>, transpose_lhs_hint = false} : vector<8x128xf32>, vector<128x128xf32>, vector<8x128xf32> -> vector<8x128xf32>
    %get3A_6 = arith.constant 0 : index
    %get3A_7 = arith.constant 0 : index
    %get3A_8 = vector.load %arg2[%get3A_6, %get3A_7] : memref<1x128xf32, #tpu.memory_space<vmem>>, vector<1x128xf32>
    %add3A = vector.broadcast %get3A_8 : vector<1x128xf32> to vector<8x128xf32>
    %add3A_9 = arith.addf %dot_general3A_5, %add3A : vector<8x128xf32>
    %tanh3A = math.tanh %add3A_9 : vector<8x128xf32>
    %get3A_10 = arith.constant 0 : index
    %get3A_11 = arith.constant 0 : index
    %get3A_12 = vector.load %arg3[%get3A_10, %get3A_11] : memref<1x128xf32, #tpu.memory_space<vmem>>, vector<1x128xf32>
    %mul3A = vector.broadcast %get3A_12 : vector<1x128xf32> to vector<8x128xf32>
    %mul3A_13 = arith.mulf %tanh3A, %mul3A : vector<8x128xf32>
    %reduce_sum3A = arith.constant dense<0.000000e+00> : vector<8xf32>
    %reduce_sum3A_14 = vector.multi_reduction <add>, %mul3A_13, %reduce_sum3A [1] : vector<8x128xf32> to vector<8xf32>
    %broadcast_in_dim3A = vector.shape_cast %reduce_sum3A_14 : vector<8xf32> to vector<8x1xf32>
    %get3A_15 = arith.constant 0 : index
    %get3A_16 = arith.constant 0 : index
    %get3A_17 = vector.load %arg4[%get3A_15, %get3A_16] : memref<8x75000xf32, #tpu.memory_space<vmem>>, vector<8x75000xf32>
    %logistic3A = arith.negf %broadcast_in_dim3A : vector<8x1xf32>
    %logistic3A_18 = math.exp %logistic3A : vector<8x1xf32>
    %logistic3A_19 = arith.constant 1.000000e+00 : f32
    %logistic3A_20 = vector.broadcast %logistic3A_19 : f32 to vector<8x1xf32>
    %logistic3A_21 = arith.addf %logistic3A_20, %logistic3A_18 : vector<8x1xf32>
    %logistic3A_22 = arith.divf %logistic3A_20, %logistic3A_21 : vector<8x1xf32>
    %mul3A_23 = vector.broadcast %logistic3A_22 : vector<8x1xf32> to vector<8x75000xf32>
    %mul3A_24 = arith.mulf %get3A_17, %mul3A_23 : vector<8x75000xf32>
    %swap3A = arith.constant 0 : index
    %swap3A_25 = arith.constant 0 : index
    %swap3A_26 = vector.load %arg5[%swap3A, %swap3A_25] : memref<8x75000xf32, #tpu.memory_space<vmem>>, vector<8x75000xf32>
    tpu.vector_store %arg5[%swap3A, %swap3A_25], %mul3A_24 {strides = array<i32>} : memref<8x75000xf32, #tpu.memory_space<vmem>>, vector<8x75000xf32>,
    return
  }
}

</mosaic_0001>

<sc_bundles>
// kernel: kernel.5.cloned.1.call-start
scs
__scs_entry_jumppad:
0x0: {  	(pc) =	sbr.rel $0x88, $3  }
0x1: {  	(tag) =	ssettag $0x0;
	lr =	simm.s32 $0x1  }
0x2: {  	[smem:$0x3F98] =	sst lr;
	_ =	strace $0xD0000000  }
0x3: {  	_ = 	snop  }
0x4: {  	_ = 	snop  }
0x5: {  	_ = 	snop  }
0x6: {  	_ = 	snop  }
0x7: {  	_ = 	snop  }
__scs_overlays_trampoline_lowered:
0x8: {  	[smem:$0x3FA7] =	sst s0  }
0x9: {  	[smem:$0x3FA8] =	sst s1  }
0xa: {  	[smem:$0x3FA9] =	sst s2  }
0xb: {  	[smem:$0x3FAA] =	sst s3  }
0xc: {  	[smem:$0x3FAB] =	sst s4  }
0xd: {  	[smem:$0x3FAC] =	sst s5  }
0xe: {  	[smem:$0x3FAD] =	sst s6  }
0xf: {  	[smem:$0x3FAE] =	sst s7  }
0x10: {  	[smem:$0x3FAF] =	sst s8  }
0x11: {  	[smem:$0x3FB0] =	sst s9;
	s0 =	simm.s32 @!p0 $0x0  }
0x12: {  	s1 =	sld [smem:$0x3F96];
	s0 =	simm.s32 @p0 $0x1  }
0x13: {  	[smem:$0x3FB1] =	sst s0;
	s0 =	simm.s32 @!p1 $0x0  }
0x14: {  	s2 =	sld [smem:$0x3F95];
	s0 =	simm.s32 @p1 $0x1  }
0x15: {  	[smem:$0x3FB2] =	sst s0;
	s0 =	simm.s32 @!p2 $0x0  }
0x16: {  	s3 =	sld [smem:$0x3FDB];
	s0 =	simm.s32 @p2 $0x1  }
0x17: {  	s4 =	simm.s32 $0x1BF5;
	[smem:$0x3FB4] =	sst s0  }
0x18: {  	s0 =	sld [smem:$0x3F97];
	_ =	swait.ge [sflag:s4], $0x0  }
0x19: {  	s7 =	sld [smem:$0x3F98]  }
0x1a: {  	s8 =	sadd.s32 $0xFFFFE003, lr  }
0x1b: {  	s9 =	sadd.s32 $0xFFFFFEF7, lr;
	s5 =	simm.s32 $0xFFFFFFFF;
	p2 =	slt.u32 s8, $0xFFFFF086  }
0x1c: {  	p1 =	slt.u32 s9, $0xF7A;
	s5 =	simm.s32 @!p2 $0x0  }
0x1d: {  	s5 =	simm.s32 @p1 $0x1;
	p0 =	seq.s32 s7, s2  }
0x1e: {  	s7 =	smul.u32 @!p0 $0xF7A, s2;
	p2 =	seq.s32 @!p0 s5, $0x0  }
0x1f: {  	s9 =	smul.u32 $0xF7A, s1;
	s8 =	simm.s32 @!p0 $0x1BF5;
	p2 =	por !p2, p0  }
0x20: {  	[sflag:s8] =	ssyncset.s32 @!p0 $0xFFFFF086;
	s6 =	sadd.s32 @!p0 s3, s7;
	s7 =	simm.s32 @!p0 $0x108  }
0x21: {  	s3 =	sadd.s32 s3, s9;
	s6 =	sadd.s32 @!p0 $0x88, s6;
	s7 =	simm.s32 @p2 $0x1082  }
0x22: {  	[simem:s7], [sflag:s8] =	dma.local @!p0 [hbm:s6], $0xF7A  }
0x23: {  	s9 =	sor.u32 $0xD0000000, s2;
	s6 =	simm.s32 $0x108;
	_ =	swait.ge @!p0 [sflag:s8], $0x0  }
0x24: {  	s3 =	sadd.s32 $0x88, s3;
	s6 =	simm.s32 @!p1 $0x1082;
	[sflag:s4] =	ssyncset.s32 $0xFFFFF086  }
0x25: {  	[simem:s6], [sflag:s4] =	dma.local [hbm:s3], $0xF7A  }
0x26: {  	[smem:$0x3F98] =	sst s1;
	(tag) =	ssettag s2;
	_ =	strace s9  }
0x27: {  	s1 =	sld [smem:$0x3FA8]  }
0x28: {  	s2 =	sld [smem:$0x3FA9]  }
0x29: {  	s4 =	sld [smem:$0x3FAB]  }
0x2a: {  	p0 =	seq.s32 s5, $0x0;
	s5 =	sld [smem:$0x3FAC]  }
0x2b: {  	s6 =	sld [smem:$0x3FAD]  }
0x2c: {  	s7 =	sld [smem:$0x3FAE]  }
0x2d: {  	s3 =	simm.s32 $0x108;
	s8 =	sld [smem:$0x3FAF]  }
0x2e: {  	s3 =	simm.s32 @!p0 $0x1082;
	s9 =	sld [smem:$0x3FB0]  }
0x2f: {  	lr =	sadd.s32 s0, s3;
	s0 =	sld [smem:$0x3FA7]  }
0x30: {  	s3 =	sld [smem:$0x3FAA]  }
0x31: {  	[smem:$0x3FB3] =	sst s10  }
0x32: {  	s10 =	sld [smem:$0x3FB1];
	_ =	sdelay $0x3  }
0x33: {  	p0 =	seq.s32 s10, $0x1;
	s10 =	sld [smem:$0x3FB3];
	_ =	sdelay $0x3  }
0x34: {  	[smem:$0x3FB3] =	sst s10  }
0x35: {  	s10 =	sld [smem:$0x3FB2];
	_ =	sdelay $0x3  }
0x36: {  	p1 =	seq.s32 s10, $0x1;
	s10 =	sld [smem:$0x3FB3];
	_ =	sdelay $0x3  }
0x37: {  	[smem:$0x3FB3] =	sst s10  }
0x38: {  	s10 =	sld [smem:$0x3FB4]  }
0x39: {  	_ = 	snop;
	(pc) =	sbr.ind lr, $3  }
0x3a: {  	_ = 	snop  }
0x3b: {  	_ = 	snop  }
0x3c: {  	p2 =	seq.s32 s10, $0x1;
	s10 =	sld [smem:$0x3FB3]  }
0x3d: {  	_ =	shalt  }
0x3e: {  	_ =	shalt  }
0x3f: {  	_ =	shalt  }
0x40: {  	_ =	shalt  }
0x41: {  	_ =	shalt  }
0x42: {  	_ =	shalt  }
0x43: {  	_ =	shalt  }
0x44: {  	_ =	shalt  }
0x45: {  	_ =	shalt  }
0x46: {  	_ =	shalt  }
0x47: {  	_ =	shalt  }
0x48: {  	_ =	shalt  }
0x49: {  	_ =	shalt  }
0x4a: {  	_ =	shalt  }
0x4b: {  	_ =	shalt  }
0x4c: {  	_ =	shalt  }
0x4d: {  	_ =	shalt  }
0x4e: {  	_ =	shalt  }
0x4f: {  	_ =	shalt  }
0x50: {  	_ =	shalt  }
0x51: {  	_ =	shalt  }
0x52: {  	_ =	shalt  }
0x53: {  	_ =	shalt  }
0x54: {  	_ =	shalt  }
0x55: {  	_ =	shalt  }
0x56: {  	_ =	shalt  }
0x57: {  	_ =	shalt  }
0x58: {  	_ =	shalt  }
0x59: {  	_ =	shalt  }
0x5a: {  	_ =	shalt  }
0x5b: {  	_ =	shalt  }
0x5c: {  	_ =	shalt  }
0x5d: {  	_ =	shalt  }
0x5e: {  	_ =	shalt  }
0x5f: {  	_ =	shalt  }
0x60: {  	_ =	shalt  }
0x61: {  	_ =	shalt  }
0x62: {  	_ =	shalt  }
0x63: {  	_ =	shalt  }
0x64: {  	_ =	shalt  }
0x65: {  	_ =	shalt  }
0x66: {  	_ =	shalt  }
0x67: {  	_ =	shalt  }
0x68: {  	_ =	shalt  }
0x69: {  	_ =	shalt  }
0x6a: {  	_ =	shalt  }
0x6b: {  	_ =	shalt  }
0x6c: {  	_ =	shalt  }
0x6d: {  	_ =	shalt  }
0x6e: {  	_ =	shalt  }
0x6f: {  	_ =	shalt  }
0x70: {  	_ =	shalt  }
0x71: {  	_ =	shalt  }
0x72: {  	_ =	shalt  }
0x73: {  	_ =	shalt  }
0x74: {  	_ =	shalt  }
0x75: {  	_ =	shalt  }
0x76: {  	_ =	shalt  }
0x77: {  	_ =	shalt  }
0x78: {  	_ =	shalt  }
0x79: {  	_ =	shalt  }
0x7a: {  	_ =	shalt  }
0x7b: {  	_ =	shalt  }
0x7c: {  	_ =	shalt  }
0x7d: {  	_ =	shalt  }
0x7e: {  	_ =	shalt  }
0x7f: {  	_ =	shalt  }
0x80: {  	_ =	shalt  }
0x81: {  	_ =	shalt  }
0x82: {  	_ =	shalt  }
0x83: {  	_ =	shalt  }
0x84: {  	_ =	shalt  }
0x85: {  	_ =	shalt  }
0x86: {  	_ =	shalt  }
0x87: {  	_ =	shalt  }
.Lfunc_end0:
.L_simem_size_0:
called_computation_lowered:
.L_overlay_start_0:
0x88: {  	s2 =	sld [smem:$0x3FD9]  }
0x89: {  	s3 =	sld [smem:$0x3FFE];
	_ =	sdelay $0x1  }
0x8a: {  	s1 =	srdreg.scid  }
0x8b: {  	s0 =	sand.u32 $0x1, s1  }
0x8c: {  	s14 =	sshll.u32 s0, $0xA;
	s2 =	sadd.s32 s3, s2  }
0x8d: {  	s2 =	sadd.s32 s2, s14  }
0x8e: {  	[smem:$0x3FBF] =	sst s2  }
0x8f: {  	_ = 	snop  }
0x90: {  	s2 =	sld [smem:$0x3FD0];
	_ =	sdelay $0x2  }
0x91: {  	s15 =	simm.s32 $0xA;
	s4 =	simm.s32 $0x10  }
0x92: {  	[smem:s4], [sflag:s15] =	dma.local [hbm:s2], $0x1  }
0x93: {  	_ =	swait.eq [sflag:s15], $0x1  }
0x94: {  	[sflag:s15] =	ssyncset.done $0x0  }
0x95: {  	[sflag:s15] =	ssyncadd.s32 $0xFFFFFFFF  }
0x96: {  	s16 =	sld [smem:$0x10];
	(tm) =	ssettm $0x1  }
0x97: {  	s17 =	sld [smem:$0x3FFB];
	_ =	sdelay $0x3  }
0x98: {  	_ =	strace s17  }
0x99: {  	s3 =	sld [smem:$0x3FFC];
	_ =	sdelay $0x3  }
0x9a: {  	_ =	strace s3  }
0x9b: {  	s3 =	sld [smem:$0x3FFD];
	_ =	sdelay $0x3  }
0x9c: {  	_ =	strace s3  }
0x9d: {  	_ =	strace $0x8FFFFFFF  }
0x9e: {  	s18 =	sld [smem:$0x3FDB];
	_ =	sdelay $0x1  }
0x9f: {  	s19 =	simm.s32 $_scs_section_size  }
0xa0: {  	s5 =	simm.s32 $_size__tile_overlayer_lowered;
	s6 =	simm.s32 $_tile_overlayer_lowered  }
0xa1: {  	s22 =	simm.s32 $0x1BFF;
	s21 =	sshll.u32 s6, $0x1;
	s3 =	sadd.s32 s19, s18  }
0xa2: {  	s7 =	simm.s32 $0x0;
	s20 =	sshll.u32 s5, $0x1;
	s5 =	sadd.s32 s21, s3  }
0xa3: {  	[timem:s7], [sflag:s22] =	dma.local [hbm:s5], s20  }
0xa4: {  	_ =	swait.ge [sflag:s22], s20  }
0xa5: {  	s4 =	ssub.s32 $0x0, s20;
	[sflag:s22] =	ssyncset.done $0x0  }
0xa6: {  	[sflag:s22] =	ssyncadd.s32 s4;
	_ =	sdelay $0x1  }
0xa7: {  	s23 =	simm.s32 $0x1B8B  }
0xa8: {  	_ =	swait.ge [sflag:s23], $0x1  }
0xa9: {  	[sflag:s23] =	ssyncset.done $0x0  }
0xaa: {  	s25 =	simm.s32 $0x1B8E;
	s24 =	sld [smem:$0x3FFE];
	[sflag:s23] =	ssyncadd.s32 $0xFFFFFFFF  }
0xab: {  	s26 =	simm.s32 $execute0_lowered;
	[smem:$0x3FD2] =	sst s25  }
0xac: {  	s5 =	sshll.u32 s26, $0x1;
	_ =	strace $0x80000046;
	[dreg:$0x1] =	wrdreg $0xFFFFFFFF  }
0xad: {  	s28 =	simm.s32 $_size_execute0_lowered;
	s3 =	sadd.s32 s3, s5;
	[dreg:$0x0] =	wrdreg $0x0  }
0xae: {  	s5 =	sshll.u32 s28, $0x1;
	[dreg:$0x2] =	wrdreg s3  }
0xaf: {  	[dreg:$0x3] =	wrdreg s5  }
0xb0: {  	[dreg:$0x4] =	wrdreg $0xC0  }
0xb1: {  	_ =	task [dreg:s7], $0x5FFFF  }
0xb2: {  	[dreg:$0x1] =	wrdreg $0xFFFFFFFF  }
0xb3: {  	[dreg:$0x0] =	wrdreg $0x60  }
0xb4: {  	[dreg:$0x2] =	wrdreg s24  }
0xb5: {  	[dreg:$0x3] =	wrdreg s16  }
0xb6: {  	[dreg:$0x4] =	wrdreg $0xCF600  }
0xb7: {  	[dreg:$0x5] =	wrdreg $0x9  }
0xb8: {  	_ =	task.clear_ibuf [dreg:s7], $0x6FFFF;
	_ =	strace $0x90000046  }
0xb9: {  	s29 =	simm.s32 $0x9;
	_ =	strace $0x80000048  }
0xba: {  	_ =	swait.ge [sflag:s29], $0x1  }
0xbb: {  	[sflag:s29] =	ssyncadd.s32 $0xFFFFFFFF  }
0xbc: {  	_ =	strace $0x90000048  }
0xbd: {  	_ =	sfence  }
0xbe: {  	s30 =	sld [smem:$0x0];
	_ =	sdelay $0x2  }
0xbf: {  	s31 =	sshll.u32 s1, $0xD;
	s1 =	sshrl.u32 s1, $0x2  }
0xc0: {  	s3 =	sand.u32 $0x4000, s31;
	s1 =	sadd.s32 s1, s30  }
0xc1: {  	s0 =	sor.u32 s3, s0;
	s1 =	sshll.u32 s1, $0x11  }
0xc2: {  	s0 =	sor.u32 s1, s0  }
0xc3: {  	s0 =	sadd.s32 $0x8F2B, s0  }
0xc4: {  	[sflag:s0] =	ssyncadd.remote.s32 $0x1  }
0xc5: {  	_ =	sfence.sel $0xFFFF  }
0xc6: {  	[dreg:$0x0] =	wrdreg $0xFFFFFFFF;
	(pc) =	sbr.abs _section_cstart, $3  }
0xc7: {  	[dreg:$0x1] =	wrdreg $0xFFFFFFFF  }
0xc8: {  	_ =	task.clear_ibuf [dreg:s7], $0x2FFFF;
	_ =	strace $0x9FFFFFFF  }
0xc9: {  	(tm) =	ssettm $0x7FFFFFFF  }
tec
execute0_lowered:
.L_overlay_start_1:
0x0: {  	(tag) =	ssettag $0x1  }
0x1: {  	s0 =	rddreg [dreg:$0x0]  }
0x2: {  	s1 =	rddreg [dreg:$0x1]  }
0x3: {  	s2 =	rddreg [dreg:$0x2];
	s3 =	simm.s32 $0x0  }
0x4: {  	s4 =	srdreg.scid;
	s12 =	stileid.u32;
	s19 =	simm.s32 $0x2  }
0x5: {  	s20 =	simm.s32 $0x24A0;
	s21 =	simm.s32 $0x4940;
	s22 =	simm.s32 $0x6DE0  }
0x6: {  	s23 =	simm.s32 $0x6E60;
	s24 =	simm.s32 $0x6EE0;
	s26 =	simm.s32 $0x6F60  }
0x7: {  	s28 =	simm.s32 $0x1;
	[smem:$0x7FF] =	sst s3;
	s9 =	smul.u32 $0x42000, s12  }
0x8: {  	s5 =	sadd.s32 $0x25A00, s0;
	s6 =	sadd.s32 $0x13400, s0;
	s8 =	smul.u32 $0x9280, s12  }
0x9: {  	s4 =	sand.u32 $0x1, s4;
	s7 =	sadd.s32 $0xE00, s0;
	s15 =	smul.u32 $0x210, s12  }
0xa: {  	s0 =	sadd.s32 $0x38000, s0;
	s10 =	ssub.s32 $0x2, s4;
	s4 =	smul.u32 $0x6300, s4  }
0xb: {  	_ =	strace $0x80000047;
	s11 =	sshrl.u32 s10, $0x1;
	s9 =	sshrl.u32 s9, $0x2  }
0xc: {  	s14 =	ssub.s32 s10, s11;
	s9 =	sadd.s32 s9, s2;
	s16 =	sadd.s32 $0x2100, s4  }
0xd: {  	s17 =	sadd.s32 s15, s4;
	s25 =	sadd.s32 $0x4200, s4;
	s10 =	sadd.s32 $0x4000, s9  }
0xe: {  	s11 =	sadd.s32 $0x8000, s9;
	s12 =	sadd.s32 $0xC000, s9;
	s18 =	sadd.s32 s15, s16  }
0xf: {  	s17 =	sshll.u32 s17, $0x4;
	s15 =	sadd.s32 s15, s25;
	s31 =	smax.u32 s14, $0x1  }
0x10: {  	s18 =	sshll.u32 s18, $0x4;
	s17 =	sadd.s32 s0, s17;
	[dreg:$0x7] =	wrdreg s31  }
0x11: {  	s15 =	sshll.u32 s15, $0x4;
	[dreg:$0x4] =	wrdreg s17;
	s30 =	sadd.s32 s0, s18  }
0x12: {  	v3 =	vimm.f32 $0.0e+00;
	v4 =	vimm.s32 $0x0;
	s13 =	sadd.s32 $0x10000, s9;
	s0 =	sadd.s32 s0, s15;
	[dreg:$0x5] =	wrdreg s30  }
0x13: {  	v0 =	vmov s4;
	v1 =	vmov s16;
	v2 =	vmov s25;
	s25 =	simm.s32 $0x80;
	s18 =	simm.s32 $0x8F60;
	[dreg:$0x6] =	wrdreg s0  }
.LBB2_1:
0x14: {  	[tilespmem:$0x6EE0] =	vst v3  }
0x15: {  	[tilespmem:$0x6DE0] =	vst v4  }
0x16: {  	[tilespmem:$0x6E60] =	vst v4  }
0x17: {  	[tilespmem:$0x6EF0] =	vst v3  }
0x18: {  	[tilespmem:$0x6DF0] =	vst v4  }
0x19: {  	[tilespmem:$0x6E70] =	vst v4  }
0x1a: {  	[tilespmem:$0x6F00] =	vst v3  }
0x1b: {  	[tilespmem:$0x6E00] =	vst v4  }
0x1c: {  	[tilespmem:$0x6E80] =	vst v4  }
0x1d: {  	[tilespmem:$0x6F10] =	vst v3  }
0x1e: {  	[tilespmem:$0x6E10] =	vst v4  }
0x1f: {  	[tilespmem:$0x6E90] =	vst v4  }
0x20: {  	[tilespmem:$0x6F20] =	vst v3  }
0x21: {  	[tilespmem:$0x6E20] =	vst v4  }
0x22: {  	[tilespmem:$0x6EA0] =	vst v4  }
0x23: {  	[tilespmem:$0x6F30] =	vst v3  }
0x24: {  	[tilespmem:$0x6E30] =	vst v4  }
0x25: {  	[tilespmem:$0x6EB0] =	vst v4  }
0x26: {  	[tilespmem:$0x6F40] =	vst v3  }
0x27: {  	[tilespmem:$0x6E40] =	vst v4  }
0x28: {  	[tilespmem:$0x6EC0] =	vst v4  }
0x29: {  	[tilespmem:$0x6F50] =	vst v3  }
0x2a: {  	[tilespmem:$0x6E50] =	vst v4  }
0x2b: {  	[tilespmem:$0x6ED0] =	vst v4;
	s0 =	simm.s32 $0x0;
	s4 =	simm.s32 $0x200  }
.LBB2_2:
0x2c: {  	p0 =	sne.s32 s4, $0xFE00;
	[tilespmem:s0+$0x8FD0] =	vst v3  }
0x2d: {  	[tilespmem:s0+$0x8F60] =	vst v3  }
0x2e: {  	[tilespmem:s0+$0x8F70] =	vst v3  }
.Ltmp0:
0x2f: {  	[tilespmem:s0+$0x8F80] =	vst v3;
	(pc) =	sbr.rel @p0 .LBB2_2-.Ltmp0, $4  }
0x30: {  	[tilespmem:s0+$0x8F90] =	vst v3  }
0x31: {  	[tilespmem:s0+$0x8FA0] =	vst v3  }
0x32: {  	[tilespmem:s0+$0x8FB0] =	vst v3  }
0x33: {  	[tilespmem:s0+$0x8FC0] =	vst v3;
	s0 =	sshra.s32 s4, $0x2;
	s4 =	sadd.s32 $0x200, s4  }
0x34: {  	[tilespmem:s0+$0x8FD0] =	vst v3  }
0x35: {  	[tilespmem:s0+$0x8F60] =	vst v3  }
0x36: {  	[tilespmem:s0+$0x8F70] =	vst v3  }
0x37: {  	[tilespmem:s0+$0x8F80] =	vst v3  }
0x38: {  	[tilespmem:s0+$0x8F90] =	vst v3  }
0x39: {  	[tilespmem:s0+$0x8FA0] =	vst v3  }
0x3a: {  	[tilespmem:s0+$0x8FB0] =	vst v3  }
0x3b: {  	[tilespmem:s0+$0x8FC0] =	vst v3  }
0x3c: {  	[spmem:s9] =	stream.linear.scatter [tilespmem:s18], [sflag:$0x2], $0x4000, $0x38;
	[tilespmem:$0x1D760] =	vst v63  }
0x3d: {  	_ =	swait.ge [sflag:s19], $0x4000  }
0x3e: {  	[sflag:s19] =	ssyncset.done $0x0  }
0x3f: {  	[sflag:s19] =	ssyncadd.s32 $0xFFFFC000  }
0x40: {  	[spmem:s10] =	stream.linear.scatter [tilespmem:s18], [sflag:$0x2], $0x4000, $0x38;
	[tilespmem:$0x1D760] =	vst v63  }
0x41: {  	_ =	swait.ge [sflag:s19], $0x4000  }
0x42: {  	[sflag:s19] =	ssyncset.done $0x0  }
0x43: {  	[sflag:s19] =	ssyncadd.s32 $0xFFFFC000  }
0x44: {  	[spmem:s11] =	stream.linear.scatter [tilespmem:s18], [sflag:$0x2], $0x4000, $0x38;
	[tilespmem:$0x1D760] =	vst v63  }
0x45: {  	_ =	swait.ge [sflag:s19], $0x4000  }
0x46: {  	[sflag:s19] =	ssyncset.done $0x0  }
0x47: {  	[sflag:s19] =	ssyncadd.s32 $0xFFFFC000  }
0x48: {  	[spmem:s12] =	stream.linear.scatter [tilespmem:s18], [sflag:$0x2], $0x4000, $0x38;
	[tilespmem:$0x1D760] =	vst v63  }
0x49: {  	_ =	swait.ge [sflag:s19], $0x4000  }
0x4a: {  	[sflag:s19] =	ssyncset.done $0x0  }
0x4b: {  	[sflag:s19] =	ssyncadd.s32 $0xFFFFC000  }
0x4c: {  	[spmem:s13] =	stream.linear.scatter [tilespmem:s18], [sflag:$0x2], $0x800, $0x38;
	[tilespmem:$0x1D760] =	vst v63  }
.Ltmp1:
0x4d: {  	_ =	swait.ge [sflag:s19], $0x800;
	(pc) =	sbr.rel .LBB2_4-.Ltmp1, $4  }
0x4e: {  	[sflag:s19] =	ssyncset.done $0x0  }
0x4f: {  	[sflag:s19] =	ssyncadd.s32 $0xFFFFF800  }
0x50: {  	[bflag:$0x0] =	sbarrier.arrive $0xFFFF  }
0x51: {  	s29 =	simm.s32 $0x0;
	s4 =	simm.s32 $0x0;
	s30 =	simm.s32 $0x0  }
.LBB2_10:
0x52: {  	s30 =	sadd.s32 $0x1, s30  }
0x53: {  	p0 =	sne.s32 s30, $0x4  }
.Ltmp2:
0x54: {  	_ = 	snop;
	(pc) =	sbr.rel @!p0 .LBB2_11-.Ltmp2, $1  }
0x55: {  	_ =	sdelay $0x3  }
.LBB2_4:
0x56: {  	s0 =	smul.u32 $0x24A0, s30;
	_ =	sdelay $0x1  }
0x57: {  	s0 =	sadd.s32 s8, s0  }
0x58: {  	s0 =	sshrl.u32 s0, $0x3  }
0x59: {  	s14 =	sadd.s32 s5, s0  }
0x5a: {  	[tilespmem:s29], [sflag:$0x2] =	stream.linear.gather [hbm4b:s14+s29], $0x24A0, $0x38;
	[tilespmem:$0x1D760] =	vst v63  }
0x5b: {  	_ =	swait.ge [sflag:s19], $0x24A0  }
0x5c: {  	[sflag:s19] =	ssyncset.done $0x0  }
0x5d: {  	s31 =	sadd.s32 s6, s0;
	[sflag:s19] =	ssyncadd.s32 $0xFFFFDB60  }
0x5e: {  	[tilespmem:s20], [sflag:$0x2] =	stream.linear.gather [hbm4b:s31+s29], $0x24A0, $0x38;
	[tilespmem:$0x1D760] =	vst v63  }
0x5f: {  	_ =	swait.ge [sflag:s19], $0x24A0  }
0x60: {  	[sflag:s19] =	ssyncset.done $0x0  }
.Ltmp3:
0x61: {  	s0 =	sadd.s32 s7, s0;
	[sflag:s19] =	ssyncadd.s32 $0xFFFFDB60;
	(pc) =	sbr.rel .LBB2_5-.Ltmp3, $4  }
0x62: {  	[tilespmem:s21], [sflag:$0x2] =	stream.linear.gather [hbm4b:s0+s29], $0x24A0, $0x38;
	[tilespmem:$0x1D760] =	vst v63  }
0x63: {  	_ =	swait.ge [sflag:s19], $0x24A0  }
0x64: {  	[sflag:s19] =	ssyncset.done $0x0  }
0x65: {  	s0 =	simm.s32 $0x0;
	[sflag:s19] =	ssyncadd.s32 $0xFFFFDB60  }
.LBB2_8:
0x66: {  	v7 =	vunpack.i.l.bf16.f32 v6  }
0x67: {  	v6 =	vunpack.i.u.bf16.f32 v6;
	v7 =	vmul.f32 v7, v5  }
0x68: {  	v5 =	vmul.f32 v6, v5  }
0x69: {  	[tilespmem:s15+$0x20] =	vst v7  }
0x6a: {  	[tilespmem:s15+$0x30] =	vst v5  }
0x6b: {  	[spmem:s2] =	stream.indirect.scatter.add.f32 [tilespmem:s18], [sflag:$0x2], $0x80, s23, s25, $0xb8;
	[tilespmem:$0x1D760] =	vst v63  }
0x6c: {  	_ =	swait.ge [sflag:s19], $0x4000  }
0x6d: {  	[sflag:s19] =	ssyncset.done $0x0  }
0x6e: {  	[sflag:s19] =	ssyncadd.s32 $0xFFFFC000  }
0x6f: {  	[tilespmem:$0x6EE0] =	vst v3  }
0x70: {  	[tilespmem:$0x6EF0] =	vst v3  }
0x71: {  	[tilespmem:$0x6F00] =	vst v3  }
0x72: {  	[tilespmem:$0x6F10] =	vst v3  }
0x73: {  	[tilespmem:$0x6F20] =	vst v3  }
0x74: {  	[tilespmem:$0x6F30] =	vst v3  }
0x75: {  	[tilespmem:$0x6F40] =	vst v3  }
0x76: {  	s4 =	simm.s32 $0x0;
	[tilespmem:$0x6F50] =	vst v3  }
.LBB2_9:
0x77: {  	s0 =	sadd.s32 $0x1, s0  }
0x78: {  	p0 =	sne.s32 s0, $0x125  }
.Ltmp4:
0x79: {  	_ = 	snop;
	(pc) =	sbr.rel @!p0 .LBB2_10-.Ltmp4, $1  }
0x7a: {  	_ =	sdelay $0x3  }
.LBB2_5:
0x7b: {  	s14 =	sshll.u32 s0, $0x5  }
0x7c: {  	v5 =	vld [tilespmem:s14+$0x0];
	_ =	sdelay $0x4  }
0x7d: {  	v5 =	vsub.s32 v5, v0  }
0x7e: {  	vm0 =	vlt.u32 v5, $0x2100  }
0x7f: {  	v6 =	vsel vm0, $0x1, v4  }
0x80: {  	(xrf0) =	vadd.scan.msk.s32 $0xffff, v6;
	_ =	sdelay $0x5  }
0x81: {  	v7, _, _ =	vpop (xrf0)  }
0x82: {  	v6 =	vsub.s32 v7, v6  }
0x83: {  	v7 =	vld [tilespmem:s14+$0x24A0];
	v6 =	vadd.s32 s4, v6;
	_ =	sdelay $0x1  }
0x84: {  	v8 =	vld [tilespmem:s14+$0x4940];
	_ =	sdelay $0x2  }
0x85: {  	[tilespmem:v6+s22+$0x0] =	vst.idx.msk vm0, v7  }
0x86: {  	[tilespmem:v6+s23+$0x0] =	vst.idx.msk vm0, v5  }
0x87: {  	[tilespmem:v6+s24+$0x0] =	vst.idx.msk vm0, v8  }
0x88: {  	v5 =	vld [tilespmem:s14+$0x10];
	_ =	sdelay $0x4  }
0x89: {  	v6 =	vmpcnt.ones.xlane vm0;
	v5 =	vsub.s32 v5, v0  }
0x8a: {  	vm15 =	vlt.u32 v5, $0x2100  }
0x8b: {  	(v2sf) =	vpush v6, $0x0;
	v6 =	vmpcnt.ones.xlane vm15;
	_ =	sdelay $0x1  }
0x8c: {  	(v2sf) =	vpush v6, $0x0;
	_ =	sdelay $0x5  }
0x8d: {  	v6 =	vsel vm15, $0x1, v4  }
0x8e: {  	(xrf0) =	vadd.scan.msk.s32 $0xffff, v6;
	_ =	sdelay $0x5  }
0x8f: {  	s15 =	spop (v2sf);
	v7, _, _ =	vpop (xrf0)  }
0x90: {  	s17 =	sadd.s32 s4, s15;
	v6 =	vsub.s32 v7, v6  }
0x91: {  	v7 =	vld [tilespmem:s14+$0x24B0];
	v6 =	vadd.s32 s17, v6;
	s31 =	spop (v2sf)  }
0x92: {  	s4 =	sadd.s32 s17, s31  }
0x93: {  	v8 =	vld [tilespmem:s14+$0x4950];
	p0 =	slt.s32 s4, $0x60  }
.Ltmp5:
0x94: {  	_ = 	snop;
	(pc) =	sbr.rel @p0 .LBB2_9-.Ltmp5, $4  }
0x95: {  	_ = 	snop  }
0x96: {  	[tilespmem:v6+s22+$0x0] =	vst.idx.msk vm15, v7  }
0x97: {  	[tilespmem:v6+s23+$0x0] =	vst.idx.msk vm15, v5  }
0x98: {  	[tilespmem:v6+s24+$0x0] =	vst.idx.msk vm15, v8  }
0x99: {  	s4 =	simm.s32 $0x0  }
0x9a: {  	[tilespmem:s26], [sflag:$0x1] =	stream.indirect.gather [hbm4b:s1+s25], $0x40, s22, s25, $0xb8;
	v5 =	vmov s4;
	[tilespmem:$0x1D760] =	vst v63  }
0x9b: {  	_ =	swait.ge [sflag:s28], $0x2000  }
0x9c: {  	[sflag:s28] =	ssyncset.done $0x0  }
0x9d: {  	s4 =	simm.s32 $0x6F80;
	[sflag:s28] =	ssyncadd.s32 $0xFFFFE000  }
0x9e: {  	v6 =	vld [tilespmem:s4+$0xFFFFFFE0]  }
0x9f: {  	v5 =	vld.idx.msk [tilespmem:v5+s24+$0x0], $0xffff;
	_ =	sdelay $0x3  }
0xa0: {  	v7 =	vunpack.i.l.bf16.f32 v6  }
0xa1: {  	v6 =	vunpack.i.u.bf16.f32 v6;
	v7 =	vmul.f32 v7, v5  }
0xa2: {  	s14 =	simm.s32 $0x8FA0;
	v6 =	vmul.f32 v6, v5  }
0xa3: {  	[tilespmem:s14+$0xFFFFFFC0] =	vst v7  }
0xa4: {  	[tilespmem:s14+$0xFFFFFFD0] =	vst v6  }
0xa5: {  	v6 =	vld [tilespmem:s4+$0xFFFFFFF0];
	_ =	sdelay $0x4  }
0xa6: {  	v7 =	vunpack.i.l.bf16.f32 v6  }
0xa7: {  	v6 =	vunpack.i.u.bf16.f32 v6;
	v7 =	vmul.f32 v7, v5  }
0xa8: {  	v6 =	vmul.f32 v6, v5  }
0xa9: {  	[tilespmem:s14+$0xFFFFFFE0] =	vst v7  }
0xaa: {  	[tilespmem:s14+$0xFFFFFFF0] =	vst v6  }
0xab: {  	v6 =	vld [tilespmem:s4+$0x0];
	_ =	sdelay $0x4  }
0xac: {  	v7 =	vunpack.i.l.bf16.f32 v6  }
0xad: {  	v6 =	vunpack.i.u.bf16.f32 v6;
	v7 =	vmul.f32 v7, v5  }
0xae: {  	v6 =	vmul.f32 v6, v5  }
0xaf: {  	[tilespmem:s14+$0x0] =	vst v7  }
0xb0: {  	[tilespmem:s14+$0x10] =	vst v6  }
0xb1: {  	v6 =	vld [tilespmem:s4+$0x10];
	_ =	sdelay $0x3  }
0xb2: {  	s16 =	simm.s32 $0x1;
	s15 =	simm.s32 $0x8FA0  }
.LBB2_7:
0xb3: {  	p0 =	sne.s32 s16, $0x7F;
	v7 =	vunpack.i.u.bf16.f32 v6;
	v6 =	vunpack.i.l.bf16.f32 v6;
	s14 =	sadd.s32 $0x80, s14;
	s4 =	sadd.s32 $0x40, s4  }
0xb4: {  	v8 =	vmov s16;
	s16 =	sadd.s32 $0x1, s16;
	v6 =	vmul.f32 v6, v5;
	v5 =	vmul.f32 v7, v5;
	_ =	sdelay $0x1  }
0xb5: {  	[tilespmem:s15+$0x20] =	vst v6  }
0xb6: {  	[tilespmem:s15+$0x30] =	vst v5;
	s15 =	smov.u32 s14  }
0xb7: {  	v6 =	vld [tilespmem:s4+$0xFFFFFFE0]  }
0xb8: {  	v5 =	vld.idx.msk [tilespmem:v8+s24+$0x0], $0xffff;
	_ =	sdelay $0x4  }
0xb9: {  	v7 =	vunpack.i.u.bf16.f32 v6;
	v6 =	vunpack.i.l.bf16.f32 v6  }
0xba: {  	v6 =	vmul.f32 v6, v5;
	v7 =	vmul.f32 v7, v5;
	_ =	sdelay $0x1  }
0xbb: {  	[tilespmem:s14+$0xFFFFFFC0] =	vst v6  }
0xbc: {  	[tilespmem:s14+$0xFFFFFFD0] =	vst v7  }
0xbd: {  	v6 =	vld [tilespmem:s4+$0xFFFFFFF0];
	_ =	sdelay $0x4  }
0xbe: {  	v7 =	vunpack.i.u.bf16.f32 v6;
	v6 =	vunpack.i.l.bf16.f32 v6  }
0xbf: {  	v6 =	vmul.f32 v6, v5;
	v7 =	vmul.f32 v7, v5;
	_ =	sdelay $0x1  }
0xc0: {  	[tilespmem:s14+$0xFFFFFFE0] =	vst v6  }
0xc1: {  	[tilespmem:s14+$0xFFFFFFF0] =	vst v7  }
0xc2: {  	v6 =	vld [tilespmem:s4+$0x0];
	_ =	sdelay $0x4  }
0xc3: {  	v7 =	vunpack.i.u.bf16.f32 v6;
	v6 =	vunpack.i.l.bf16.f32 v6  }
.Ltmp6:
0xc4: {  	v6 =	vmul.f32 v6, v5;
	v7 =	vmul.f32 v7, v5;
	(pc) =	sbr.rel @p0 .LBB2_7-.Ltmp6, $4  }
0xc5: {  	_ = 	snop  }
0xc6: {  	[tilespmem:s14+$0x0] =	vst v6  }
0xc7: {  	[tilespmem:s14+$0x10] =	vst v7  }
0xc8: {  	v6 =	vld [tilespmem:s4+$0x10]  }
.Ltmp7:
0xc9: {  	_ = 	snop;
	(pc) =	sbr.rel .LBB2_8-.Ltmp7, $1  }
0xca: {  	_ =	sdelay $0x3  }
.LBB2_11:
0xcb: {  	s0 =	simm.s32 $0x0  }
0xcc: {  	[tilespmem:s26], [sflag:$0x1] =	stream.indirect.gather [hbm4b:s1+s25], $0x40, s22, s25, $0xb8;
	v5 =	vmov s0;
	[tilespmem:$0x1D760] =	vst v63  }
0xcd: {  	_ =	swait.ge [sflag:s28], $0x2000  }
0xce: {  	[sflag:s28] =	ssyncset.done $0x0  }
0xcf: {  	s0 =	simm.s32 $0x6F80;
	[sflag:s28] =	ssyncadd.s32 $0xFFFFE000  }
0xd0: {  	v6 =	vld [tilespmem:s0+$0xFFFFFFE0]  }
0xd1: {  	v5 =	vld.idx.msk [tilespmem:v5+s24+$0x0], $0xffff;
	_ =	sdelay $0x3  }
0xd2: {  	v7 =	vunpack.i.l.bf16.f32 v6  }
0xd3: {  	v6 =	vunpack.i.u.bf16.f32 v6;
	v7 =	vmul.f32 v7, v5  }
0xd4: {  	s4 =	simm.s32 $0x8FA0;
	v6 =	vmul.f32 v6, v5  }
0xd5: {  	[tilespmem:s4+$0xFFFFFFC0] =	vst v7  }
0xd6: {  	[tilespmem:s4+$0xFFFFFFD0] =	vst v6  }
0xd7: {  	v6 =	vld [tilespmem:s0+$0xFFFFFFF0];
	_ =	sdelay $0x4  }
0xd8: {  	v7 =	vunpack.i.l.bf16.f32 v6  }
0xd9: {  	v6 =	vunpack.i.u.bf16.f32 v6;
	v7 =	vmul.f32 v7, v5  }
0xda: {  	v6 =	vmul.f32 v6, v5  }
0xdb: {  	[tilespmem:s4+$0xFFFFFFE0] =	vst v7  }
0xdc: {  	[tilespmem:s4+$0xFFFFFFF0] =	vst v6  }
0xdd: {  	v6 =	vld [tilespmem:s0+$0x0];
	_ =	sdelay $0x4  }
0xde: {  	v7 =	vunpack.i.l.bf16.f32 v6  }
0xdf: {  	v6 =	vunpack.i.u.bf16.f32 v6;
	v7 =	vmul.f32 v7, v5  }
0xe0: {  	v6 =	vmul.f32 v6, v5  }
0xe1: {  	[tilespmem:s4+$0x0] =	vst v7  }
0xe2: {  	[tilespmem:s4+$0x10] =	vst v6  }
0xe3: {  	s15 =	simm.s32 $0x1;
	s14 =	simm.s32 $0x8FA0;
	v6 =	vld [tilespmem:s0+$0x10]  }
.LBB2_12:
0xe4: {  	_ =	sdelay $0x3  }
0xe5: {  	p0 =	sne.s32 s15, $0x7F;
	s4 =	sadd.s32 $0x80, s4;
	s0 =	sadd.s32 $0x40, s0;
	v7 =	vunpack.i.u.bf16.f32 v6;
	v6 =	vunpack.i.l.bf16.f32 v6  }
0xe6: {  	v8 =	vmov s15;
	s15 =	sadd.s32 $0x1, s15;
	v6 =	vmul.f32 v6, v5;
	v5 =	vmul.f32 v7, v5;
	_ =	sdelay $0x1  }
0xe7: {  	[tilespmem:s14+$0x20] =	vst v6  }
0xe8: {  	[tilespmem:s14+$0x30] =	vst v5;
	s14 =	smov.u32 s4  }
0xe9: {  	v6 =	vld [tilespmem:s0+$0xFFFFFFE0]  }
0xea: {  	v5 =	vld.idx.msk [tilespmem:v8+s24+$0x0], $0xffff;
	_ =	sdelay $0x4  }
0xeb: {  	v7 =	vunpack.i.u.bf16.f32 v6;
	v6 =	vunpack.i.l.bf16.f32 v6  }
0xec: {  	v6 =	vmul.f32 v6, v5;
	v7 =	vmul.f32 v7, v5;
	_ =	sdelay $0x1  }
0xed: {  	[tilespmem:s4+$0xFFFFFFC0] =	vst v6  }
0xee: {  	[tilespmem:s4+$0xFFFFFFD0] =	vst v7  }
0xef: {  	v6 =	vld [tilespmem:s0+$0xFFFFFFF0];
	_ =	sdelay $0x4  }
0xf0: {  	v7 =	vunpack.i.u.bf16.f32 v6;
	v6 =	vunpack.i.l.bf16.f32 v6  }
0xf1: {  	v6 =	vmul.f32 v6, v5;
	v7 =	vmul.f32 v7, v5;
	_ =	sdelay $0x1  }
0xf2: {  	[tilespmem:s4+$0xFFFFFFE0] =	vst v6  }
0xf3: {  	[tilespmem:s4+$0xFFFFFFF0] =	vst v7  }
0xf4: {  	v6 =	vld [tilespmem:s0+$0x0];
	_ =	sdelay $0x4  }
0xf5: {  	v7 =	vunpack.i.u.bf16.f32 v6;
	v6 =	vunpack.i.l.bf16.f32 v6  }
.Ltmp8:
0xf6: {  	v6 =	vmul.f32 v6, v5;
	v7 =	vmul.f32 v7, v5;
	(pc) =	sbr.rel @p0 .LBB2_12-.Ltmp8, $4  }
0xf7: {  	_ = 	snop  }
0xf8: {  	[tilespmem:s4+$0x0] =	vst v6  }
0xf9: {  	[tilespmem:s4+$0x10] =	vst v7  }
0xfa: {  	v6 =	vld [tilespmem:s0+$0x10]  }
0xfb: {  	_ =	sdelay $0x3  }
0xfc: {  	v7 =	vunpack.i.l.bf16.f32 v6  }
0xfd: {  	v6 =	vunpack.i.u.bf16.f32 v6;
	v7 =	vmul.f32 v7, v5  }
0xfe: {  	v5 =	vmul.f32 v6, v5  }
0xff: {  	[tilespmem:s14+$0x20] =	vst v7  }
0x100: {  	[tilespmem:s14+$0x30] =	vst v5  }
0x101: {  	[spmem:s2] =	stream.indirect.scatter.add.f32 [tilespmem:s18], [sflag:$0x2], $0x80, s23, s25, $0xb8;
	[tilespmem:$0x1D760] =	vst v63  }
0x102: {  	_ =	swait.ge [sflag:s19], $0x4000  }
0x103: {  	[sflag:s19] =	ssyncset.done $0x0  }
0x104: {  	[sflag:s19] =	ssyncadd.s32 $0xFFFFC000  }
0x105: {  	[tilespmem:$0x6EE0] =	vst v3  }
0x106: {  	[tilespmem:$0x6EF0] =	vst v3  }
0x107: {  	[tilespmem:$0x6F00] =	vst v3  }
0x108: {  	[tilespmem:$0x6F10] =	vst v3  }
0x109: {  	[tilespmem:$0x6F20] =	vst v3  }
0x10a: {  	[tilespmem:$0x6F30] =	vst v3  }
0x10b: {  	[tilespmem:$0x6F40] =	vst v3  }
0x10c: {  	s0 =	stileid.u32;
	[tilespmem:$0x6F50] =	vst v3  }
0x10d: {  	s0 =	sshll.u32 s0, $0x6;
	[bflag:$0x0] =	sbarrier.arrive $0xFFFF  }
0x10e: {  	s30 =	sshrl.u32 s9, $0x3;
	s29 =	sor.u32 $0x1C02, s0;
	s31 =	rddreg [dreg:$0x4]  }
0x10f: {  	[hbm:s31], [sflag:s29] =	dma.local [spmem:s30], $0x2100  }
0x110: {  	_ =	swait.ge [sflag:s19], $0x2100  }
0x111: {  	[sflag:s19] =	ssyncset.done $0x0  }
0x112: {  	[sflag:s19] =	ssyncadd.s32 $0xFFFFDF00  }
0x113: {  	s4 =	simm.s32 $0x200;
	s0 =	simm.s32 $0x0;
	[bflag:$0x0] =	sbarrier.arrive $0xFFFF  }
.LBB2_14:
0x114: {  	p0 =	sne.s32 s4, $0xFE00;
	[tilespmem:s0+$0x8FD0] =	vst v3  }
0x115: {  	[tilespmem:s0+$0x8F60] =	vst v3  }
0x116: {  	[tilespmem:s0+$0x8F70] =	vst v3  }
.Ltmp9:
0x117: {  	[tilespmem:s0+$0x8F80] =	vst v3;
	(pc) =	sbr.rel @p0 .LBB2_14-.Ltmp9, $4  }
0x118: {  	[tilespmem:s0+$0x8F90] =	vst v3  }
0x119: {  	[tilespmem:s0+$0x8FA0] =	vst v3  }
0x11a: {  	[tilespmem:s0+$0x8FB0] =	vst v3  }
0x11b: {  	[tilespmem:s0+$0x8FC0] =	vst v3;
	s0 =	sshra.s32 s4, $0x2;
	s4 =	sadd.s32 $0x200, s4  }
0x11c: {  	[tilespmem:s0+$0x8FD0] =	vst v3  }
0x11d: {  	[tilespmem:s0+$0x8F60] =	vst v3  }
0x11e: {  	[tilespmem:s0+$0x8F70] =	vst v3  }
0x11f: {  	[tilespmem:s0+$0x8F80] =	vst v3  }
0x120: {  	[tilespmem:s0+$0x8F90] =	vst v3  }
0x121: {  	[tilespmem:s0+$0x8FA0] =	vst v3  }
0x122: {  	[tilespmem:s0+$0x8FB0] =	vst v3  }
0x123: {  	[tilespmem:s0+$0x8FC0] =	vst v3  }
0x124: {  	[spmem:s9] =	stream.linear.scatter [tilespmem:s18], [sflag:$0x2], $0x4000, $0x38;
	[tilespmem:$0x1D760] =	vst v63  }
0x125: {  	_ =	swait.ge [sflag:s19], $0x4000  }
0x126: {  	[sflag:s19] =	ssyncset.done $0x0  }
0x127: {  	[sflag:s19] =	ssyncadd.s32 $0xFFFFC000  }
0x128: {  	[spmem:s10] =	stream.linear.scatter [tilespmem:s18], [sflag:$0x2], $0x4000, $0x38;
	[tilespmem:$0x1D760] =	vst v63  }
0x129: {  	_ =	swait.ge [sflag:s19], $0x4000  }
0x12a: {  	[sflag:s19] =	ssyncset.done $0x0  }
0x12b: {  	[sflag:s19] =	ssyncadd.s32 $0xFFFFC000  }
0x12c: {  	[spmem:s11] =	stream.linear.scatter [tilespmem:s18], [sflag:$0x2], $0x4000, $0x38;
	[tilespmem:$0x1D760] =	vst v63  }
0x12d: {  	_ =	swait.ge [sflag:s19], $0x4000  }
0x12e: {  	[sflag:s19] =	ssyncset.done $0x0  }
0x12f: {  	[sflag:s19] =	ssyncadd.s32 $0xFFFFC000  }
0x130: {  	[spmem:s12] =	stream.linear.scatter [tilespmem:s18], [sflag:$0x2], $0x4000, $0x38;
	[tilespmem:$0x1D760] =	vst v63  }
0x131: {  	_ =	swait.ge [sflag:s19], $0x4000  }
0x132: {  	[sflag:s19] =	ssyncset.done $0x0  }
0x133: {  	[sflag:s19] =	ssyncadd.s32 $0xFFFFC000  }
0x134: {  	[spmem:s13] =	stream.linear.scatter [tilespmem:s18], [sflag:$0x2], $0x800, $0x38;
	[tilespmem:$0x1D760] =	vst v63  }
.Ltmp10:
0x135: {  	_ =	swait.ge [sflag:s19], $0x800;
	(pc) =	sbr.rel .LBB2_16-.Ltmp10, $4  }
0x136: {  	[sflag:s19] =	ssyncset.done $0x0  }
0x137: {  	[sflag:s19] =	ssyncadd.s32 $0xFFFFF800  }
0x138: {  	[bflag:$0x0] =	sbarrier.arrive $0xFFFF  }
0x139: {  	s31 =	simm.s32 $0x0;
	s14 =	simm.s32 $0x0;
	s0 =	simm.s32 $0x0  }
.LBB2_22:
0x13a: {  	s0 =	sadd.s32 $0x1, s0  }
0x13b: {  	p0 =	sne.s32 s0, $0x4  }
.Ltmp11:
0x13c: {  	_ = 	snop;
	(pc) =	sbr.rel @!p0 .LBB2_23-.Ltmp11, $1  }
0x13d: {  	_ =	sdelay $0x3  }
.LBB2_16:
0x13e: {  	s4 =	smul.u32 $0x24A0, s0;
	_ =	sdelay $0x1  }
0x13f: {  	s4 =	sadd.s32 s8, s4  }
0x140: {  	s4 =	sshrl.u32 s4, $0x3  }
0x141: {  	s15 =	sadd.s32 s5, s4  }
0x142: {  	[tilespmem:s31], [sflag:$0x2] =	stream.linear.gather [hbm4b:s15+s31], $0x24A0, $0x38;
	[tilespmem:$0x1D760] =	vst v63  }
0x143: {  	_ =	swait.ge [sflag:s19], $0x24A0  }
0x144: {  	[sflag:s19] =	ssyncset.done $0x0  }
0x145: {  	s17 =	sadd.s32 s6, s4;
	[sflag:s19] =	ssyncadd.s32 $0xFFFFDB60  }
0x146: {  	[tilespmem:s20], [sflag:$0x2] =	stream.linear.gather [hbm4b:s17+s31], $0x24A0, $0x38;
	[tilespmem:$0x1D760] =	vst v63  }
0x147: {  	_ =	swait.ge [sflag:s19], $0x24A0  }
0x148: {  	[sflag:s19] =	ssyncset.done $0x0  }
.Ltmp12:
0x149: {  	s4 =	sadd.s32 s7, s4;
	[sflag:s19] =	ssyncadd.s32 $0xFFFFDB60;
	(pc) =	sbr.rel .LBB2_17-.Ltmp12, $4  }
0x14a: {  	[tilespmem:s21], [sflag:$0x2] =	stream.linear.gather [hbm4b:s4+s31], $0x24A0, $0x38;
	[tilespmem:$0x1D760] =	vst v63  }
0x14b: {  	_ =	swait.ge [sflag:s19], $0x24A0  }
0x14c: {  	[sflag:s19] =	ssyncset.done $0x0  }
0x14d: {  	s4 =	simm.s32 $0x0;
	[sflag:s19] =	ssyncadd.s32 $0xFFFFDB60  }
.LBB2_20:
0x14e: {  	v7 =	vunpack.i.l.bf16.f32 v6  }
0x14f: {  	v6 =	vunpack.i.u.bf16.f32 v6;
	v7 =	vmul.f32 v7, v5  }
0x150: {  	v5 =	vmul.f32 v6, v5  }
0x151: {  	[tilespmem:s16+$0x20] =	vst v7  }
0x152: {  	[tilespmem:s16+$0x30] =	vst v5  }
0x153: {  	[spmem:s2] =	stream.indirect.scatter.add.f32 [tilespmem:s18], [sflag:$0x2], $0x80, s23, s25, $0xb8;
	[tilespmem:$0x1D760] =	vst v63  }
0x154: {  	_ =	swait.ge [sflag:s19], $0x4000  }
0x155: {  	[sflag:s19] =	ssyncset.done $0x0  }
0x156: {  	[sflag:s19] =	ssyncadd.s32 $0xFFFFC000  }
0x157: {  	[tilespmem:$0x6EE0] =	vst v3  }
0x158: {  	[tilespmem:$0x6EF0] =	vst v3  }
0x159: {  	[tilespmem:$0x6F00] =	vst v3  }
0x15a: {  	[tilespmem:$0x6F10] =	vst v3  }
0x15b: {  	[tilespmem:$0x6F20] =	vst v3  }
0x15c: {  	[tilespmem:$0x6F30] =	vst v3  }
0x15d: {  	[tilespmem:$0x6F40] =	vst v3  }
0x15e: {  	s14 =	simm.s32 $0x0;
	[tilespmem:$0x6F50] =	vst v3  }
.LBB2_21:
0x15f: {  	s4 =	sadd.s32 $0x1, s4  }
0x160: {  	p0 =	sne.s32 s4, $0x125  }
.Ltmp13:
0x161: {  	_ = 	snop;
	(pc) =	sbr.rel @!p0 .LBB2_22-.Ltmp13, $1  }
0x162: {  	_ =	sdelay $0x3  }
.LBB2_17:
0x163: {  	s15 =	sshll.u32 s4, $0x5  }
0x164: {  	v5 =	vld [tilespmem:s15+$0x0];
	_ =	sdelay $0x4  }
0x165: {  	v5 =	vsub.s32 v5, v1  }
0x166: {  	vm0 =	vlt.u32 v5, $0x2100  }
0x167: {  	v6 =	vsel vm0, $0x1, v4  }
0x168: {  	(xrf0) =	vadd.scan.msk.s32 $0xffff, v6;
	_ =	sdelay $0x5  }
0x169: {  	v7, _, _ =	vpop (xrf0)  }
0x16a: {  	v6 =	vsub.s32 v7, v6  }
0x16b: {  	v7 =	vld [tilespmem:s15+$0x24A0];
	v6 =	vadd.s32 s14, v6;
	_ =	sdelay $0x1  }
0x16c: {  	v8 =	vld [tilespmem:s15+$0x4940];
	_ =	sdelay $0x2  }
0x16d: {  	[tilespmem:v6+s22+$0x0] =	vst.idx.msk vm0, v7  }
0x16e: {  	[tilespmem:v6+s23+$0x0] =	vst.idx.msk vm0, v5  }
0x16f: {  	[tilespmem:v6+s24+$0x0] =	vst.idx.msk vm0, v8  }
0x170: {  	v5 =	vld [tilespmem:s15+$0x10];
	_ =	sdelay $0x4  }
0x171: {  	v6 =	vmpcnt.ones.xlane vm0;
	v5 =	vsub.s32 v5, v1  }
0x172: {  	vm15 =	vlt.u32 v5, $0x2100  }
0x173: {  	(v2sf) =	vpush v6, $0x0;
	v6 =	vmpcnt.ones.xlane vm15;
	_ =	sdelay $0x1  }
0x174: {  	(v2sf) =	vpush v6, $0x0;
	_ =	sdelay $0x5  }
0x175: {  	v6 =	vsel vm15, $0x1, v4  }
0x176: {  	(xrf0) =	vadd.scan.msk.s32 $0xffff, v6;
	_ =	sdelay $0x5  }
0x177: {  	s16 =	spop (v2sf);
	v7, _, _ =	vpop (xrf0)  }
0x178: {  	s16 =	sadd.s32 s14, s16;
	v6 =	vsub.s32 v7, v6  }
0x179: {  	v7 =	vld [tilespmem:s15+$0x24B0];
	v6 =	vadd.s32 s16, v6;
	s17 =	spop (v2sf)  }
0x17a: {  	s14 =	sadd.s32 s16, s17  }
0x17b: {  	v8 =	vld [tilespmem:s15+$0x4950];
	p0 =	slt.s32 s14, $0x60  }
.Ltmp14:
0x17c: {  	_ = 	snop;
	(pc) =	sbr.rel @p0 .LBB2_21-.Ltmp14, $4  }
0x17d: {  	_ = 	snop  }
0x17e: {  	[tilespmem:v6+s22+$0x0] =	vst.idx.msk vm15, v7  }
0x17f: {  	[tilespmem:v6+s23+$0x0] =	vst.idx.msk vm15, v5  }
0x180: {  	[tilespmem:v6+s24+$0x0] =	vst.idx.msk vm15, v8  }
0x181: {  	s14 =	simm.s32 $0x0  }
0x182: {  	[tilespmem:s26], [sflag:$0x1] =	stream.indirect.gather [hbm4b:s1+s25], $0x40, s22, s25, $0xb8;
	v5 =	vmov s14;
	[tilespmem:$0x1D760] =	vst v63  }
0x183: {  	_ =	swait.ge [sflag:s28], $0x2000  }
0x184: {  	[sflag:s28] =	ssyncset.done $0x0  }
0x185: {  	s14 =	simm.s32 $0x6F80;
	[sflag:s28] =	ssyncadd.s32 $0xFFFFE000  }
0x186: {  	v6 =	vld [tilespmem:s14+$0xFFFFFFE0]  }
0x187: {  	v5 =	vld.idx.msk [tilespmem:v5+s24+$0x0], $0xffff;
	_ =	sdelay $0x3  }
0x188: {  	v7 =	vunpack.i.l.bf16.f32 v6  }
0x189: {  	v6 =	vunpack.i.u.bf16.f32 v6;
	v7 =	vmul.f32 v7, v5  }
0x18a: {  	s15 =	simm.s32 $0x8FA0;
	v6 =	vmul.f32 v6, v5  }
0x18b: {  	[tilespmem:s15+$0xFFFFFFC0] =	vst v7  }
0x18c: {  	[tilespmem:s15+$0xFFFFFFD0] =	vst v6  }
0x18d: {  	v6 =	vld [tilespmem:s14+$0xFFFFFFF0];
	_ =	sdelay $0x4  }
0x18e: {  	v7 =	vunpack.i.l.bf16.f32 v6  }
0x18f: {  	v6 =	vunpack.i.u.bf16.f32 v6;
	v7 =	vmul.f32 v7, v5  }
0x190: {  	v6 =	vmul.f32 v6, v5  }
0x191: {  	[tilespmem:s15+$0xFFFFFFE0] =	vst v7  }
0x192: {  	[tilespmem:s15+$0xFFFFFFF0] =	vst v6  }
0x193: {  	v6 =	vld [tilespmem:s14+$0x0];
	_ =	sdelay $0x4  }
0x194: {  	v7 =	vunpack.i.l.bf16.f32 v6  }
0x195: {  	v6 =	vunpack.i.u.bf16.f32 v6;
	v7 =	vmul.f32 v7, v5  }
0x196: {  	v6 =	vmul.f32 v6, v5  }
0x197: {  	[tilespmem:s15+$0x0] =	vst v7  }
0x198: {  	[tilespmem:s15+$0x10] =	vst v6  }
0x199: {  	v6 =	vld [tilespmem:s14+$0x10];
	_ =	sdelay $0x3  }
0x19a: {  	s17 =	simm.s32 $0x1;
	s16 =	simm.s32 $0x8FA0  }
.LBB2_19:
0x19b: {  	p0 =	sne.s32 s17, $0x7F;
	v7 =	vunpack.i.u.bf16.f32 v6;
	v6 =	vunpack.i.l.bf16.f32 v6;
	s15 =	sadd.s32 $0x80, s15;
	s14 =	sadd.s32 $0x40, s14  }
0x19c: {  	v8 =	vmov s17;
	s17 =	sadd.s32 $0x1, s17;
	v6 =	vmul.f32 v6, v5;
	v5 =	vmul.f32 v7, v5;
	_ =	sdelay $0x1  }
0x19d: {  	[tilespmem:s16+$0x20] =	vst v6  }
0x19e: {  	[tilespmem:s16+$0x30] =	vst v5;
	s16 =	smov.u32 s15  }
0x19f: {  	v6 =	vld [tilespmem:s14+$0xFFFFFFE0]  }
0x1a0: {  	v5 =	vld.idx.msk [tilespmem:v8+s24+$0x0], $0xffff;
	_ =	sdelay $0x4  }
0x1a1: {  	v7 =	vunpack.i.u.bf16.f32 v6;
	v6 =	vunpack.i.l.bf16.f32 v6  }
0x1a2: {  	v6 =	vmul.f32 v6, v5;
	v7 =	vmul.f32 v7, v5;
	_ =	sdelay $0x1  }
0x1a3: {  	[tilespmem:s15+$0xFFFFFFC0] =	vst v6  }
0x1a4: {  	[tilespmem:s15+$0xFFFFFFD0] =	vst v7  }
0x1a5: {  	v6 =	vld [tilespmem:s14+$0xFFFFFFF0];
	_ =	sdelay $0x4  }
0x1a6: {  	v7 =	vunpack.i.u.bf16.f32 v6;
	v6 =	vunpack.i.l.bf16.f32 v6  }
0x1a7: {  	v6 =	vmul.f32 v6, v5;
	v7 =	vmul.f32 v7, v5;
	_ =	sdelay $0x1  }
0x1a8: {  	[tilespmem:s15+$0xFFFFFFE0] =	vst v6  }
0x1a9: {  	[tilespmem:s15+$0xFFFFFFF0] =	vst v7  }
0x1aa: {  	v6 =	vld [tilespmem:s14+$0x0];
	_ =	sdelay $0x4  }
0x1ab: {  	v7 =	vunpack.i.u.bf16.f32 v6;
	v6 =	vunpack.i.l.bf16.f32 v6  }
.Ltmp15:
0x1ac: {  	v6 =	vmul.f32 v6, v5;
	v7 =	vmul.f32 v7, v5;
	(pc) =	sbr.rel @p0 .LBB2_19-.Ltmp15, $4  }
0x1ad: {  	_ = 	snop  }
0x1ae: {  	[tilespmem:s15+$0x0] =	vst v6  }
0x1af: {  	[tilespmem:s15+$0x10] =	vst v7  }
0x1b0: {  	v6 =	vld [tilespmem:s14+$0x10]  }
.Ltmp16:
0x1b1: {  	_ = 	snop;
	(pc) =	sbr.rel .LBB2_20-.Ltmp16, $1  }
0x1b2: {  	_ =	sdelay $0x3  }
.LBB2_23:
0x1b3: {  	s0 =	simm.s32 $0x0  }
0x1b4: {  	[tilespmem:s26], [sflag:$0x1] =	stream.indirect.gather [hbm4b:s1+s25], $0x40, s22, s25, $0xb8;
	v5 =	vmov s0;
	[tilespmem:$0x1D760] =	vst v63  }
0x1b5: {  	_ =	swait.ge [sflag:s28], $0x2000  }
0x1b6: {  	[sflag:s28] =	ssyncset.done $0x0  }
0x1b7: {  	s0 =	simm.s32 $0x6F80;
	[sflag:s28] =	ssyncadd.s32 $0xFFFFE000  }
0x1b8: {  	v6 =	vld [tilespmem:s0+$0xFFFFFFE0]  }
0x1b9: {  	v5 =	vld.idx.msk [tilespmem:v5+s24+$0x0], $0xffff;
	_ =	sdelay $0x3  }
0x1ba: {  	v7 =	vunpack.i.l.bf16.f32 v6  }
0x1bb: {  	v6 =	vunpack.i.u.bf16.f32 v6;
	v7 =	vmul.f32 v7, v5  }
0x1bc: {  	s4 =	simm.s32 $0x8FA0;
	v6 =	vmul.f32 v6, v5  }
0x1bd: {  	[tilespmem:s4+$0xFFFFFFC0] =	vst v7  }
0x1be: {  	[tilespmem:s4+$0xFFFFFFD0] =	vst v6  }
0x1bf: {  	v6 =	vld [tilespmem:s0+$0xFFFFFFF0];
	_ =	sdelay $0x4  }
0x1c0: {  	v7 =	vunpack.i.l.bf16.f32 v6  }
0x1c1: {  	v6 =	vunpack.i.u.bf16.f32 v6;
	v7 =	vmul.f32 v7, v5  }
0x1c2: {  	v6 =	vmul.f32 v6, v5  }
0x1c3: {  	[tilespmem:s4+$0xFFFFFFE0] =	vst v7  }
0x1c4: {  	[tilespmem:s4+$0xFFFFFFF0] =	vst v6  }
0x1c5: {  	v6 =	vld [tilespmem:s0+$0x0];
	_ =	sdelay $0x4  }
0x1c6: {  	v7 =	vunpack.i.l.bf16.f32 v6  }
0x1c7: {  	v6 =	vunpack.i.u.bf16.f32 v6;
	v7 =	vmul.f32 v7, v5  }
0x1c8: {  	v6 =	vmul.f32 v6, v5  }
0x1c9: {  	[tilespmem:s4+$0x0] =	vst v7  }
0x1ca: {  	[tilespmem:s4+$0x10] =	vst v6  }
0x1cb: {  	s15 =	simm.s32 $0x1;
	s14 =	simm.s32 $0x8FA0;
	v6 =	vld [tilespmem:s0+$0x10]  }
.LBB2_24:
0x1cc: {  	_ =	sdelay $0x3  }
0x1cd: {  	p0 =	sne.s32 s15, $0x7F;
	s4 =	sadd.s32 $0x80, s4;
	s0 =	sadd.s32 $0x40, s0;
	v7 =	vunpack.i.u.bf16.f32 v6;
	v6 =	vunpack.i.l.bf16.f32 v6  }
0x1ce: {  	v8 =	vmov s15;
	s15 =	sadd.s32 $0x1, s15;
	v6 =	vmul.f32 v6, v5;
	v5 =	vmul.f32 v7, v5;
	_ =	sdelay $0x1  }
0x1cf: {  	[tilespmem:s14+$0x20] =	vst v6  }
0x1d0: {  	[tilespmem:s14+$0x30] =	vst v5;
	s14 =	smov.u32 s4  }
0x1d1: {  	v6 =	vld [tilespmem:s0+$0xFFFFFFE0]  }
0x1d2: {  	v5 =	vld.idx.msk [tilespmem:v8+s24+$0x0], $0xffff;
	_ =	sdelay $0x4  }
0x1d3: {  	v7 =	vunpack.i.u.bf16.f32 v6;
	v6 =	vunpack.i.l.bf16.f32 v6  }
0x1d4: {  	v6 =	vmul.f32 v6, v5;
	v7 =	vmul.f32 v7, v5;
	_ =	sdelay $0x1  }
0x1d5: {  	[tilespmem:s4+$0xFFFFFFC0] =	vst v6  }
0x1d6: {  	[tilespmem:s4+$0xFFFFFFD0] =	vst v7  }
0x1d7: {  	v6 =	vld [tilespmem:s0+$0xFFFFFFF0];
	_ =	sdelay $0x4  }
0x1d8: {  	v7 =	vunpack.i.u.bf16.f32 v6;
	v6 =	vunpack.i.l.bf16.f32 v6  }
0x1d9: {  	v6 =	vmul.f32 v6, v5;
	v7 =	vmul.f32 v7, v5;
	_ =	sdelay $0x1  }
0x1da: {  	[tilespmem:s4+$0xFFFFFFE0] =	vst v6  }
0x1db: {  	[tilespmem:s4+$0xFFFFFFF0] =	vst v7  }
0x1dc: {  	v6 =	vld [tilespmem:s0+$0x0];
	_ =	sdelay $0x4  }
0x1dd: {  	v7 =	vunpack.i.u.bf16.f32 v6;
	v6 =	vunpack.i.l.bf16.f32 v6  }
.Ltmp17:
0x1de: {  	v6 =	vmul.f32 v6, v5;
	v7 =	vmul.f32 v7, v5;
	(pc) =	sbr.rel @p0 .LBB2_24-.Ltmp17, $4  }
0x1df: {  	_ = 	snop  }
0x1e0: {  	[tilespmem:s4+$0x0] =	vst v6  }
0x1e1: {  	[tilespmem:s4+$0x10] =	vst v7  }
0x1e2: {  	v6 =	vld [tilespmem:s0+$0x10]  }
0x1e3: {  	_ =	sdelay $0x3  }
0x1e4: {  	v7 =	vunpack.i.l.bf16.f32 v6  }
0x1e5: {  	v6 =	vunpack.i.u.bf16.f32 v6;
	v7 =	vmul.f32 v7, v5  }
0x1e6: {  	v5 =	vmul.f32 v6, v5  }
0x1e7: {  	[tilespmem:s14+$0x20] =	vst v7  }
0x1e8: {  	[tilespmem:s14+$0x30] =	vst v5  }
0x1e9: {  	[spmem:s2] =	stream.indirect.scatter.add.f32 [tilespmem:s18], [sflag:$0x2], $0x80, s23, s25, $0xb8;
	[tilespmem:$0x1D760] =	vst v63  }
0x1ea: {  	_ =	swait.ge [sflag:s19], $0x4000  }
0x1eb: {  	[sflag:s19] =	ssyncset.done $0x0  }
0x1ec: {  	[sflag:s19] =	ssyncadd.s32 $0xFFFFC000  }
0x1ed: {  	[tilespmem:$0x6EE0] =	vst v3  }
0x1ee: {  	[tilespmem:$0x6EF0] =	vst v3  }
0x1ef: {  	[tilespmem:$0x6F00] =	vst v3  }
0x1f0: {  	[tilespmem:$0x6F10] =	vst v3  }
0x1f1: {  	[tilespmem:$0x6F20] =	vst v3  }
0x1f2: {  	[tilespmem:$0x6F30] =	vst v3  }
0x1f3: {  	[tilespmem:$0x6F40] =	vst v3  }
0x1f4: {  	[tilespmem:$0x6F50] =	vst v3  }
0x1f5: {  	[bflag:$0x0] =	sbarrier.arrive $0xFFFF  }
0x1f6: {  	s0 =	rddreg [dreg:$0x5]  }
0x1f7: {  	[hbm:s0], [sflag:s29] =	dma.local [spmem:s30], $0x2100  }
0x1f8: {  	_ =	swait.ge [sflag:s19], $0x2100  }
0x1f9: {  	[sflag:s19] =	ssyncset.done $0x0  }
0x1fa: {  	[sflag:s19] =	ssyncadd.s32 $0xFFFFDF00  }
0x1fb: {  	s4 =	simm.s32 $0x200;
	s0 =	simm.s32 $0x0;
	[bflag:$0x0] =	sbarrier.arrive $0xFFFF  }
.LBB2_26:
0x1fc: {  	p0 =	sne.s32 s4, $0xFE00;
	[tilespmem:s0+$0x8FD0] =	vst v3  }
0x1fd: {  	[tilespmem:s0+$0x8F60] =	vst v3  }
0x1fe: {  	[tilespmem:s0+$0x8F70] =	vst v3  }
.Ltmp18:
0x1ff: {  	[tilespmem:s0+$0x8F80] =	vst v3;
	(pc) =	sbr.rel @p0 .LBB2_26-.Ltmp18, $4  }
0x200: {  	[tilespmem:s0+$0x8F90] =	vst v3  }
0x201: {  	[tilespmem:s0+$0x8FA0] =	vst v3  }
0x202: {  	[tilespmem:s0+$0x8FB0] =	vst v3  }
0x203: {  	[tilespmem:s0+$0x8FC0] =	vst v3;
	s0 =	sshra.s32 s4, $0x2;
	s4 =	sadd.s32 $0x200, s4  }
0x204: {  	[tilespmem:s0+$0x8FD0] =	vst v3  }
0x205: {  	[tilespmem:s0+$0x8F60] =	vst v3  }
0x206: {  	[tilespmem:s0+$0x8F70] =	vst v3  }
0x207: {  	[tilespmem:s0+$0x8F80] =	vst v3  }
0x208: {  	[tilespmem:s0+$0x8F90] =	vst v3  }
0x209: {  	[tilespmem:s0+$0x8FA0] =	vst v3  }
0x20a: {  	[tilespmem:s0+$0x8FB0] =	vst v3  }
0x20b: {  	[tilespmem:s0+$0x8FC0] =	vst v3  }
0x20c: {  	[spmem:s9] =	stream.linear.scatter [tilespmem:s18], [sflag:$0x2], $0x4000, $0x38;
	[tilespmem:$0x1D760] =	vst v63  }
0x20d: {  	_ =	swait.ge [sflag:s19], $0x4000  }
0x20e: {  	[sflag:s19] =	ssyncset.done $0x0  }
0x20f: {  	[sflag:s19] =	ssyncadd.s32 $0xFFFFC000  }
0x210: {  	[spmem:s10] =	stream.linear.scatter [tilespmem:s18], [sflag:$0x2], $0x4000, $0x38;
	[tilespmem:$0x1D760] =	vst v63  }
0x211: {  	_ =	swait.ge [sflag:s19], $0x4000  }
0x212: {  	[sflag:s19] =	ssyncset.done $0x0  }
0x213: {  	[sflag:s19] =	ssyncadd.s32 $0xFFFFC000  }
0x214: {  	[spmem:s11] =	stream.linear.scatter [tilespmem:s18], [sflag:$0x2], $0x4000, $0x38;
	[tilespmem:$0x1D760] =	vst v63  }
0x215: {  	_ =	swait.ge [sflag:s19], $0x4000  }
0x216: {  	[sflag:s19] =	ssyncset.done $0x0  }
0x217: {  	[sflag:s19] =	ssyncadd.s32 $0xFFFFC000  }
0x218: {  	[spmem:s12] =	stream.linear.scatter [tilespmem:s18], [sflag:$0x2], $0x4000, $0x38;
	[tilespmem:$0x1D760] =	vst v63  }
0x219: {  	_ =	swait.ge [sflag:s19], $0x4000  }
0x21a: {  	[sflag:s19] =	ssyncset.done $0x0  }
0x21b: {  	[sflag:s19] =	ssyncadd.s32 $0xFFFFC000  }
0x21c: {  	[spmem:s13] =	stream.linear.scatter [tilespmem:s18], [sflag:$0x2], $0x800, $0x38;
	[tilespmem:$0x1D760] =	vst v63  }
.Ltmp19:
0x21d: {  	_ =	swait.ge [sflag:s19], $0x800;
	(pc) =	sbr.rel .LBB2_28-.Ltmp19, $4  }
0x21e: {  	[sflag:s19] =	ssyncset.done $0x0  }
0x21f: {  	[sflag:s19] =	ssyncadd.s32 $0xFFFFF800  }
0x220: {  	[bflag:$0x0] =	sbarrier.arrive $0xFFFF  }
0x221: {  	s31 =	simm.s32 $0x0;
	s14 =	simm.s32 $0x0;
	s0 =	simm.s32 $0x0  }
.LBB2_34:
0x222: {  	s0 =	sadd.s32 $0x1, s0  }
0x223: {  	p0 =	sne.s32 s0, $0x4  }
.Ltmp20:
0x224: {  	_ = 	snop;
	(pc) =	sbr.rel @!p0 .LBB2_35-.Ltmp20, $1  }
0x225: {  	_ =	sdelay $0x3  }
.LBB2_28:
0x226: {  	s4 =	smul.u32 $0x24A0, s0;
	_ =	sdelay $0x1  }
0x227: {  	s4 =	sadd.s32 s8, s4  }
0x228: {  	s4 =	sshrl.u32 s4, $0x3  }
0x229: {  	s15 =	sadd.s32 s5, s4  }
0x22a: {  	[tilespmem:s31], [sflag:$0x2] =	stream.linear.gather [hbm4b:s15+s31], $0x24A0, $0x38;
	[tilespmem:$0x1D760] =	vst v63  }
0x22b: {  	_ =	swait.ge [sflag:s19], $0x24A0  }
0x22c: {  	[sflag:s19] =	ssyncset.done $0x0  }
0x22d: {  	s17 =	sadd.s32 s6, s4;
	[sflag:s19] =	ssyncadd.s32 $0xFFFFDB60  }
0x22e: {  	[tilespmem:s20], [sflag:$0x2] =	stream.linear.gather [hbm4b:s17+s31], $0x24A0, $0x38;
	[tilespmem:$0x1D760] =	vst v63  }
0x22f: {  	_ =	swait.ge [sflag:s19], $0x24A0  }
0x230: {  	[sflag:s19] =	ssyncset.done $0x0  }
.Ltmp21:
0x231: {  	s4 =	sadd.s32 s7, s4;
	[sflag:s19] =	ssyncadd.s32 $0xFFFFDB60;
	(pc) =	sbr.rel .LBB2_29-.Ltmp21, $4  }
0x232: {  	[tilespmem:s21], [sflag:$0x2] =	stream.linear.gather [hbm4b:s4+s31], $0x24A0, $0x38;
	[tilespmem:$0x1D760] =	vst v63  }
0x233: {  	_ =	swait.ge [sflag:s19], $0x24A0  }
0x234: {  	[sflag:s19] =	ssyncset.done $0x0  }
0x235: {  	s4 =	simm.s32 $0x0;
	[sflag:s19] =	ssyncadd.s32 $0xFFFFDB60  }
.LBB2_32:
0x236: {  	v7 =	vunpack.i.l.bf16.f32 v6  }
0x237: {  	v6 =	vunpack.i.u.bf16.f32 v6;
	v7 =	vmul.f32 v7, v5  }
0x238: {  	v5 =	vmul.f32 v6, v5  }
0x239: {  	[tilespmem:s16+$0x20] =	vst v7  }
0x23a: {  	[tilespmem:s16+$0x30] =	vst v5  }
0x23b: {  	[spmem:s2] =	stream.indirect.scatter.add.f32 [tilespmem:s18], [sflag:$0x2], $0x80, s23, s25, $0xb8;
	[tilespmem:$0x1D760] =	vst v63  }
0x23c: {  	_ =	swait.ge [sflag:s19], $0x4000  }
0x23d: {  	[sflag:s19] =	ssyncset.done $0x0  }
0x23e: {  	[sflag:s19] =	ssyncadd.s32 $0xFFFFC000  }
0x23f: {  	[tilespmem:$0x6EE0] =	vst v3  }
0x240: {  	[tilespmem:$0x6EF0] =	vst v3  }
0x241: {  	[tilespmem:$0x6F00] =	vst v3  }
0x242: {  	[tilespmem:$0x6F10] =	vst v3  }
0x243: {  	[tilespmem:$0x6F20] =	vst v3  }
0x244: {  	[tilespmem:$0x6F30] =	vst v3  }
0x245: {  	[tilespmem:$0x6F40] =	vst v3  }
0x246: {  	s14 =	simm.s32 $0x0;
	[tilespmem:$0x6F50] =	vst v3  }
.LBB2_33:
0x247: {  	s4 =	sadd.s32 $0x1, s4  }
0x248: {  	p0 =	sne.s32 s4, $0x125  }
.Ltmp22:
0x249: {  	_ = 	snop;
	(pc) =	sbr.rel @!p0 .LBB2_34-.Ltmp22, $1  }
0x24a: {  	_ =	sdelay $0x3  }
.LBB2_29:
0x24b: {  	s15 =	sshll.u32 s4, $0x5  }
0x24c: {  	v5 =	vld [tilespmem:s15+$0x0];
	_ =	sdelay $0x4  }
0x24d: {  	v5 =	vsub.s32 v5, v2  }
0x24e: {  	vm0 =	vlt.u32 v5, $0x2100  }
0x24f: {  	v6 =	vsel vm0, $0x1, v4  }
0x250: {  	(xrf0) =	vadd.scan.msk.s32 $0xffff, v6;
	_ =	sdelay $0x5  }
0x251: {  	v7, _, _ =	vpop (xrf0)  }
0x252: {  	v6 =	vsub.s32 v7, v6  }
0x253: {  	v7 =	vld [tilespmem:s15+$0x24A0];
	v6 =	vadd.s32 s14, v6;
	_ =	sdelay $0x1  }
0x254: {  	v8 =	vld [tilespmem:s15+$0x4940];
	_ =	sdelay $0x2  }
0x255: {  	[tilespmem:v6+s22+$0x0] =	vst.idx.msk vm0, v7  }
0x256: {  	[tilespmem:v6+s23+$0x0] =	vst.idx.msk vm0, v5  }
0x257: {  	[tilespmem:v6+s24+$0x0] =	vst.idx.msk vm0, v8  }
0x258: {  	v5 =	vld [tilespmem:s15+$0x10];
	_ =	sdelay $0x4  }
0x259: {  	v6 =	vmpcnt.ones.xlane vm0;
	v5 =	vsub.s32 v5, v2  }
0x25a: {  	vm15 =	vlt.u32 v5, $0x2100  }
0x25b: {  	(v2sf) =	vpush v6, $0x0;
	v6 =	vmpcnt.ones.xlane vm15;
	_ =	sdelay $0x1  }
0x25c: {  	(v2sf) =	vpush v6, $0x0;
	_ =	sdelay $0x5  }
0x25d: {  	v6 =	vsel vm15, $0x1, v4  }
0x25e: {  	(xrf0) =	vadd.scan.msk.s32 $0xffff, v6;
	_ =	sdelay $0x5  }
0x25f: {  	s16 =	spop (v2sf);
	v7, _, _ =	vpop (xrf0)  }
0x260: {  	s16 =	sadd.s32 s14, s16;
	v6 =	vsub.s32 v7, v6  }
0x261: {  	v7 =	vld [tilespmem:s15+$0x24B0];
	v6 =	vadd.s32 s16, v6;
	s17 =	spop (v2sf)  }
0x262: {  	s14 =	sadd.s32 s16, s17  }
0x263: {  	v8 =	vld [tilespmem:s15+$0x4950];
	p0 =	slt.s32 s14, $0x60  }
.Ltmp23:
0x264: {  	_ = 	snop;
	(pc) =	sbr.rel @p0 .LBB2_33-.Ltmp23, $4  }
0x265: {  	_ = 	snop  }
0x266: {  	[tilespmem:v6+s22+$0x0] =	vst.idx.msk vm15, v7  }
0x267: {  	[tilespmem:v6+s23+$0x0] =	vst.idx.msk vm15, v5  }
0x268: {  	[tilespmem:v6+s24+$0x0] =	vst.idx.msk vm15, v8  }
0x269: {  	s14 =	simm.s32 $0x0  }
0x26a: {  	[tilespmem:s26], [sflag:$0x1] =	stream.indirect.gather [hbm4b:s1+s25], $0x40, s22, s25, $0xb8;
	v5 =	vmov s14;
	[tilespmem:$0x1D760] =	vst v63  }
0x26b: {  	_ =	swait.ge [sflag:s28], $0x2000  }
0x26c: {  	[sflag:s28] =	ssyncset.done $0x0  }
0x26d: {  	s14 =	simm.s32 $0x6F80;
	[sflag:s28] =	ssyncadd.s32 $0xFFFFE000  }
0x26e: {  	v6 =	vld [tilespmem:s14+$0xFFFFFFE0]  }
0x26f: {  	v5 =	vld.idx.msk [tilespmem:v5+s24+$0x0], $0xffff;
	_ =	sdelay $0x3  }
0x270: {  	v7 =	vunpack.i.l.bf16.f32 v6  }
0x271: {  	v6 =	vunpack.i.u.bf16.f32 v6;
	v7 =	vmul.f32 v7, v5  }
0x272: {  	s15 =	simm.s32 $0x8FA0;
	v6 =	vmul.f32 v6, v5  }
0x273: {  	[tilespmem:s15+$0xFFFFFFC0] =	vst v7  }
0x274: {  	[tilespmem:s15+$0xFFFFFFD0] =	vst v6  }
0x275: {  	v6 =	vld [tilespmem:s14+$0xFFFFFFF0];
	_ =	sdelay $0x4  }
0x276: {  	v7 =	vunpack.i.l.bf16.f32 v6  }
0x277: {  	v6 =	vunpack.i.u.bf16.f32 v6;
	v7 =	vmul.f32 v7, v5  }
0x278: {  	v6 =	vmul.f32 v6, v5  }
0x279: {  	[tilespmem:s15+$0xFFFFFFE0] =	vst v7  }
0x27a: {  	[tilespmem:s15+$0xFFFFFFF0] =	vst v6  }
0x27b: {  	v6 =	vld [tilespmem:s14+$0x0];
	_ =	sdelay $0x4  }
0x27c: {  	v7 =	vunpack.i.l.bf16.f32 v6  }
0x27d: {  	v6 =	vunpack.i.u.bf16.f32 v6;
	v7 =	vmul.f32 v7, v5  }
0x27e: {  	v6 =	vmul.f32 v6, v5  }
0x27f: {  	[tilespmem:s15+$0x0] =	vst v7  }
0x280: {  	[tilespmem:s15+$0x10] =	vst v6  }
0x281: {  	v6 =	vld [tilespmem:s14+$0x10];
	_ =	sdelay $0x3  }
0x282: {  	s17 =	simm.s32 $0x1;
	s16 =	simm.s32 $0x8FA0  }
.LBB2_31:
0x283: {  	p0 =	sne.s32 s17, $0x7F;
	v7 =	vunpack.i.u.bf16.f32 v6;
	v6 =	vunpack.i.l.bf16.f32 v6;
	s15 =	sadd.s32 $0x80, s15;
	s14 =	sadd.s32 $0x40, s14  }
0x284: {  	v8 =	vmov s17;
	s17 =	sadd.s32 $0x1, s17;
	v6 =	vmul.f32 v6, v5;
	v5 =	vmul.f32 v7, v5;
	_ =	sdelay $0x1  }
0x285: {  	[tilespmem:s16+$0x20] =	vst v6  }
0x286: {  	[tilespmem:s16+$0x30] =	vst v5;
	s16 =	smov.u32 s15  }
0x287: {  	v6 =	vld [tilespmem:s14+$0xFFFFFFE0]  }
0x288: {  	v5 =	vld.idx.msk [tilespmem:v8+s24+$0x0], $0xffff;
	_ =	sdelay $0x4  }
0x289: {  	v7 =	vunpack.i.u.bf16.f32 v6;
	v6 =	vunpack.i.l.bf16.f32 v6  }
0x28a: {  	v6 =	vmul.f32 v6, v5;
	v7 =	vmul.f32 v7, v5;
	_ =	sdelay $0x1  }
0x28b: {  	[tilespmem:s15+$0xFFFFFFC0] =	vst v6  }
0x28c: {  	[tilespmem:s15+$0xFFFFFFD0] =	vst v7  }
0x28d: {  	v6 =	vld [tilespmem:s14+$0xFFFFFFF0];
	_ =	sdelay $0x4  }
0x28e: {  	v7 =	vunpack.i.u.bf16.f32 v6;
	v6 =	vunpack.i.l.bf16.f32 v6  }
0x28f: {  	v6 =	vmul.f32 v6, v5;
	v7 =	vmul.f32 v7, v5;
	_ =	sdelay $0x1  }
0x290: {  	[tilespmem:s15+$0xFFFFFFE0] =	vst v6  }
0x291: {  	[tilespmem:s15+$0xFFFFFFF0] =	vst v7  }
0x292: {  	v6 =	vld [tilespmem:s14+$0x0];
	_ =	sdelay $0x4  }
0x293: {  	v7 =	vunpack.i.u.bf16.f32 v6;
	v6 =	vunpack.i.l.bf16.f32 v6  }
.Ltmp24:
0x294: {  	v6 =	vmul.f32 v6, v5;
	v7 =	vmul.f32 v7, v5;
	(pc) =	sbr.rel @p0 .LBB2_31-.Ltmp24, $4  }
0x295: {  	_ = 	snop  }
0x296: {  	[tilespmem:s15+$0x0] =	vst v6  }
0x297: {  	[tilespmem:s15+$0x10] =	vst v7  }
0x298: {  	v6 =	vld [tilespmem:s14+$0x10]  }
.Ltmp25:
0x299: {  	_ = 	snop;
	(pc) =	sbr.rel .LBB2_32-.Ltmp25, $1  }
0x29a: {  	_ =	sdelay $0x3  }
.LBB2_35:
0x29b: {  	s0 =	simm.s32 $0x0  }
0x29c: {  	[tilespmem:s26], [sflag:$0x1] =	stream.indirect.gather [hbm4b:s1+s25], $0x40, s22, s25, $0xb8;
	v5 =	vmov s0;
	[tilespmem:$0x1D760] =	vst v63  }
0x29d: {  	_ =	swait.ge [sflag:s28], $0x2000  }
0x29e: {  	[sflag:s28] =	ssyncset.done $0x0  }
0x29f: {  	s0 =	simm.s32 $0x6F80;
	[sflag:s28] =	ssyncadd.s32 $0xFFFFE000  }
0x2a0: {  	v6 =	vld [tilespmem:s0+$0xFFFFFFE0]  }
0x2a1: {  	v5 =	vld.idx.msk [tilespmem:v5+s24+$0x0], $0xffff;
	_ =	sdelay $0x3  }
0x2a2: {  	v7 =	vunpack.i.l.bf16.f32 v6  }
0x2a3: {  	v6 =	vunpack.i.u.bf16.f32 v6;
	v7 =	vmul.f32 v7, v5  }
0x2a4: {  	s4 =	simm.s32 $0x8FA0;
	v6 =	vmul.f32 v6, v5  }
0x2a5: {  	[tilespmem:s4+$0xFFFFFFC0] =	vst v7  }
0x2a6: {  	[tilespmem:s4+$0xFFFFFFD0] =	vst v6  }
0x2a7: {  	v6 =	vld [tilespmem:s0+$0xFFFFFFF0];
	_ =	sdelay $0x4  }
0x2a8: {  	v7 =	vunpack.i.l.bf16.f32 v6  }
0x2a9: {  	v6 =	vunpack.i.u.bf16.f32 v6;
	v7 =	vmul.f32 v7, v5  }
0x2aa: {  	v6 =	vmul.f32 v6, v5  }
0x2ab: {  	[tilespmem:s4+$0xFFFFFFE0] =	vst v7  }
0x2ac: {  	[tilespmem:s4+$0xFFFFFFF0] =	vst v6  }
0x2ad: {  	v6 =	vld [tilespmem:s0+$0x0];
	_ =	sdelay $0x4  }
0x2ae: {  	v7 =	vunpack.i.l.bf16.f32 v6  }
0x2af: {  	v6 =	vunpack.i.u.bf16.f32 v6;
	v7 =	vmul.f32 v7, v5  }
0x2b0: {  	v6 =	vmul.f32 v6, v5  }
0x2b1: {  	[tilespmem:s4+$0x0] =	vst v7  }
0x2b2: {  	[tilespmem:s4+$0x10] =	vst v6  }
0x2b3: {  	s15 =	simm.s32 $0x1;
	s14 =	simm.s32 $0x8FA0;
	v6 =	vld [tilespmem:s0+$0x10]  }
.LBB2_36:
0x2b4: {  	_ =	sdelay $0x3  }
0x2b5: {  	p0 =	sne.s32 s15, $0x7F;
	s4 =	sadd.s32 $0x80, s4;
	s0 =	sadd.s32 $0x40, s0;
	v7 =	vunpack.i.u.bf16.f32 v6;
	v6 =	vunpack.i.l.bf16.f32 v6  }
0x2b6: {  	v8 =	vmov s15;
	s15 =	sadd.s32 $0x1, s15;
	v6 =	vmul.f32 v6, v5;
	v5 =	vmul.f32 v7, v5;
	_ =	sdelay $0x1  }
0x2b7: {  	[tilespmem:s14+$0x20] =	vst v6  }
0x2b8: {  	[tilespmem:s14+$0x30] =	vst v5;
	s14 =	smov.u32 s4  }
0x2b9: {  	v6 =	vld [tilespmem:s0+$0xFFFFFFE0]  }
0x2ba: {  	v5 =	vld.idx.msk [tilespmem:v8+s24+$0x0], $0xffff;
	_ =	sdelay $0x4  }
0x2bb: {  	v7 =	vunpack.i.u.bf16.f32 v6;
	v6 =	vunpack.i.l.bf16.f32 v6  }
0x2bc: {  	v6 =	vmul.f32 v6, v5;
	v7 =	vmul.f32 v7, v5;
	_ =	sdelay $0x1  }
0x2bd: {  	[tilespmem:s4+$0xFFFFFFC0] =	vst v6  }
0x2be: {  	[tilespmem:s4+$0xFFFFFFD0] =	vst v7  }
0x2bf: {  	v6 =	vld [tilespmem:s0+$0xFFFFFFF0];
	_ =	sdelay $0x4  }
0x2c0: {  	v7 =	vunpack.i.u.bf16.f32 v6;
	v6 =	vunpack.i.l.bf16.f32 v6  }
0x2c1: {  	v6 =	vmul.f32 v6, v5;
	v7 =	vmul.f32 v7, v5;
	_ =	sdelay $0x1  }
0x2c2: {  	[tilespmem:s4+$0xFFFFFFE0] =	vst v6  }
0x2c3: {  	[tilespmem:s4+$0xFFFFFFF0] =	vst v7  }
0x2c4: {  	v6 =	vld [tilespmem:s0+$0x0];
	_ =	sdelay $0x4  }
0x2c5: {  	v7 =	vunpack.i.u.bf16.f32 v6;
	v6 =	vunpack.i.l.bf16.f32 v6  }
.Ltmp26:
0x2c6: {  	v6 =	vmul.f32 v6, v5;
	v7 =	vmul.f32 v7, v5;
	(pc) =	sbr.rel @p0 .LBB2_36-.Ltmp26, $4  }
0x2c7: {  	_ = 	snop  }
0x2c8: {  	[tilespmem:s4+$0x0] =	vst v6  }
0x2c9: {  	[tilespmem:s4+$0x10] =	vst v7  }
0x2ca: {  	v6 =	vld [tilespmem:s0+$0x10]  }
0x2cb: {  	_ =	sdelay $0x3  }
0x2cc: {  	v7 =	vunpack.i.l.bf16.f32 v6  }
0x2cd: {  	v6 =	vunpack.i.u.bf16.f32 v6;
	v7 =	vmul.f32 v7, v5  }
0x2ce: {  	v5 =	vmul.f32 v6, v5  }
0x2cf: {  	[tilespmem:s14+$0x20] =	vst v7  }
0x2d0: {  	[tilespmem:s14+$0x30] =	vst v5  }
0x2d1: {  	[spmem:s2] =	stream.indirect.scatter.add.f32 [tilespmem:s18], [sflag:$0x2], $0x80, s23, s25, $0xb8;
	[tilespmem:$0x1D760] =	vst v63  }
0x2d2: {  	_ =	swait.ge [sflag:s19], $0x4000  }
0x2d3: {  	[sflag:s19] =	ssyncset.done $0x0  }
0x2d4: {  	[sflag:s19] =	ssyncadd.s32 $0xFFFFC000  }
0x2d5: {  	[tilespmem:$0x6EE0] =	vst v3  }
0x2d6: {  	[tilespmem:$0x6EF0] =	vst v3  }
0x2d7: {  	[tilespmem:$0x6F00] =	vst v3  }
0x2d8: {  	[tilespmem:$0x6F10] =	vst v3  }
0x2d9: {  	[tilespmem:$0x6F20] =	vst v3  }
0x2da: {  	[tilespmem:$0x6F30] =	vst v3  }
0x2db: {  	[tilespmem:$0x6F40] =	vst v3  }
0x2dc: {  	[tilespmem:$0x6F50] =	vst v3  }
0x2dd: {  	[bflag:$0x0] =	sbarrier.arrive $0xFFFF  }
0x2de: {  	s0 =	rddreg [dreg:$0x6]  }
0x2df: {  	[hbm:s0], [sflag:s29] =	dma.local [spmem:s30], $0x2100  }
0x2e0: {  	_ =	swait.ge [sflag:s19], $0x2100  }
0x2e1: {  	s3 =	sadd.s32 $0x1, s3;
	s31 =	rddreg [dreg:$0x7]  }
0x2e2: {  	p0 =	sne.s32 s3, s31  }
.Ltmp27:
0x2e3: {  	_ = 	snop;
	(pc) =	sbr.rel @p0 .LBB2_1-.Ltmp27, $3  }
0x2e4: {  	[sflag:s19] =	ssyncset.done $0x0  }
0x2e5: {  	[sflag:s19] =	ssyncadd.s32 $0xFFFFDF00  }
0x2e6: {  	[bflag:$0x0] =	sbarrier.arrive $0xFFFF;
	_ =	sdelay $0x1  }
0x2e7: {  	_ =	sfence.sel $0x180000  }
0x2e8: {  	[bflag:$0x0] =	sbarrier.arrive $0xFFFF  }
0x2e9: {  	_ =	strace $0x90000047  }
0x2ea: {  	s0 =	stileid.u32;
	[bflag:$0x2] =	sbarrier.arrive $0xFFFF  }
0x2eb: {  	p0 =	sne.s32 s0, $0x0;
	s0 =	rddreg [dreg:$0x3]  }
0x2ec: {  	s0 =	sadd.s32 @!p0 $0x100000, s0  }
0x2ed: {  	[sflag:s0] =	ssyncadd.tile.s32 @!p0 $0x1;
	_ =	shalt  }
.Lfunc_end2:
_tile_overlayer_lowered:
.L_overlay_start_2:
0x2ee: {  	(tag) =	ssettag $0x2  }
0x2ef: {  	s0 =	rddreg [dreg:$0x0];
	s2 =	stileid.u32  }
0x2f0: {  	s1 =	rddreg [dreg:$0x1];
	p0 =	sne.s32 s2, $0x0  }
0x2f1: {  	s3 =	rddreg [dreg:$0x2];
	[bflag:$0x3] =	sbarrier.arrive $0xFFFF;
	s2 =	simm.s32 @!p0 $0x1C02  }
0x2f2: {  	[timem:s3], [sflag:s2] =	dma.local @!p0 [hbm:s0], s1  }
0x2f3: {  	s0 =	simm.s32 @!p0 $0x2  }
0x2f4: {  	_ =	swait.ge @!p0 [sflag:s0], s1  }
0x2f5: {  	s1 =	ssub.s32 @!p0 $0x0, s1;
	[sflag:s0] =	ssyncset.done @!p0 $0x0  }
0x2f6: {  	[sflag:s0] =	ssyncadd.s32 @!p0 s1  }
0x2f7: {  	[bflag:$0x3] =	sbarrier.arrive $0xFFFF  }
0x2f8: {  	_ =	shalt  }

</sc_bundles>
